<compile_context>
chip_gen: v7x
topology: tpu7x:2x2x1
jax: 0.10.2.dev20260603
libtpu: 0.0.44.dev20260713+nightly
codegen_flags: <defaults>
</compile_context>

<pallas_src>
import functools

import jax
import jax.numpy as jnp
from jax import lax
from jax.experimental import pallas as pl
from jax.experimental.pallas import tpu as pltpu
from jax.experimental.pallas import tpu_sc as plsc

N = 10000
E = 320000
D = 128

NC = 2
NS = 16
NW = NC * NS
EPW = E // NW
CHUNK = 80
NCHUNK = EPW // CHUNK
RPT = N // NS
N_PAD = 10240
RPT_PAD = N_PAD // NS

_sc_mesh = plsc.VectorSubcoreMesh(core_axis_name="c", subcore_axis_name="s")


@functools.partial(
    pl.kernel,
    out_type=jax.ShapeDtypeStruct((NC, N_PAD), jnp.float32),
    mesh=_sc_mesh,
    scratch_types=[
        pltpu.VMEM((NCHUNK, CHUNK), jnp.int32),
        pltpu.VMEM((CHUNK,), jnp.float32),
        pltpu.VMEM_SHARED((N_PAD,), jnp.float32),
        pltpu.SemaphoreType.DMA((8,)),
    ],
)
def _deg_kernel(dst3_hbm, zeros_hbm, out_hbm, idx_v, ones_v, acc_sh, ssem):
    c = lax.axis_index("c")
    s = lax.axis_index("s")
    wid = c * NS + s
    pltpu.sync_copy(dst3_hbm.at[wid], idx_v)
    for j in range(CHUNK // 16):
        ones_v[pl.ds(j * 16, 16)] = jnp.ones((16,), jnp.float32)
    pltpu.sync_copy(zeros_hbm.at[pl.ds(s * RPT_PAD, RPT_PAD)],
                    acc_sh.at[pl.ds(s * RPT_PAD, RPT_PAD)])
    plsc.subcore_barrier()

    def start_sc(i):
        pltpu.async_copy(ones_v, acc_sh.at[idx_v.at[i]],
                         ssem.at[lax.rem(i, 8)], add=True)

    def wait_sc(i):
        pltpu.make_async_copy(ones_v, acc_sh.at[idx_v.at[i]],
                              ssem.at[lax.rem(i, 8)]).wait()

    def body(i, carry):
        @pl.when(i >= 8)
        def _():
            wait_sc(i - 8)

        start_sc(i)
        return carry

    lax.fori_loop(0, NCHUNK, body, jnp.int32(0))

    def drain(i, carry):
        wait_sc(i)
        return carry

    lax.fori_loop(NCHUNK - 8, NCHUNK, drain, jnp.int32(0))
    plsc.subcore_barrier()
    pltpu.sync_copy(acc_sh.at[pl.ds(s * RPT_PAD, RPT_PAD)],
                    out_hbm.at[c, pl.ds(s * RPT_PAD, RPT_PAD)])


ACH = 50
ANC = EPW // ACH
WCH = 10
NWIN = ANC // WCH
NBUF = 5


@functools.partial(
    pl.kernel,
    out_type=jax.ShapeDtypeStruct((NC, N_PAD, D), jnp.float32),
    mesh=_sc_mesh,
    scratch_types=[
        pltpu.VMEM((2, WCH, ACH), jnp.int32),
        pltpu.VMEM((2, WCH, ACH), jnp.int32),
        pltpu.VMEM((NBUF, ACH, D), jnp.float32),
        pltpu.VMEM_SHARED((N_PAD, D), jnp.float32),
        pltpu.SemaphoreType.DMA((NBUF,)),
        pltpu.SemaphoreType.DMA((NBUF,)),
        pltpu.SemaphoreType.DMA((2,)),
    ],
)
def _agg_kernel(g_hbm, src4_hbm, dst4_hbm, zeros_hbm, out_hbm,
                sidx_v, didx_v, rows_v, acc_sh, gsem, ssem, wsem):
    c = lax.axis_index("c")
    s = lax.axis_index("s")
    wid = c * NS + s

    def load_win(w, wb):
        pltpu.async_copy(src4_hbm.at[wid, w], sidx_v.at[wb], wsem.at[0])
        pltpu.async_copy(dst4_hbm.at[wid, w], didx_v.at[wb], wsem.at[1])

    def wait_win(w, wb):
        pltpu.make_async_copy(src4_hbm.at[wid, w], sidx_v.at[wb],
                              wsem.at[0]).wait()
        pltpu.make_async_copy(dst4_hbm.at[wid, w], didx_v.at[wb],
                              wsem.at[1]).wait()

    def _wk(i):
        return lax.rem(lax.div(i, WCH), 2), lax.rem(i, WCH)

    def start_gather(i):
        wb, k = _wk(i)
        b = lax.rem(i, NBUF)
        pltpu.async_copy(g_hbm.at[sidx_v.at[wb, k]], rows_v.at[b],
                         gsem.at[b])

    def wait_gather(i):
        wb, k = _wk(i)
        b = lax.rem(i, NBUF)
        pltpu.make_async_copy(g_hbm.at[sidx_v.at[wb, k]], rows_v.at[b],
                              gsem.at[b]).wait()

    def start_scatter(i):
        wb, k = _wk(i)
        b = lax.rem(i, NBUF)
        pltpu.async_copy(rows_v.at[b], acc_sh.at[didx_v.at[wb, k]],
                         ssem.at[b], add=True)

    def wait_scatter(i):
        wb, k = _wk(i)
        b = lax.rem(i, NBUF)
        pltpu.make_async_copy(rows_v.at[b], acc_sh.at[didx_v.at[wb, k]],
                              ssem.at[b]).wait()

    load_win(0, 0)
    pltpu.sync_copy(zeros_hbm.at[pl.ds(s * RPT_PAD, RPT_PAD)],
                    acc_sh.at[pl.ds(s * RPT_PAD, RPT_PAD)])
    plsc.subcore_barrier()
    wait_win(0, 0)
    load_win(1, 1)
    for jj in range(NBUF - 1):
        start_gather(jnp.int32(jj))

    def body(i, carry):
        wait_gather(i)
        start_scatter(i)

        @pl.when(i >= 1)
        def _():
            wait_scatter(i - 1)

        @pl.when(jnp.logical_and(i >= 1, lax.rem(i, WCH) == 0))
        def _():
            w = lax.div(i, WCH)

            @pl.when(w + 1 < NWIN)
            def _():
                load_win(w + 1, lax.rem(w + 1, 2))

        j = i + NBUF - 1

        @pl.when(j < ANC)
        def _():
            @pl.when(lax.rem(j, WCH) == 0)
            def _():
                wj = lax.div(j, WCH)
                wait_win(wj, lax.rem(wj, 2))

            start_gather(j)

        return carry

    lax.fori_loop(0, ANC, body, jnp.int32(0))
    wait_scatter(jnp.int32(ANC - 1))
    plsc.subcore_barrier()
    pltpu.sync_copy(acc_sh.at[pl.ds(s * RPT_PAD, RPT_PAD)],
                    out_hbm.at[c, pl.ds(s * RPT_PAD, RPT_PAD)])


_RB = 1000
_GRID = N // _RB


def _mm_scale_body(dis_ref, h_ref, w_ref, o_ref):
    o_ref[...] = dis_ref[...] * jnp.dot(h_ref[...], w_ref[...],
                                        preferred_element_type=jnp.float32)


_mm_scale = pl.pallas_call(
    _mm_scale_body,
    grid=(_GRID,),
    in_specs=[
        pl.BlockSpec((_RB, 1), lambda i: (i, 0)),
        pl.BlockSpec((_RB, D), lambda i: (i, 0)),
        pl.BlockSpec((D, D), lambda i: (0, 0)),
    ],
    out_specs=pl.BlockSpec((_RB, D), lambda i: (i, 0)),
    out_shape=jax.ShapeDtypeStruct((N, D), jnp.float32),
)


def _post_mm_body(p_ref, g_ref, dis_ref, b_ref, w_ref, o_ref):
    h = dis_ref[...] * (p_ref[0] + p_ref[1] + g_ref[...]) + b_ref[...]
    h = jnp.maximum(h, 0.0)
    o_ref[...] = dis_ref[...] * jnp.dot(h, w_ref[...],
                                        preferred_element_type=jnp.float32)


_post_mm = pl.pallas_call(
    _post_mm_body,
    grid=(_GRID,),
    in_specs=[
        pl.BlockSpec((NC, _RB, D), lambda i: (0, i, 0)),
        pl.BlockSpec((_RB, D), lambda i: (i, 0)),
        pl.BlockSpec((_RB, 1), lambda i: (i, 0)),
        pl.BlockSpec((1, D), lambda i: (0, 0)),
        pl.BlockSpec((D, D), lambda i: (0, 0)),
    ],
    out_specs=pl.BlockSpec((_RB, D), lambda i: (i, 0)),
    out_shape=jax.ShapeDtypeStruct((N, D), jnp.float32),
)


def _final_body(p_ref, g_ref, dis_ref, b_ref, x_ref, o_ref):
    o_ref[...] = (dis_ref[...] * (p_ref[0] + p_ref[1] + g_ref[...])
                  + b_ref[...] + x_ref[...])


_final = pl.pallas_call(
    _final_body,
    grid=(_GRID,),
    in_specs=[
        pl.BlockSpec((NC, _RB, D), lambda i: (0, i, 0)),
        pl.BlockSpec((_RB, D), lambda i: (i, 0)),
        pl.BlockSpec((_RB, 1), lambda i: (i, 0)),
        pl.BlockSpec((1, D), lambda i: (0, 0)),
        pl.BlockSpec((_RB, D), lambda i: (i, 0)),
    ],
    out_specs=pl.BlockSpec((_RB, D), lambda i: (i, 0)),
    out_shape=jax.ShapeDtypeStruct((N, D), jnp.float32),
)


def kernel(x, edge_index, W1, b1, W2, b2, W3, b3):
    dst3 = edge_index[1].reshape(NW, NCHUNK, CHUNK)
    src4 = edge_index[0].reshape(NW, NWIN, WCH, ACH)
    dst4 = edge_index[1].reshape(NW, NWIN, WCH, ACH)
    zeros1 = jnp.zeros((N_PAD,), jnp.float32)
    zeros2 = jnp.zeros((N_PAD, D), jnp.float32)

    degp = _deg_kernel(dst3, zeros1)
    dis = lax.rsqrt(degp[0, :N] + degp[1, :N] + 1.0).reshape(N, 1)

    g = _mm_scale(dis, x, W1)
    p = _agg_kernel(g, src4, dst4, zeros2)
    g = _post_mm(p, g, dis, b1.reshape(1, D), W2)
    p = _agg_kernel(g, src4, dst4, zeros2)
    g = _post_mm(p, g, dis, b2.reshape(1, D), W3)
    p = _agg_kernel(g, src4, dst4, zeros2)
    return _final(p, g, dis, b3.reshape(1, D), x)

# --- scband reference (transcript-rebuilt; emitter-appended) ---
"""Pipeline reference for scband-gnn-block-51951924412956 (READ-ONLY COPY).

The authoritative reference and input builder live on the scoring server;
editing this copy changes nothing except your own understanding.
"""

import jax, jax.numpy as jnp
import numpy as np

N = 10000
E = 320000
D = 128


def setup_inputs(seed: int = 0) -> dict:
    key = jax.random.key(seed)
    ks = jax.random.split(key, 8)
    x = jax.random.normal(ks[0], (N, D), dtype=jnp.float32)
    edge_index = jax.random.randint(ks[1], (2, E), 0, N, dtype=jnp.int32)
    s = 1.0 / np.sqrt(D)
    W1 = jax.random.normal(ks[2], (D, D), dtype=jnp.float32) * s
    b1 = jnp.zeros((D,), dtype=jnp.float32)
    W2 = jax.random.normal(ks[3], (D, D), dtype=jnp.float32) * s
    b2 = jnp.zeros((D,), dtype=jnp.float32)
    W3 = jax.random.normal(ks[4], (D, D), dtype=jnp.float32) * s
    b3 = jnp.zeros((D,), dtype=jnp.float32)
    return {"x": x, "edge_index": edge_index, "W1": W1, "b1": b1, "W2": W2, "b2": b2, "W3": W3, "b3": b3}


def _gcn_conv(x, edge_index, W, b):
    # Faithful PyG GCNConv: add self-loops, symmetric normalization,
    # linear transform, scatter-add aggregation, bias after aggregation.
    src = edge_index[0]
    dst = edge_index[1]
    loop = jnp.arange(N, dtype=src.dtype)
    src = jnp.concatenate([src, loop])
    dst = jnp.concatenate([dst, loop])
    deg = jnp.zeros((N,), dtype=jnp.float32).at[dst].add(1.0)
    deg_inv_sqrt = jnp.where(deg > 0, 1.0 / jnp.sqrt(deg), 0.0)
    norm = deg_inv_sqrt[src] * deg_inv_sqrt[dst]
    h = x @ W
    msg = h[src] * norm[:, None]
    out = jnp.zeros((N, h.shape[1]), dtype=jnp.float32).at[dst].add(msg)
    return out + b


def reference(x, edge_index, W1, b1, W2, b2, W3, b3):
    z = x
    h = _gcn_conv(x, edge_index, W1, b1)
    h = jax.nn.relu(h)
    # dropout p=0.0 -> identity
    h = _gcn_conv(h, edge_index, W2, b2)
    h = jax.nn.relu(h)
    h = _gcn_conv(h, edge_index, W3, b3)
    # residual: input_dim == output_dim
    return h + z

if __name__ == "__main__":
    import jax
    _d = setup_inputs()
    print(jax.jit(kernel)(*tuple(_d.values())))

</pallas_src>

<mosaic_0001>
#map = affine_map<(d0, d1) -> (0, 0)>
#map1 = affine_map<(d0, d1) -> (0, 0, 0, 0)>
#map2 = affine_map<(d0, d1) -> (0, 0, 0)>
module attributes {stable_mosaic.version = 14 : i64} {
  func.func @_agg_kernel(%arg0: i32, %arg1: i32, %arg2: memref<10000x128xf32, #tpu.memory_space<hbm>>, %arg3: memref<32x20x10x50xi32, #tpu.memory_space<hbm>>, %arg4: memref<32x20x10x50xi32, #tpu.memory_space<hbm>>, %arg5: memref<10240x128xf32, #tpu.memory_space<hbm>>, %arg6: memref<2x10240x128xf32, #tpu.memory_space<hbm>>, %arg7: memref<2x10x50xi32, #tpu.memory_space<vmem>>, %arg8: memref<2x10x50xi32, #tpu.memory_space<vmem>>, %arg9: memref<5x50x128xf32, #tpu.memory_space<vmem>>, %arg10: memref<10240x128xf32, #tpu.memory_space<vmem_shared>>, %arg11: memref<5x!tpu.dma_semaphore, #tpu.memory_space<semaphore_mem>>, %arg12: memref<5x!tpu.dma_semaphore, #tpu.memory_space<semaphore_mem>>, %arg13: memref<2x!tpu.dma_semaphore, #tpu.memory_space<semaphore_mem>>) attributes {dimension_semantics = [#tpu.dimension_semantics<core_parallel>, #tpu.dimension_semantics<subcore_parallel>], iteration_bounds = array<i64: 2, 16>, scalar_prefetch = 0 : i64, scratch_operands = 7 : i64, tpu.core_type = #tpu.core_type<sc_vector_subcore>, window_params = [{transform_indices = #map}, {transform_indices = #map1}, {transform_indices = #map1}, {transform_indices = #map}, {transform_indices = #map2}]} {
    %mul3A = arith.constant 16 : i32
    %mul3A_0 = arith.muli %arg0, %mul3A : i32
    %add3A = arith.addi %mul3A_0, %arg1 : i32
    %dma_start3A = arith.constant 0 : i32
    %dma_start3A_1 = arith.constant 0 : i32
    %dma_start3A_2 = arith.constant 0 : i32
    %dma_start3A_3 = arith.constant 0 : i32
    %dma_start3A_4 = arith.constant 0 : i32
    %dma_start3A_5 = tpu.memref_slice %arg7[%dma_start3A_1, %dma_start3A_3, %dma_start3A_4] : memref<2x10x50xi32, #tpu.memory_space<vmem>> -> memref<1x10x50xi32, #tpu.memory_space<vmem>>
    %dma_start3A_6 = tpu.memref_squeeze %dma_start3A_5 : memref<1x10x50xi32, #tpu.memory_space<vmem>> -> memref<10x50xi32, #tpu.memory_space<vmem>>
    %dma_start3A_7 = arith.constant 0 : i32
    %dma_start3A_8 = arith.constant 0 : i32
    %dma_start3A_9 = tpu.memref_slice %arg3[%add3A, %dma_start3A, %dma_start3A_7, %dma_start3A_8] : memref<32x20x10x50xi32, #tpu.memory_space<hbm>> -> memref<1x1x10x50xi32, #tpu.memory_space<hbm>>
    %dma_start3A_10 = tpu.memref_squeeze %dma_start3A_9 : memref<1x1x10x50xi32, #tpu.memory_space<hbm>> -> memref<10x50xi32, #tpu.memory_space<hbm>>
    %dma_start3A_11 = tpu.memref_slice %arg13[%dma_start3A_2] : memref<2x!tpu.dma_semaphore, #tpu.memory_space<semaphore_mem>> -> memref<1x!tpu.dma_semaphore, #tpu.memory_space<semaphore_mem>>
    %dma_start3A_12 = tpu.memref_squeeze %dma_start3A_11 : memref<1x!tpu.dma_semaphore, #tpu.memory_space<semaphore_mem>> -> memref<!tpu.dma_semaphore, #tpu.memory_space<semaphore_mem>>
    %dma_start3A_13 = arith.constant 0 : i32
    %dma_start3A_14 = arith.constant 0 : i32
    %dma_start3A_15 = tpu.memref_slice %arg7[%dma_start3A_1, %dma_start3A_13, %dma_start3A_14] : memref<2x10x50xi32, #tpu.memory_space<vmem>> -> memref<1x10x50xi32, #tpu.memory_space<vmem>>
    %dma_start3A_16 = tpu.memref_squeeze %dma_start3A_15 : memref<1x10x50xi32, #tpu.memory_space<vmem>> -> memref<10x50xi32, #tpu.memory_space<vmem>>
    %dma_start3A_17 = arith.constant 0 : i32
    %dma_start3A_18 = arith.constant 0 : i32
    %dma_start3A_19 = tpu.memref_slice %arg3[%add3A, %dma_start3A, %dma_start3A_17, %dma_start3A_18] : memref<32x20x10x50xi32, #tpu.memory_space<hbm>> -> memref<1x1x10x50xi32, #tpu.memory_space<hbm>>
    %dma_start3A_20 = tpu.memref_squeeze %dma_start3A_19 : memref<1x1x10x50xi32, #tpu.memory_space<hbm>> -> memref<10x50xi32, #tpu.memory_space<hbm>>
    tpu.enqueue_dma source(%dma_start3A_20 : memref<10x50xi32, #tpu.memory_space<hbm>>) target(%dma_start3A_16 : memref<10x50xi32, #tpu.memory_space<vmem>>) target_semaphore(%dma_start3A_12 : memref<!tpu.dma_semaphore, #tpu.memory_space<semaphore_mem>>)
    %dma_start3A_21 = arith.constant 0 : i32
    %dma_start3A_22 = arith.constant 0 : i32
    %dma_start3A_23 = arith.constant 1 : i32
    %dma_start3A_24 = arith.constant 0 : i32
    %dma_start3A_25 = arith.constant 0 : i32
    %dma_start3A_26 = tpu.memref_slice %arg8[%dma_start3A_22, %dma_start3A_24, %dma_start3A_25] : memref<2x10x50xi32, #tpu.memory_space<vmem>> -> memref<1x10x50xi32, #tpu.memory_space<vmem>>
    %dma_start3A_27 = tpu.memref_squeeze %dma_start3A_26 : memref<1x10x50xi32, #tpu.memory_space<vmem>> -> memref<10x50xi32, #tpu.memory_space<vmem>>
    %dma_start3A_28 = arith.constant 0 : i32
    %dma_start3A_29 = arith.constant 0 : i32
    %dma_start3A_30 = tpu.memref_slice %arg4[%add3A, %dma_start3A_21, %dma_start3A_28, %dma_start3A_29] : memref<32x20x10x50xi32, #tpu.memory_space<hbm>> -> memref<1x1x10x50xi32, #tpu.memory_space<hbm>>
    %dma_start3A_31 = tpu.memref_squeeze %dma_start3A_30 : memref<1x1x10x50xi32, #tpu.memory_space<hbm>> -> memref<10x50xi32, #tpu.memory_space<hbm>>
    %dma_start3A_32 = tpu.memref_slice %arg13[%dma_start3A_23] : memref<2x!tpu.dma_semaphore, #tpu.memory_space<semaphore_mem>> -> memref<1x!tpu.dma_semaphore, #tpu.memory_space<semaphore_mem>>
    %dma_start3A_33 = tpu.memref_squeeze %dma_start3A_32 : memref<1x!tpu.dma_semaphore, #tpu.memory_space<semaphore_mem>> -> memref<!tpu.dma_semaphore, #tpu.memory_space<semaphore_mem>>
    %dma_start3A_34 = arith.constant 0 : i32
    %dma_start3A_35 = arith.constant 0 : i32
    %dma_start3A_36 = tpu.memref_slice %arg8[%dma_start3A_22, %dma_start3A_34, %dma_start3A_35] : memref<2x10x50xi32, #tpu.memory_space<vmem>> -> memref<1x10x50xi32, #tpu.memory_space<vmem>>
    %dma_start3A_37 = tpu.memref_squeeze %dma_start3A_36 : memref<1x10x50xi32, #tpu.memory_space<vmem>> -> memref<10x50xi32, #tpu.memory_space<vmem>>
    %dma_start3A_38 = arith.constant 0 : i32
    %dma_start3A_39 = arith.constant 0 : i32
    %dma_start3A_40 = tpu.memref_slice %arg4[%add3A, %dma_start3A_21, %dma_start3A_38, %dma_start3A_39] : memref<32x20x10x50xi32, #tpu.memory_space<hbm>> -> memref<1x1x10x50xi32, #tpu.memory_space<hbm>>
    %dma_start3A_41 = tpu.memref_squeeze %dma_start3A_40 : memref<1x1x10x50xi32, #tpu.memory_space<hbm>> -> memref<10x50xi32, #tpu.memory_space<hbm>>
    tpu.enqueue_dma source(%dma_start3A_41 : memref<10x50xi32, #tpu.memory_space<hbm>>) target(%dma_start3A_37 : memref<10x50xi32, #tpu.memory_space<vmem>>) target_semaphore(%dma_start3A_33 : memref<!tpu.dma_semaphore, #tpu.memory_space<semaphore_mem>>)
    %mul3A_42 = arith.constant 640 : i32
    %mul3A_43 = arith.muli %arg1, %mul3A_42 : i32
    %mul3A_44 = arith.constant 640 : i32
    %mul3A_45 = arith.muli %arg1, %mul3A_44 : i32
    "tpu.region"() ({
      %run_scoped3A = tpu.sem_alloc : memref<!tpu.dma_semaphore, #tpu.memory_space<semaphore_mem>>
      %dma_start3A_252 = arith.constant 0 : i32
      %dma_start3A_253 = tpu.memref_slice %arg10[%mul3A_45, %dma_start3A_252] : memref<10240x128xf32, #tpu.memory_space<vmem_shared>> -> memref<640x128xf32, #tpu.memory_space<vmem_shared>>
      %dma_start3A_254 = arith.constant 0 : i32
      %dma_start3A_255 = tpu.memref_slice %arg5[%mul3A_43, %dma_start3A_254] : memref<10240x128xf32, #tpu.memory_space<hbm>> -> memref<640x128xf32, #tpu.memory_space<hbm>>
      tpu.enqueue_dma source(%dma_start3A_255 : memref<640x128xf32, #tpu.memory_space<hbm>>) target(%dma_start3A_253 : memref<640x128xf32, #tpu.memory_space<vmem_shared>>) target_semaphore(%run_scoped3A : memref<!tpu.dma_semaphore, #tpu.memory_space<semaphore_mem>>)
      %dma_wait3A_256 = arith.constant 0 : i32
      %dma_wait3A_257 = tpu.memref_slice %arg10[%mul3A_45, %dma_wait3A_256] : memref<10240x128xf32, #tpu.memory_space<vmem_shared>> -> memref<640x128xf32, #tpu.memory_space<vmem_shared>>
      %dma_wait3A_258 = arith.constant 0 : i32
      %dma_wait3A_259 = tpu.memref_slice %arg5[%mul3A_43, %dma_wait3A_258] : memref<10240x128xf32, #tpu.memory_space<hbm>> -> memref<640x128xf32, #tpu.memory_space<hbm>>
      tpu.wait_dma2 semaphore(%run_scoped3A : memref<!tpu.dma_semaphore, #tpu.memory_space<semaphore_mem>>) src(%dma_wait3A_259 : memref<640x128xf32, #tpu.memory_space<hbm>>) dst(%dma_wait3A_257 : memref<640x128xf32, #tpu.memory_space<vmem_shared>>)
      tpu.yield
    }) : () -> ()
    %barrier3A = arith.constant 0 : index
    tpu.barrier barrier_id(%barrier3A)
    %dma_wait3A = arith.constant 0 : i32
    %dma_wait3A_46 = arith.constant 0 : i32
    %dma_wait3A_47 = arith.constant 0 : i32
    %dma_wait3A_48 = arith.constant 0 : i32
    %dma_wait3A_49 = arith.constant 0 : i32
    %dma_wait3A_50 = tpu.memref_slice %arg7[%dma_wait3A_46, %dma_wait3A_48, %dma_wait3A_49] : memref<2x10x50xi32, #tpu.memory_space<vmem>> -> memref<1x10x50xi32, #tpu.memory_space<vmem>>
    %dma_wait3A_51 = tpu.memref_squeeze %dma_wait3A_50 : memref<1x10x50xi32, #tpu.memory_space<vmem>> -> memref<10x50xi32, #tpu.memory_space<vmem>>
    %dma_wait3A_52 = arith.constant 0 : i32
    %dma_wait3A_53 = arith.constant 0 : i32
    %dma_wait3A_54 = tpu.memref_slice %arg3[%add3A, %dma_wait3A, %dma_wait3A_52, %dma_wait3A_53] : memref<32x20x10x50xi32, #tpu.memory_space<hbm>> -> memref<1x1x10x50xi32, #tpu.memory_space<hbm>>
    %dma_wait3A_55 = tpu.memref_squeeze %dma_wait3A_54 : memref<1x1x10x50xi32, #tpu.memory_space<hbm>> -> memref<10x50xi32, #tpu.memory_space<hbm>>
    %dma_wait3A_56 = tpu.memref_slice %arg13[%dma_wait3A_47] : memref<2x!tpu.dma_semaphore, #tpu.memory_space<semaphore_mem>> -> memref<1x!tpu.dma_semaphore, #tpu.memory_space<semaphore_mem>>
    %dma_wait3A_57 = tpu.memref_squeeze %dma_wait3A_56 : memref<1x!tpu.dma_semaphore, #tpu.memory_space<semaphore_mem>> -> memref<!tpu.dma_semaphore, #tpu.memory_space<semaphore_mem>>
    %dma_wait3A_58 = arith.constant 0 : i32
    %dma_wait3A_59 = arith.constant 0 : i32
    %dma_wait3A_60 = tpu.memref_slice %arg7[%dma_wait3A_46, %dma_wait3A_58, %dma_wait3A_59] : memref<2x10x50xi32, #tpu.memory_space<vmem>> -> memref<1x10x50xi32, #tpu.memory_space<vmem>>
    %dma_wait3A_61 = tpu.memref_squeeze %dma_wait3A_60 : memref<1x10x50xi32, #tpu.memory_space<vmem>> -> memref<10x50xi32, #tpu.memory_space<vmem>>
    %dma_wait3A_62 = arith.constant 0 : i32
    %dma_wait3A_63 = arith.constant 0 : i32
    %dma_wait3A_64 = tpu.memref_slice %arg3[%add3A, %dma_wait3A, %dma_wait3A_62, %dma_wait3A_63] : memref<32x20x10x50xi32, #tpu.memory_space<hbm>> -> memref<1x1x10x50xi32, #tpu.memory_space<hbm>>
    %dma_wait3A_65 = tpu.memref_squeeze %dma_wait3A_64 : memref<1x1x10x50xi32, #tpu.memory_space<hbm>> -> memref<10x50xi32, #tpu.memory_space<hbm>>
    tpu.wait_dma2 semaphore(%dma_wait3A_57 : memref<!tpu.dma_semaphore, #tpu.memory_space<semaphore_mem>>) src(%dma_wait3A_65 : memref<10x50xi32, #tpu.memory_space<hbm>>) dst(%dma_wait3A_61 : memref<10x50xi32, #tpu.memory_space<vmem>>)
    %dma_wait3A_66 = arith.constant 0 : i32
    %dma_wait3A_67 = arith.constant 0 : i32
    %dma_wait3A_68 = arith.constant 1 : i32
    %dma_wait3A_69 = arith.constant 0 : i32
    %dma_wait3A_70 = arith.constant 0 : i32
    %dma_wait3A_71 = tpu.memref_slice %arg8[%dma_wait3A_67, %dma_wait3A_69, %dma_wait3A_70] : memref<2x10x50xi32, #tpu.memory_space<vmem>> -> memref<1x10x50xi32, #tpu.memory_space<vmem>>
    %dma_wait3A_72 = tpu.memref_squeeze %dma_wait3A_71 : memref<1x10x50xi32, #tpu.memory_space<vmem>> -> memref<10x50xi32, #tpu.memory_space<vmem>>
    %dma_wait3A_73 = arith.constant 0 : i32
    %dma_wait3A_74 = arith.constant 0 : i32
    %dma_wait3A_75 = tpu.memref_slice %arg4[%add3A, %dma_wait3A_66, %dma_wait3A_73, %dma_wait3A_74] : memref<32x20x10x50xi32, #tpu.memory_space<hbm>> -> memref<1x1x10x50xi32, #tpu.memory_space<hbm>>
    %dma_wait3A_76 = tpu.memref_squeeze %dma_wait3A_75 : memref<1x1x10x50xi32, #tpu.memory_space<hbm>> -> memref<10x50xi32, #tpu.memory_space<hbm>>
    %dma_wait3A_77 = tpu.memref_slice %arg13[%dma_wait3A_68] : memref<2x!tpu.dma_semaphore, #tpu.memory_space<semaphore_mem>> -> memref<1x!tpu.dma_semaphore, #tpu.memory_space<semaphore_mem>>
    %dma_wait3A_78 = tpu.memref_squeeze %dma_wait3A_77 : memref<1x!tpu.dma_semaphore, #tpu.memory_space<semaphore_mem>> -> memref<!tpu.dma_semaphore, #tpu.memory_space<semaphore_mem>>
    %dma_wait3A_79 = arith.constant 0 : i32
    %dma_wait3A_80 = arith.constant 0 : i32
    %dma_wait3A_81 = tpu.memref_slice %arg8[%dma_wait3A_67, %dma_wait3A_79, %dma_wait3A_80] : memref<2x10x50xi32, #tpu.memory_space<vmem>> -> memref<1x10x50xi32, #tpu.memory_space<vmem>>
    %dma_wait3A_82 = tpu.memref_squeeze %dma_wait3A_81 : memref<1x10x50xi32, #tpu.memory_space<vmem>> -> memref<10x50xi32, #tpu.memory_space<vmem>>
    %dma_wait3A_83 = arith.constant 0 : i32
    %dma_wait3A_84 = arith.constant 0 : i32
    %dma_wait3A_85 = tpu.memref_slice %arg4[%add3A, %dma_wait3A_66, %dma_wait3A_83, %dma_wait3A_84] : memref<32x20x10x50xi32, #tpu.memory_space<hbm>> -> memref<1x1x10x50xi32, #tpu.memory_space<hbm>>
    %dma_wait3A_86 = tpu.memref_squeeze %dma_wait3A_85 : memref<1x1x10x50xi32, #tpu.memory_space<hbm>> -> memref<10x50xi32, #tpu.memory_space<hbm>>
    tpu.wait_dma2 semaphore(%dma_wait3A_78 : memref<!tpu.dma_semaphore, #tpu.memory_space<semaphore_mem>>) src(%dma_wait3A_86 : memref<10x50xi32, #tpu.memory_space<hbm>>) dst(%dma_wait3A_82 : memref<10x50xi32, #tpu.memory_space<vmem>>)
    %dma_start3A_87 = arith.constant 1 : i32
    %dma_start3A_88 = arith.constant 1 : i32
    %dma_start3A_89 = arith.constant 0 : i32
    %dma_start3A_90 = arith.constant 0 : i32
    %dma_start3A_91 = arith.constant 0 : i32
    %dma_start3A_92 = tpu.memref_slice %arg7[%dma_start3A_88, %dma_start3A_90, %dma_start3A_91] : memref<2x10x50xi32, #tpu.memory_space<vmem>> -> memref<1x10x50xi32, #tpu.memory_space<vmem>>
    %dma_start3A_93 = tpu.memref_squeeze %dma_start3A_92 : memref<1x10x50xi32, #tpu.memory_space<vmem>> -> memref<10x50xi32, #tpu.memory_space<vmem>>
    %dma_start3A_94 = arith.constant 0 : i32
    %dma_start3A_95 = arith.constant 0 : i32
    %dma_start3A_96 = tpu.memref_slice %arg3[%add3A, %dma_start3A_87, %dma_start3A_94, %dma_start3A_95] : memref<32x20x10x50xi32, #tpu.memory_space<hbm>> -> memref<1x1x10x50xi32, #tpu.memory_space<hbm>>
    %dma_start3A_97 = tpu.memref_squeeze %dma_start3A_96 : memref<1x1x10x50xi32, #tpu.memory_space<hbm>> -> memref<10x50xi32, #tpu.memory_space<hbm>>
    %dma_start3A_98 = tpu.memref_slice %arg13[%dma_start3A_89] : memref<2x!tpu.dma_semaphore, #tpu.memory_space<semaphore_mem>> -> memref<1x!tpu.dma_semaphore, #tpu.memory_space<semaphore_mem>>
    %dma_start3A_99 = tpu.memref_squeeze %dma_start3A_98 : memref<1x!tpu.dma_semaphore, #tpu.memory_space<semaphore_mem>> -> memref<!tpu.dma_semaphore, #tpu.memory_space<semaphore_mem>>
    %dma_start3A_100 = arith.constant 0 : i32
    %dma_start3A_101 = arith.constant 0 : i32
    %dma_start3A_102 = tpu.memref_slice %arg7[%dma_start3A_88, %dma_start3A_100, %dma_start3A_101] : memref<2x10x50xi32, #tpu.memory_space<vmem>> -> memref<1x10x50xi32, #tpu.memory_space<vmem>>
    %dma_start3A_103 = tpu.memref_squeeze %dma_start3A_102 : memref<1x10x50xi32, #tpu.memory_space<vmem>> -> memref<10x50xi32, #tpu.memory_space<vmem>>
    %dma_start3A_104 = arith.constant 0 : i32
    %dma_start3A_105 = arith.constant 0 : i32
    %dma_start3A_106 = tpu.memref_slice %arg3[%add3A, %dma_start3A_87, %dma_start3A_104, %dma_start3A_105] : memref<32x20x10x50xi32, #tpu.memory_space<hbm>> -> memref<1x1x10x50xi32, #tpu.memory_space<hbm>>
    %dma_start3A_107 = tpu.memref_squeeze %dma_start3A_106 : memref<1x1x10x50xi32, #tpu.memory_space<hbm>> -> memref<10x50xi32, #tpu.memory_space<hbm>>
    tpu.enqueue_dma source(%dma_start3A_107 : memref<10x50xi32, #tpu.memory_space<hbm>>) target(%dma_start3A_103 : memref<10x50xi32, #tpu.memory_space<vmem>>) target_semaphore(%dma_start3A_99 : memref<!tpu.dma_semaphore, #tpu.memory_space<semaphore_mem>>)
    %dma_start3A_108 = arith.constant 1 : i32
    %dma_start3A_109 = arith.constant 1 : i32
    %dma_start3A_110 = arith.constant 1 : i32
    %dma_start3A_111 = arith.constant 0 : i32
    %dma_start3A_112 = arith.constant 0 : i32
    %dma_start3A_113 = tpu.memref_slice %arg8[%dma_start3A_109, %dma_start3A_111, %dma_start3A_112] : memref<2x10x50xi32, #tpu.memory_space<vmem>> -> memref<1x10x50xi32, #tpu.memory_space<vmem>>
    %dma_start3A_114 = tpu.memref_squeeze %dma_start3A_113 : memref<1x10x50xi32, #tpu.memory_space<vmem>> -> memref<10x50xi32, #tpu.memory_space<vmem>>
    %dma_start3A_115 = arith.constant 0 : i32
    %dma_start3A_116 = arith.constant 0 : i32
    %dma_start3A_117 = tpu.memref_slice %arg4[%add3A, %dma_start3A_108, %dma_start3A_115, %dma_start3A_116] : memref<32x20x10x50xi32, #tpu.memory_space<hbm>> -> memref<1x1x10x50xi32, #tpu.memory_space<hbm>>
    %dma_start3A_118 = tpu.memref_squeeze %dma_start3A_117 : memref<1x1x10x50xi32, #tpu.memory_space<hbm>> -> memref<10x50xi32, #tpu.memory_space<hbm>>
    %dma_start3A_119 = tpu.memref_slice %arg13[%dma_start3A_110] : memref<2x!tpu.dma_semaphore, #tpu.memory_space<semaphore_mem>> -> memref<1x!tpu.dma_semaphore, #tpu.memory_space<semaphore_mem>>
    %dma_start3A_120 = tpu.memref_squeeze %dma_start3A_119 : memref<1x!tpu.dma_semaphore, #tpu.memory_space<semaphore_mem>> -> memref<!tpu.dma_semaphore, #tpu.memory_space<semaphore_mem>>
    %dma_start3A_121 = arith.constant 0 : i32
    %dma_start3A_122 = arith.constant 0 : i32
    %dma_start3A_123 = tpu.memref_slice %arg8[%dma_start3A_109, %dma_start3A_121, %dma_start3A_122] : memref<2x10x50xi32, #tpu.memory_space<vmem>> -> memref<1x10x50xi32, #tpu.memory_space<vmem>>
    %dma_start3A_124 = tpu.memref_squeeze %dma_start3A_123 : memref<1x10x50xi32, #tpu.memory_space<vmem>> -> memref<10x50xi32, #tpu.memory_space<vmem>>
    %dma_start3A_125 = arith.constant 0 : i32
    %dma_start3A_126 = arith.constant 0 : i32
    %dma_start3A_127 = tpu.memref_slice %arg4[%add3A, %dma_start3A_108, %dma_start3A_125, %dma_start3A_126] : memref<32x20x10x50xi32, #tpu.memory_space<hbm>> -> memref<1x1x10x50xi32, #tpu.memory_space<hbm>>
    %dma_start3A_128 = tpu.memref_squeeze %dma_start3A_127 : memref<1x1x10x50xi32, #tpu.memory_space<hbm>> -> memref<10x50xi32, #tpu.memory_space<hbm>>
    tpu.enqueue_dma source(%dma_start3A_128 : memref<10x50xi32, #tpu.memory_space<hbm>>) target(%dma_start3A_124 : memref<10x50xi32, #tpu.memory_space<vmem>>) target_semaphore(%dma_start3A_120 : memref<!tpu.dma_semaphore, #tpu.memory_space<semaphore_mem>>)
    %div3A = arith.constant 0 : i32
    %div3A_129 = arith.constant 10 : i32
    %div3A_130 = arith.divsi %div3A, %div3A_129 : i32
    %rem3A = arith.constant 2 : i32
    %rem3A_131 = arith.remsi %div3A_130, %rem3A : i32
    %rem3A_132 = arith.constant 0 : i32
    %rem3A_133 = arith.constant 10 : i32
    %rem3A_134 = arith.remsi %rem3A_132, %rem3A_133 : i32
    %rem3A_135 = arith.constant 0 : i32
    %rem3A_136 = arith.constant 5 : i32
    %rem3A_137 = arith.remsi %rem3A_135, %rem3A_136 : i32
    %dma_start3A_138 = arith.constant 0 : i32
    %dma_start3A_139 = arith.constant 0 : i32
    %dma_start3A_140 = tpu.memref_slice %arg9[%rem3A_137, %dma_start3A_138, %dma_start3A_139] : memref<5x50x128xf32, #tpu.memory_space<vmem>> -> memref<1x50x128xf32, #tpu.memory_space<vmem>>
    %dma_start3A_141 = tpu.memref_squeeze %dma_start3A_140 : memref<1x50x128xf32, #tpu.memory_space<vmem>> -> memref<50x128xf32, #tpu.memory_space<vmem>>
    %dma_start3A_142 = arith.constant 0 : i32
    %dma_start3A_143 = tpu.memref_slice %arg7[%rem3A_131, %rem3A_134, %dma_start3A_142] : memref<2x10x50xi32, #tpu.memory_space<vmem>> -> memref<1x1x50xi32, #tpu.memory_space<vmem>>
    %dma_start3A_144 = tpu.memref_squeeze %dma_start3A_143 : memref<1x1x50xi32, #tpu.memory_space<vmem>> -> memref<50xi32, #tpu.memory_space<vmem>>
    %dma_start3A_145 = arith.constant 0 : i32
    %dma_start3A_146 = arith.constant 0 : i32
    %dma_start3A_147 = tpu.memref_slice %arg2[%dma_start3A_145, %dma_start3A_146] : memref<10000x128xf32, #tpu.memory_space<hbm>> -> memref<10000x128xf32, #tpu.memory_space<hbm>>
    %dma_start3A_148 = tpu.memref_slice %arg11[%rem3A_137] : memref<5x!tpu.dma_semaphore, #tpu.memory_space<semaphore_mem>> -> memref<1x!tpu.dma_semaphore, #tpu.memory_space<semaphore_mem>>
    %dma_start3A_149 = tpu.memref_squeeze %dma_start3A_148 : memref<1x!tpu.dma_semaphore, #tpu.memory_space<semaphore_mem>> -> memref<!tpu.dma_semaphore, #tpu.memory_space<semaphore_mem>>
    tpu.enqueue_indirect_dma source(%dma_start3A_147 : memref<10000x128xf32, #tpu.memory_space<hbm>>) target(%dma_start3A_141 : memref<50x128xf32, #tpu.memory_space<vmem>>) offsets(%dma_start3A_144 : memref<50xi32, #tpu.memory_space<vmem>>) semaphore(%dma_start3A_149 : memref<!tpu.dma_semaphore, #tpu.memory_space<semaphore_mem>>)
    %div3A_150 = arith.constant 1 : i32
    %div3A_151 = arith.constant 10 : i32
    %div3A_152 = arith.divsi %div3A_150, %div3A_151 : i32
    %rem3A_153 = arith.constant 2 : i32
    %rem3A_154 = arith.remsi %div3A_152, %rem3A_153 : i32
    %rem3A_155 = arith.constant 1 : i32
    %rem3A_156 = arith.constant 10 : i32
    %rem3A_157 = arith.remsi %rem3A_155, %rem3A_156 : i32
    %rem3A_158 = arith.constant 1 : i32
    %rem3A_159 = arith.constant 5 : i32
    %rem3A_160 = arith.remsi %rem3A_158, %rem3A_159 : i32
    %dma_start3A_161 = arith.constant 0 : i32
    %dma_start3A_162 = arith.constant 0 : i32
    %dma_start3A_163 = tpu.memref_slice %arg9[%rem3A_160, %dma_start3A_161, %dma_start3A_162] : memref<5x50x128xf32, #tpu.memory_space<vmem>> -> memref<1x50x128xf32, #tpu.memory_space<vmem>>
    %dma_start3A_164 = tpu.memref_squeeze %dma_start3A_163 : memref<1x50x128xf32, #tpu.memory_space<vmem>> -> memref<50x128xf32, #tpu.memory_space<vmem>>
    %dma_start3A_165 = arith.constant 0 : i32
    %dma_start3A_166 = tpu.memref_slice %arg7[%rem3A_154, %rem3A_157, %dma_start3A_165] : memref<2x10x50xi32, #tpu.memory_space<vmem>> -> memref<1x1x50xi32, #tpu.memory_space<vmem>>
    %dma_start3A_167 = tpu.memref_squeeze %dma_start3A_166 : memref<1x1x50xi32, #tpu.memory_space<vmem>> -> memref<50xi32, #tpu.memory_space<vmem>>
    %dma_start3A_168 = arith.constant 0 : i32
    %dma_start3A_169 = arith.constant 0 : i32
    %dma_start3A_170 = tpu.memref_slice %arg2[%dma_start3A_168, %dma_start3A_169] : memref<10000x128xf32, #tpu.memory_space<hbm>> -> memref<10000x128xf32, #tpu.memory_space<hbm>>
    %dma_start3A_171 = tpu.memref_slice %arg11[%rem3A_160] : memref<5x!tpu.dma_semaphore, #tpu.memory_space<semaphore_mem>> -> memref<1x!tpu.dma_semaphore, #tpu.memory_space<semaphore_mem>>
    %dma_start3A_172 = tpu.memref_squeeze %dma_start3A_171 : memref<1x!tpu.dma_semaphore, #tpu.memory_space<semaphore_mem>> -> memref<!tpu.dma_semaphore, #tpu.memory_space<semaphore_mem>>
    tpu.enqueue_indirect_dma source(%dma_start3A_170 : memref<10000x128xf32, #tpu.memory_space<hbm>>) target(%dma_start3A_164 : memref<50x128xf32, #tpu.memory_space<vmem>>) offsets(%dma_start3A_167 : memref<50xi32, #tpu.memory_space<vmem>>) semaphore(%dma_start3A_172 : memref<!tpu.dma_semaphore, #tpu.memory_space<semaphore_mem>>)
    %div3A_173 = arith.constant 2 : i32
    %div3A_174 = arith.constant 10 : i32
    %div3A_175 = arith.divsi %div3A_173, %div3A_174 : i32
    %rem3A_176 = arith.constant 2 : i32
    %rem3A_177 = arith.remsi %div3A_175, %rem3A_176 : i32
    %rem3A_178 = arith.constant 2 : i32
    %rem3A_179 = arith.constant 10 : i32
    %rem3A_180 = arith.remsi %rem3A_178, %rem3A_179 : i32
    %rem3A_181 = arith.constant 2 : i32
    %rem3A_182 = arith.constant 5 : i32
    %rem3A_183 = arith.remsi %rem3A_181, %rem3A_182 : i32
    %dma_start3A_184 = arith.constant 0 : i32
    %dma_start3A_185 = arith.constant 0 : i32
    %dma_start3A_186 = tpu.memref_slice %arg9[%rem3A_183, %dma_start3A_184, %dma_start3A_185] : memref<5x50x128xf32, #tpu.memory_space<vmem>> -> memref<1x50x128xf32, #tpu.memory_space<vmem>>
    %dma_start3A_187 = tpu.memref_squeeze %dma_start3A_186 : memref<1x50x128xf32, #tpu.memory_space<vmem>> -> memref<50x128xf32, #tpu.memory_space<vmem>>
    %dma_start3A_188 = arith.constant 0 : i32
    %dma_start3A_189 = tpu.memref_slice %arg7[%rem3A_177, %rem3A_180, %dma_start3A_188] : memref<2x10x50xi32, #tpu.memory_space<vmem>> -> memref<1x1x50xi32, #tpu.memory_space<vmem>>
    %dma_start3A_190 = tpu.memref_squeeze %dma_start3A_189 : memref<1x1x50xi32, #tpu.memory_space<vmem>> -> memref<50xi32, #tpu.memory_space<vmem>>
    %dma_start3A_191 = arith.constant 0 : i32
    %dma_start3A_192 = arith.constant 0 : i32
    %dma_start3A_193 = tpu.memref_slice %arg2[%dma_start3A_191, %dma_start3A_192] : memref<10000x128xf32, #tpu.memory_space<hbm>> -> memref<10000x128xf32, #tpu.memory_space<hbm>>
    %dma_start3A_194 = tpu.memref_slice %arg11[%rem3A_183] : memref<5x!tpu.dma_semaphore, #tpu.memory_space<semaphore_mem>> -> memref<1x!tpu.dma_semaphore, #tpu.memory_space<semaphore_mem>>
    %dma_start3A_195 = tpu.memref_squeeze %dma_start3A_194 : memref<1x!tpu.dma_semaphore, #tpu.memory_space<semaphore_mem>> -> memref<!tpu.dma_semaphore, #tpu.memory_space<semaphore_mem>>
    tpu.enqueue_indirect_dma source(%dma_start3A_193 : memref<10000x128xf32, #tpu.memory_space<hbm>>) target(%dma_start3A_187 : memref<50x128xf32, #tpu.memory_space<vmem>>) offsets(%dma_start3A_190 : memref<50xi32, #tpu.memory_space<vmem>>) semaphore(%dma_start3A_195 : memref<!tpu.dma_semaphore, #tpu.memory_space<semaphore_mem>>)
    %div3A_196 = arith.constant 3 : i32
    %div3A_197 = arith.constant 10 : i32
    %div3A_198 = arith.divsi %div3A_196, %div3A_197 : i32
    %rem3A_199 = arith.constant 2 : i32
    %rem3A_200 = arith.remsi %div3A_198, %rem3A_199 : i32
    %rem3A_201 = arith.constant 3 : i32
    %rem3A_202 = arith.constant 10 : i32
    %rem3A_203 = arith.remsi %rem3A_201, %rem3A_202 : i32
    %rem3A_204 = arith.constant 3 : i32
    %rem3A_205 = arith.constant 5 : i32
    %rem3A_206 = arith.remsi %rem3A_204, %rem3A_205 : i32
    %dma_start3A_207 = arith.constant 0 : i32
    %dma_start3A_208 = arith.constant 0 : i32
    %dma_start3A_209 = tpu.memref_slice %arg9[%rem3A_206, %dma_start3A_207, %dma_start3A_208] : memref<5x50x128xf32, #tpu.memory_space<vmem>> -> memref<1x50x128xf32, #tpu.memory_space<vmem>>
    %dma_start3A_210 = tpu.memref_squeeze %dma_start3A_209 : memref<1x50x128xf32, #tpu.memory_space<vmem>> -> memref<50x128xf32, #tpu.memory_space<vmem>>
    %dma_start3A_211 = arith.constant 0 : i32
    %dma_start3A_212 = tpu.memref_slice %arg7[%rem3A_200, %rem3A_203, %dma_start3A_211] : memref<2x10x50xi32, #tpu.memory_space<vmem>> -> memref<1x1x50xi32, #tpu.memory_space<vmem>>
    %dma_start3A_213 = tpu.memref_squeeze %dma_start3A_212 : memref<1x1x50xi32, #tpu.memory_space<vmem>> -> memref<50xi32, #tpu.memory_space<vmem>>
    %dma_start3A_214 = arith.constant 0 : i32
    %dma_start3A_215 = arith.constant 0 : i32
    %dma_start3A_216 = tpu.memref_slice %arg2[%dma_start3A_214, %dma_start3A_215] : memref<10000x128xf32, #tpu.memory_space<hbm>> -> memref<10000x128xf32, #tpu.memory_space<hbm>>
    %dma_start3A_217 = tpu.memref_slice %arg11[%rem3A_206] : memref<5x!tpu.dma_semaphore, #tpu.memory_space<semaphore_mem>> -> memref<1x!tpu.dma_semaphore, #tpu.memory_space<semaphore_mem>>
    %dma_start3A_218 = tpu.memref_squeeze %dma_start3A_217 : memref<1x!tpu.dma_semaphore, #tpu.memory_space<semaphore_mem>> -> memref<!tpu.dma_semaphore, #tpu.memory_space<semaphore_mem>>
    tpu.enqueue_indirect_dma source(%dma_start3A_216 : memref<10000x128xf32, #tpu.memory_space<hbm>>) target(%dma_start3A_210 : memref<50x128xf32, #tpu.memory_space<vmem>>) offsets(%dma_start3A_213 : memref<50xi32, #tpu.memory_space<vmem>>) semaphore(%dma_start3A_218 : memref<!tpu.dma_semaphore, #tpu.memory_space<semaphore_mem>>)
    %scan3A = arith.constant 0 : i32
    %scan3A_219 = arith.constant 0 : i32
    %scan3A_220 = arith.constant 200 : i32
    %scan3A_221 = arith.addi %scan3A_219, %scan3A_220 : i32
    %scan3A_222 = arith.constant 1 : i32
    scf.for %scan3A_252 = %scan3A_219 to %scan3A_221 step %scan3A_222  : i32 {
      %div3A_253 = arith.constant 10 : i32
      %div3A_254 = arith.divsi %scan3A_252, %div3A_253 : i32
      %rem3A_255 = arith.constant 2 : i32
      %rem3A_256 = arith.remsi %div3A_254, %rem3A_255 : i32
      %rem3A_257 = arith.constant 10 : i32
      %rem3A_258 = arith.remsi %scan3A_252, %rem3A_257 : i32
      %rem3A_259 = arith.constant 5 : i32
      %rem3A_260 = arith.remsi %scan3A_252, %rem3A_259 : i32
      %dma_wait3A_261 = arith.constant 0 : i32
      %dma_wait3A_262 = arith.constant 0 : i32
      %dma_wait3A_263 = tpu.memref_slice %arg9[%rem3A_260, %dma_wait3A_261, %dma_wait3A_262] : memref<5x50x128xf32, #tpu.memory_space<vmem>> -> memref<1x50x128xf32, #tpu.memory_space<vmem>>
      %dma_wait3A_264 = tpu.memref_squeeze %dma_wait3A_263 : memref<1x50x128xf32, #tpu.memory_space<vmem>> -> memref<50x128xf32, #tpu.memory_space<vmem>>
      %dma_wait3A_265 = arith.constant 0 : i32
      %dma_wait3A_266 = tpu.memref_slice %arg7[%rem3A_256, %rem3A_258, %dma_wait3A_265] : memref<2x10x50xi32, #tpu.memory_space<vmem>> -> memref<1x1x50xi32, #tpu.memory_space<vmem>>
      %dma_wait3A_267 = tpu.memref_squeeze %dma_wait3A_266 : memref<1x1x50xi32, #tpu.memory_space<vmem>> -> memref<50xi32, #tpu.memory_space<vmem>>
      %dma_wait3A_268 = arith.constant 0 : i32
      %dma_wait3A_269 = arith.constant 0 : i32
      %dma_wait3A_270 = tpu.memref_slice %arg2[%dma_wait3A_268, %dma_wait3A_269] : memref<10000x128xf32, #tpu.memory_space<hbm>> -> memref<10000x128xf32, #tpu.memory_space<hbm>>
      %dma_wait3A_271 = tpu.memref_slice %arg11[%rem3A_260] : memref<5x!tpu.dma_semaphore, #tpu.memory_space<semaphore_mem>> -> memref<1x!tpu.dma_semaphore, #tpu.memory_space<semaphore_mem>>
      %dma_wait3A_272 = tpu.memref_squeeze %dma_wait3A_271 : memref<1x!tpu.dma_semaphore, #tpu.memory_space<semaphore_mem>> -> memref<!tpu.dma_semaphore, #tpu.memory_space<semaphore_mem>>
      tpu.wait_indirect_dma semaphore(%dma_wait3A_272 : memref<!tpu.dma_semaphore, #tpu.memory_space<semaphore_mem>>) src(%dma_wait3A_270 : memref<10000x128xf32, #tpu.memory_space<hbm>>) dst(%dma_wait3A_264 : memref<50x128xf32, #tpu.memory_space<vmem>>)
      %div3A_273 = arith.constant 10 : i32
      %div3A_274 = arith.divsi %scan3A_252, %div3A_273 : i32
      %rem3A_275 = arith.constant 2 : i32
      %rem3A_276 = arith.remsi %div3A_274, %rem3A_275 : i32
      %rem3A_277 = arith.constant 10 : i32
      %rem3A_278 = arith.remsi %scan3A_252, %rem3A_277 : i32
      %rem3A_279 = arith.constant 5 : i32
      %rem3A_280 = arith.remsi %scan3A_252, %rem3A_279 : i32
      %dma_start3A_281 = arith.constant 0 : i32
      %dma_start3A_282 = arith.constant 0 : i32
      %dma_start3A_283 = tpu.memref_slice %arg9[%rem3A_280, %dma_start3A_281, %dma_start3A_282] : memref<5x50x128xf32, #tpu.memory_space<vmem>> -> memref<1x50x128xf32, #tpu.memory_space<vmem>>
      %dma_start3A_284 = tpu.memref_squeeze %dma_start3A_283 : memref<1x50x128xf32, #tpu.memory_space<vmem>> -> memref<50x128xf32, #tpu.memory_space<vmem>>
      %dma_start3A_285 = arith.constant 0 : i32
      %dma_start3A_286 = tpu.memref_slice %arg8[%rem3A_276, %rem3A_278, %dma_start3A_285] : memref<2x10x50xi32, #tpu.memory_space<vmem>> -> memref<1x1x50xi32, #tpu.memory_space<vmem>>
      %dma_start3A_287 = tpu.memref_squeeze %dma_start3A_286 : memref<1x1x50xi32, #tpu.memory_space<vmem>> -> memref<50xi32, #tpu.memory_space<vmem>>
      %dma_start3A_288 = arith.constant 0 : i32
      %dma_start3A_289 = arith.constant 0 : i32
      %dma_start3A_290 = tpu.memref_slice %arg10[%dma_start3A_288, %dma_start3A_289] : memref<10240x128xf32, #tpu.memory_space<vmem_shared>> -> memref<10240x128xf32, #tpu.memory_space<vmem_shared>>
      %dma_start3A_291 = tpu.memref_slice %arg12[%rem3A_280] : memref<5x!tpu.dma_semaphore, #tpu.memory_space<semaphore_mem>> -> memref<1x!tpu.dma_semaphore, #tpu.memory_space<semaphore_mem>>
      %dma_start3A_292 = tpu.memref_squeeze %dma_start3A_291 : memref<1x!tpu.dma_semaphore, #tpu.memory_space<semaphore_mem>> -> memref<!tpu.dma_semaphore, #tpu.memory_space<semaphore_mem>>
      tpu.enqueue_indirect_dma source(%dma_start3A_284 : memref<50x128xf32, #tpu.memory_space<vmem>>) target(%dma_start3A_290 : memref<10240x128xf32, #tpu.memory_space<vmem_shared>>) offsets(%dma_start3A_287 : memref<50xi32, #tpu.memory_space<vmem>>) semaphore(%dma_start3A_292 : memref<!tpu.dma_semaphore, #tpu.memory_space<semaphore_mem>>) {add = true}
      %ge3A = arith.constant 1 : i32
      %ge3A_293 = arith.cmpi sge, %scan3A_252, %ge3A : i32
      %convert_element_type3A = arith.extui %ge3A_293 : i1 to i32
      %cond3A = arith.constant 0 : i32
      %cond3A_294 = arith.cmpi ne, %convert_element_type3A, %cond3A : i32
      scf.if %cond3A_294 {
        %sub3A_310 = arith.constant 1 : i32
        %sub3A_311 = arith.subi %scan3A_252, %sub3A_310 : i32
        %div3A_312 = arith.constant 10 : i32
        %div3A_313 = arith.divsi %sub3A_311, %div3A_312 : i32
        %rem3A_314 = arith.constant 2 : i32
        %rem3A_315 = arith.remsi %div3A_313, %rem3A_314 : i32
        %rem3A_316 = arith.constant 10 : i32
        %rem3A_317 = arith.remsi %sub3A_311, %rem3A_316 : i32
        %rem3A_318 = arith.constant 5 : i32
        %rem3A_319 = arith.remsi %sub3A_311, %rem3A_318 : i32
        %dma_wait3A_320 = arith.constant 0 : i32
        %dma_wait3A_321 = arith.constant 0 : i32
        %dma_wait3A_322 = tpu.memref_slice %arg9[%rem3A_319, %dma_wait3A_320, %dma_wait3A_321] : memref<5x50x128xf32, #tpu.memory_space<vmem>> -> memref<1x50x128xf32, #tpu.memory_space<vmem>>
        %dma_wait3A_323 = tpu.memref_squeeze %dma_wait3A_322 : memref<1x50x128xf32, #tpu.memory_space<vmem>> -> memref<50x128xf32, #tpu.memory_space<vmem>>
        %dma_wait3A_324 = arith.constant 0 : i32
        %dma_wait3A_325 = tpu.memref_slice %arg8[%rem3A_315, %rem3A_317, %dma_wait3A_324] : memref<2x10x50xi32, #tpu.memory_space<vmem>> -> memref<1x1x50xi32, #tpu.memory_space<vmem>>
        %dma_wait3A_326 = tpu.memref_squeeze %dma_wait3A_325 : memref<1x1x50xi32, #tpu.memory_space<vmem>> -> memref<50xi32, #tpu.memory_space<vmem>>
        %dma_wait3A_327 = arith.constant 0 : i32
        %dma_wait3A_328 = arith.constant 0 : i32
        %dma_wait3A_329 = tpu.memref_slice %arg10[%dma_wait3A_327, %dma_wait3A_328] : memref<10240x128xf32, #tpu.memory_space<vmem_shared>> -> memref<10240x128xf32, #tpu.memory_space<vmem_shared>>
        %dma_wait3A_330 = tpu.memref_slice %arg12[%rem3A_319] : memref<5x!tpu.dma_semaphore, #tpu.memory_space<semaphore_mem>> -> memref<1x!tpu.dma_semaphore, #tpu.memory_space<semaphore_mem>>
        %dma_wait3A_331 = tpu.memref_squeeze %dma_wait3A_330 : memref<1x!tpu.dma_semaphore, #tpu.memory_space<semaphore_mem>> -> memref<!tpu.dma_semaphore, #tpu.memory_space<semaphore_mem>>
        tpu.wait_indirect_dma semaphore(%dma_wait3A_331 : memref<!tpu.dma_semaphore, #tpu.memory_space<semaphore_mem>>) src(%dma_wait3A_323 : memref<50x128xf32, #tpu.memory_space<vmem>>) dst(%dma_wait3A_329 : memref<10240x128xf32, #tpu.memory_space<vmem_shared>>)
      } else {
      }
      %ge3A_295 = arith.constant 1 : i32
      %ge3A_296 = arith.cmpi sge, %scan3A_252, %ge3A_295 : i32
      %rem3A_297 = arith.constant 10 : i32
      %rem3A_298 = arith.remsi %scan3A_252, %rem3A_297 : i32
      %eq3A = arith.constant 0 : i32
      %eq3A_299 = arith.cmpi eq, %rem3A_298, %eq3A : i32
      %and3A = arith.andi %ge3A_296, %eq3A_299 : i1
      %convert_element_type3A_300 = arith.extui %and3A : i1 to i32
      %cond3A_301 = arith.constant 0 : i32
      %cond3A_302 = arith.cmpi ne, %convert_element_type3A_300, %cond3A_301 : i32
      scf.if %cond3A_302 {
        %div3A_310 = arith.constant 10 : i32
        %div3A_311 = arith.divsi %scan3A_252, %div3A_310 : i32
        %add3A_312 = arith.constant 1 : i32
        %add3A_313 = arith.addi %div3A_311, %add3A_312 : i32
        %lt3A_314 = arith.constant 20 : i32
        %lt3A_315 = arith.cmpi slt, %add3A_313, %lt3A_314 : i32
        %convert_element_type3A_316 = arith.extui %lt3A_315 : i1 to i32
        %cond3A_317 = arith.constant 0 : i32
        %cond3A_318 = arith.cmpi ne, %convert_element_type3A_316, %cond3A_317 : i32
        scf.if %cond3A_318 {
          %add3A_319 = arith.constant 1 : i32
          %add3A_320 = arith.addi %div3A_311, %add3A_319 : i32
          %add3A_321 = arith.constant 1 : i32
          %add3A_322 = arith.addi %div3A_311, %add3A_321 : i32
          %rem3A_323 = arith.constant 2 : i32
          %rem3A_324 = arith.remsi %add3A_322, %rem3A_323 : i32
          %dma_start3A_325 = arith.constant 0 : i32
          %dma_start3A_326 = arith.constant 0 : i32
          %dma_start3A_327 = arith.constant 0 : i32
          %dma_start3A_328 = tpu.memref_slice %arg7[%rem3A_324, %dma_start3A_326, %dma_start3A_327] : memref<2x10x50xi32, #tpu.memory_space<vmem>> -> memref<1x10x50xi32, #tpu.memory_space<vmem>>
          %dma_start3A_329 = tpu.memref_squeeze %dma_start3A_328 : memref<1x10x50xi32, #tpu.memory_space<vmem>> -> memref<10x50xi32, #tpu.memory_space<vmem>>
          %dma_start3A_330 = arith.constant 0 : i32
          %dma_start3A_331 = arith.constant 0 : i32
          %dma_start3A_332 = tpu.memref_slice %arg3[%add3A, %add3A_320, %dma_start3A_330, %dma_start3A_331] : memref<32x20x10x50xi32, #tpu.memory_space<hbm>> -> memref<1x1x10x50xi32, #tpu.memory_space<hbm>>
          %dma_start3A_333 = tpu.memref_squeeze %dma_start3A_332 : memref<1x1x10x50xi32, #tpu.memory_space<hbm>> -> memref<10x50xi32, #tpu.memory_space<hbm>>
          %dma_start3A_334 = tpu.memref_slice %arg13[%dma_start3A_325] : memref<2x!tpu.dma_semaphore, #tpu.memory_space<semaphore_mem>> -> memref<1x!tpu.dma_semaphore, #tpu.memory_space<semaphore_mem>>
          %dma_start3A_335 = tpu.memref_squeeze %dma_start3A_334 : memref<1x!tpu.dma_semaphore, #tpu.memory_space<semaphore_mem>> -> memref<!tpu.dma_semaphore, #tpu.memory_space<semaphore_mem>>
          %dma_start3A_336 = arith.constant 0 : i32
          %dma_start3A_337 = arith.constant 0 : i32
          %dma_start3A_338 = tpu.memref_slice %arg7[%rem3A_324, %dma_start3A_336, %dma_start3A_337] : memref<2x10x50xi32, #tpu.memory_space<vmem>> -> memref<1x10x50xi32, #tpu.memory_space<vmem>>
          %dma_start3A_339 = tpu.memref_squeeze %dma_start3A_338 : memref<1x10x50xi32, #tpu.memory_space<vmem>> -> memref<10x50xi32, #tpu.memory_space<vmem>>
          %dma_start3A_340 = arith.constant 0 : i32
          %dma_start3A_341 = arith.constant 0 : i32
          %dma_start3A_342 = tpu.memref_slice %arg3[%add3A, %add3A_320, %dma_start3A_340, %dma_start3A_341] : memref<32x20x10x50xi32, #tpu.memory_space<hbm>> -> memref<1x1x10x50xi32, #tpu.memory_space<hbm>>
          %dma_start3A_343 = tpu.memref_squeeze %dma_start3A_342 : memref<1x1x10x50xi32, #tpu.memory_space<hbm>> -> memref<10x50xi32, #tpu.memory_space<hbm>>
          tpu.enqueue_dma source(%dma_start3A_343 : memref<10x50xi32, #tpu.memory_space<hbm>>) target(%dma_start3A_339 : memref<10x50xi32, #tpu.memory_space<vmem>>) target_semaphore(%dma_start3A_335 : memref<!tpu.dma_semaphore, #tpu.memory_space<semaphore_mem>>)
          %dma_start3A_344 = arith.constant 1 : i32
          %dma_start3A_345 = arith.constant 0 : i32
          %dma_start3A_346 = arith.constant 0 : i32
          %dma_start3A_347 = tpu.memref_slice %arg8[%rem3A_324, %dma_start3A_345, %dma_start3A_346] : memref<2x10x50xi32, #tpu.memory_space<vmem>> -> memref<1x10x50xi32, #tpu.memory_space<vmem>>
          %dma_start3A_348 = tpu.memref_squeeze %dma_start3A_347 : memref<1x10x50xi32, #tpu.memory_space<vmem>> -> memref<10x50xi32, #tpu.memory_space<vmem>>
          %dma_start3A_349 = arith.constant 0 : i32
          %dma_start3A_350 = arith.constant 0 : i32
          %dma_start3A_351 = tpu.memref_slice %arg4[%add3A, %add3A_320, %dma_start3A_349, %dma_start3A_350] : memref<32x20x10x50xi32, #tpu.memory_space<hbm>> -> memref<1x1x10x50xi32, #tpu.memory_space<hbm>>
          %dma_start3A_352 = tpu.memref_squeeze %dma_start3A_351 : memref<1x1x10x50xi32, #tpu.memory_space<hbm>> -> memref<10x50xi32, #tpu.memory_space<hbm>>
          %dma_start3A_353 = tpu.memref_slice %arg13[%dma_start3A_344] : memref<2x!tpu.dma_semaphore, #tpu.memory_space<semaphore_mem>> -> memref<1x!tpu.dma_semaphore, #tpu.memory_space<semaphore_mem>>
          %dma_start3A_354 = tpu.memref_squeeze %dma_start3A_353 : memref<1x!tpu.dma_semaphore, #tpu.memory_space<semaphore_mem>> -> memref<!tpu.dma_semaphore, #tpu.memory_space<semaphore_mem>>
          %dma_start3A_355 = arith.constant 0 : i32
          %dma_start3A_356 = arith.constant 0 : i32
          %dma_start3A_357 = tpu.memref_slice %arg8[%rem3A_324, %dma_start3A_355, %dma_start3A_356] : memref<2x10x50xi32, #tpu.memory_space<vmem>> -> memref<1x10x50xi32, #tpu.memory_space<vmem>>
          %dma_start3A_358 = tpu.memref_squeeze %dma_start3A_357 : memref<1x10x50xi32, #tpu.memory_space<vmem>> -> memref<10x50xi32, #tpu.memory_space<vmem>>
          %dma_start3A_359 = arith.constant 0 : i32
          %dma_start3A_360 = arith.constant 0 : i32
          %dma_start3A_361 = tpu.memref_slice %arg4[%add3A, %add3A_320, %dma_start3A_359, %dma_start3A_360] : memref<32x20x10x50xi32, #tpu.memory_space<hbm>> -> memref<1x1x10x50xi32, #tpu.memory_space<hbm>>
          %dma_start3A_362 = tpu.memref_squeeze %dma_start3A_361 : memref<1x1x10x50xi32, #tpu.memory_space<hbm>> -> memref<10x50xi32, #tpu.memory_space<hbm>>
          tpu.enqueue_dma source(%dma_start3A_362 : memref<10x50xi32, #tpu.memory_space<hbm>>) target(%dma_start3A_358 : memref<10x50xi32, #tpu.memory_space<vmem>>) target_semaphore(%dma_start3A_354 : memref<!tpu.dma_semaphore, #tpu.memory_space<semaphore_mem>>)
        } else {
        }
      } else {
      }
      %add3A_303 = arith.constant 5 : i32
      %add3A_304 = arith.addi %scan3A_252, %add3A_303 : i32
      %sub3A = arith.constant 1 : i32
      %sub3A_305 = arith.subi %add3A_304, %sub3A : i32
      %lt3A = arith.constant 200 : i32
      %lt3A_306 = arith.cmpi slt, %sub3A_305, %lt3A : i32
      %convert_element_type3A_307 = arith.extui %lt3A_306 : i1 to i32
      %cond3A_308 = arith.constant 0 : i32
      %cond3A_309 = arith.cmpi ne, %convert_element_type3A_307, %cond3A_308 : i32
      scf.if %cond3A_309 {
        %rem3A_310 = arith.constant 10 : i32
        %rem3A_311 = arith.remsi %sub3A_305, %rem3A_310 : i32
        %eq3A_312 = arith.constant 0 : i32
        %eq3A_313 = arith.cmpi eq, %rem3A_311, %eq3A_312 : i32
        %convert_element_type3A_314 = arith.extui %eq3A_313 : i1 to i32
        %cond3A_315 = arith.constant 0 : i32
        %cond3A_316 = arith.cmpi ne, %convert_element_type3A_314, %cond3A_315 : i32
        scf.if %cond3A_316 {
          %div3A_337 = arith.constant 10 : i32
          %div3A_338 = arith.divsi %sub3A_305, %div3A_337 : i32
          %rem3A_339 = arith.constant 2 : i32
          %rem3A_340 = arith.remsi %div3A_338, %rem3A_339 : i32
          %dma_wait3A_341 = arith.constant 0 : i32
          %dma_wait3A_342 = arith.constant 0 : i32
          %dma_wait3A_343 = arith.constant 0 : i32
          %dma_wait3A_344 = tpu.memref_slice %arg7[%rem3A_340, %dma_wait3A_342, %dma_wait3A_343] : memref<2x10x50xi32, #tpu.memory_space<vmem>> -> memref<1x10x50xi32, #tpu.memory_space<vmem>>
          %dma_wait3A_345 = tpu.memref_squeeze %dma_wait3A_344 : memref<1x10x50xi32, #tpu.memory_space<vmem>> -> memref<10x50xi32, #tpu.memory_space<vmem>>
          %dma_wait3A_346 = arith.constant 0 : i32
          %dma_wait3A_347 = arith.constant 0 : i32
          %dma_wait3A_348 = tpu.memref_slice %arg3[%add3A, %div3A_338, %dma_wait3A_346, %dma_wait3A_347] : memref<32x20x10x50xi32, #tpu.memory_space<hbm>> -> memref<1x1x10x50xi32, #tpu.memory_space<hbm>>
          %dma_wait3A_349 = tpu.memref_squeeze %dma_wait3A_348 : memref<1x1x10x50xi32, #tpu.memory_space<hbm>> -> memref<10x50xi32, #tpu.memory_space<hbm>>
          %dma_wait3A_350 = tpu.memref_slice %arg13[%dma_wait3A_341] : memref<2x!tpu.dma_semaphore, #tpu.memory_space<semaphore_mem>> -> memref<1x!tpu.dma_semaphore, #tpu.memory_space<semaphore_mem>>
          %dma_wait3A_351 = tpu.memref_squeeze %dma_wait3A_350 : memref<1x!tpu.dma_semaphore, #tpu.memory_space<semaphore_mem>> -> memref<!tpu.dma_semaphore, #tpu.memory_space<semaphore_mem>>
          %dma_wait3A_352 = arith.constant 0 : i32
          %dma_wait3A_353 = arith.constant 0 : i32
          %dma_wait3A_354 = tpu.memref_slice %arg7[%rem3A_340, %dma_wait3A_352, %dma_wait3A_353] : memref<2x10x50xi32, #tpu.memory_space<vmem>> -> memref<1x10x50xi32, #tpu.memory_space<vmem>>
          %dma_wait3A_355 = tpu.memref_squeeze %dma_wait3A_354 : memref<1x10x50xi32, #tpu.memory_space<vmem>> -> memref<10x50xi32, #tpu.memory_space<vmem>>
          %dma_wait3A_356 = arith.constant 0 : i32
          %dma_wait3A_357 = arith.constant 0 : i32
          %dma_wait3A_358 = tpu.memref_slice %arg3[%add3A, %div3A_338, %dma_wait3A_356, %dma_wait3A_357] : memref<32x20x10x50xi32, #tpu.memory_space<hbm>> -> memref<1x1x10x50xi32, #tpu.memory_space<hbm>>
          %dma_wait3A_359 = tpu.memref_squeeze %dma_wait3A_358 : memref<1x1x10x50xi32, #tpu.memory_space<hbm>> -> memref<10x50xi32, #tpu.memory_space<hbm>>
          tpu.wait_dma2 semaphore(%dma_wait3A_351 : memref<!tpu.dma_semaphore, #tpu.memory_space<semaphore_mem>>) src(%dma_wait3A_359 : memref<10x50xi32, #tpu.memory_space<hbm>>) dst(%dma_wait3A_355 : memref<10x50xi32, #tpu.memory_space<vmem>>)
          %dma_wait3A_360 = arith.constant 1 : i32
          %dma_wait3A_361 = arith.constant 0 : i32
          %dma_wait3A_362 = arith.constant 0 : i32
          %dma_wait3A_363 = tpu.memref_slice %arg8[%rem3A_340, %dma_wait3A_361, %dma_wait3A_362] : memref<2x10x50xi32, #tpu.memory_space<vmem>> -> memref<1x10x50xi32, #tpu.memory_space<vmem>>
          %dma_wait3A_364 = tpu.memref_squeeze %dma_wait3A_363 : memref<1x10x50xi32, #tpu.memory_space<vmem>> -> memref<10x50xi32, #tpu.memory_space<vmem>>
          %dma_wait3A_365 = arith.constant 0 : i32
          %dma_wait3A_366 = arith.constant 0 : i32
          %dma_wait3A_367 = tpu.memref_slice %arg4[%add3A, %div3A_338, %dma_wait3A_365, %dma_wait3A_366] : memref<32x20x10x50xi32, #tpu.memory_space<hbm>> -> memref<1x1x10x50xi32, #tpu.memory_space<hbm>>
          %dma_wait3A_368 = tpu.memref_squeeze %dma_wait3A_367 : memref<1x1x10x50xi32, #tpu.memory_space<hbm>> -> memref<10x50xi32, #tpu.memory_space<hbm>>
          %dma_wait3A_369 = tpu.memref_slice %arg13[%dma_wait3A_360] : memref<2x!tpu.dma_semaphore, #tpu.memory_space<semaphore_mem>> -> memref<1x!tpu.dma_semaphore, #tpu.memory_space<semaphore_mem>>
          %dma_wait3A_370 = tpu.memref_squeeze %dma_wait3A_369 : memref<1x!tpu.dma_semaphore, #tpu.memory_space<semaphore_mem>> -> memref<!tpu.dma_semaphore, #tpu.memory_space<semaphore_mem>>
          %dma_wait3A_371 = arith.constant 0 : i32
          %dma_wait3A_372 = arith.constant 0 : i32
          %dma_wait3A_373 = tpu.memref_slice %arg8[%rem3A_340, %dma_wait3A_371, %dma_wait3A_372] : memref<2x10x50xi32, #tpu.memory_space<vmem>> -> memref<1x10x50xi32, #tpu.memory_space<vmem>>
          %dma_wait3A_374 = tpu.memref_squeeze %dma_wait3A_373 : memref<1x10x50xi32, #tpu.memory_space<vmem>> -> memref<10x50xi32, #tpu.memory_space<vmem>>
          %dma_wait3A_375 = arith.constant 0 : i32
          %dma_wait3A_376 = arith.constant 0 : i32
          %dma_wait3A_377 = tpu.memref_slice %arg4[%add3A, %div3A_338, %dma_wait3A_375, %dma_wait3A_376] : memref<32x20x10x50xi32, #tpu.memory_space<hbm>> -> memref<1x1x10x50xi32, #tpu.memory_space<hbm>>
          %dma_wait3A_378 = tpu.memref_squeeze %dma_wait3A_377 : memref<1x1x10x50xi32, #tpu.memory_space<hbm>> -> memref<10x50xi32, #tpu.memory_space<hbm>>
          tpu.wait_dma2 semaphore(%dma_wait3A_370 : memref<!tpu.dma_semaphore, #tpu.memory_space<semaphore_mem>>) src(%dma_wait3A_378 : memref<10x50xi32, #tpu.memory_space<hbm>>) dst(%dma_wait3A_374 : memref<10x50xi32, #tpu.memory_space<vmem>>)
        } else {
        }
        %div3A_317 = arith.constant 10 : i32
        %div3A_318 = arith.divsi %sub3A_305, %div3A_317 : i32
        %rem3A_319 = arith.constant 2 : i32
        %rem3A_320 = arith.remsi %div3A_318, %rem3A_319 : i32
        %rem3A_321 = arith.constant 10 : i32
        %rem3A_322 = arith.remsi %sub3A_305, %rem3A_321 : i32
        %rem3A_323 = arith.constant 5 : i32
        %rem3A_324 = arith.remsi %sub3A_305, %rem3A_323 : i32
        %dma_start3A_325 = arith.constant 0 : i32
        %dma_start3A_326 = arith.constant 0 : i32
        %dma_start3A_327 = tpu.memref_slice %arg9[%rem3A_324, %dma_start3A_325, %dma_start3A_326] : memref<5x50x128xf32, #tpu.memory_space<vmem>> -> memref<1x50x128xf32, #tpu.memory_space<vmem>>
        %dma_start3A_328 = tpu.memref_squeeze %dma_start3A_327 : memref<1x50x128xf32, #tpu.memory_space<vmem>> -> memref<50x128xf32, #tpu.memory_space<vmem>>
        %dma_start3A_329 = arith.constant 0 : i32
        %dma_start3A_330 = tpu.memref_slice %arg7[%rem3A_320, %rem3A_322, %dma_start3A_329] : memref<2x10x50xi32, #tpu.memory_space<vmem>> -> memref<1x1x50xi32, #tpu.memory_space<vmem>>
        %dma_start3A_331 = tpu.memref_squeeze %dma_start3A_330 : memref<1x1x50xi32, #tpu.memory_space<vmem>> -> memref<50xi32, #tpu.memory_space<vmem>>
        %dma_start3A_332 = arith.constant 0 : i32
        %dma_start3A_333 = arith.constant 0 : i32
        %dma_start3A_334 = tpu.memref_slice %arg2[%dma_start3A_332, %dma_start3A_333] : memref<10000x128xf32, #tpu.memory_space<hbm>> -> memref<10000x128xf32, #tpu.memory_space<hbm>>
        %dma_start3A_335 = tpu.memref_slice %arg11[%rem3A_324] : memref<5x!tpu.dma_semaphore, #tpu.memory_space<semaphore_mem>> -> memref<1x!tpu.dma_semaphore, #tpu.memory_space<semaphore_mem>>
        %dma_start3A_336 = tpu.memref_squeeze %dma_start3A_335 : memref<1x!tpu.dma_semaphore, #tpu.memory_space<semaphore_mem>> -> memref<!tpu.dma_semaphore, #tpu.memory_space<semaphore_mem>>
        tpu.enqueue_indirect_dma source(%dma_start3A_334 : memref<10000x128xf32, #tpu.memory_space<hbm>>) target(%dma_start3A_328 : memref<50x128xf32, #tpu.memory_space<vmem>>) offsets(%dma_start3A_331 : memref<50xi32, #tpu.memory_space<vmem>>) semaphore(%dma_start3A_336 : memref<!tpu.dma_semaphore, #tpu.memory_space<semaphore_mem>>)
      } else {
      }
    }
    %scan3A_223 = arith.constant 200 : i32
    %div3A_224 = arith.constant 199 : i32
    %div3A_225 = arith.constant 10 : i32
    %div3A_226 = arith.divsi %div3A_224, %div3A_225 : i32
    %rem3A_227 = arith.constant 2 : i32
    %rem3A_228 = arith.remsi %div3A_226, %rem3A_227 : i32
    %rem3A_229 = arith.constant 199 : i32
    %rem3A_230 = arith.constant 10 : i32
    %rem3A_231 = arith.remsi %rem3A_229, %rem3A_230 : i32
    %rem3A_232 = arith.constant 199 : i32
    %rem3A_233 = arith.constant 5 : i32
    %rem3A_234 = arith.remsi %rem3A_232, %rem3A_233 : i32
    %dma_wait3A_235 = arith.constant 0 : i32
    %dma_wait3A_236 = arith.constant 0 : i32
    %dma_wait3A_237 = tpu.memref_slice %arg9[%rem3A_234, %dma_wait3A_235, %dma_wait3A_236] : memref<5x50x128xf32, #tpu.memory_space<vmem>> -> memref<1x50x128xf32, #tpu.memory_space<vmem>>
    %dma_wait3A_238 = tpu.memref_squeeze %dma_wait3A_237 : memref<1x50x128xf32, #tpu.memory_space<vmem>> -> memref<50x128xf32, #tpu.memory_space<vmem>>
    %dma_wait3A_239 = arith.constant 0 : i32
    %dma_wait3A_240 = tpu.memref_slice %arg8[%rem3A_228, %rem3A_231, %dma_wait3A_239] : memref<2x10x50xi32, #tpu.memory_space<vmem>> -> memref<1x1x50xi32, #tpu.memory_space<vmem>>
    %dma_wait3A_241 = tpu.memref_squeeze %dma_wait3A_240 : memref<1x1x50xi32, #tpu.memory_space<vmem>> -> memref<50xi32, #tpu.memory_space<vmem>>
    %dma_wait3A_242 = arith.constant 0 : i32
    %dma_wait3A_243 = arith.constant 0 : i32
    %dma_wait3A_244 = tpu.memref_slice %arg10[%dma_wait3A_242, %dma_wait3A_243] : memref<10240x128xf32, #tpu.memory_space<vmem_shared>> -> memref<10240x128xf32, #tpu.memory_space<vmem_shared>>
    %dma_wait3A_245 = tpu.memref_slice %arg12[%rem3A_234] : memref<5x!tpu.dma_semaphore, #tpu.memory_space<semaphore_mem>> -> memref<1x!tpu.dma_semaphore, #tpu.memory_space<semaphore_mem>>
    %dma_wait3A_246 = tpu.memref_squeeze %dma_wait3A_245 : memref<1x!tpu.dma_semaphore, #tpu.memory_space<semaphore_mem>> -> memref<!tpu.dma_semaphore, #tpu.memory_space<semaphore_mem>>
    tpu.wait_indirect_dma semaphore(%dma_wait3A_246 : memref<!tpu.dma_semaphore, #tpu.memory_space<semaphore_mem>>) src(%dma_wait3A_238 : memref<50x128xf32, #tpu.memory_space<vmem>>) dst(%dma_wait3A_244 : memref<10240x128xf32, #tpu.memory_space<vmem_shared>>)
    %barrier3A_247 = arith.constant 0 : index
    tpu.barrier barrier_id(%barrier3A_247)
    %mul3A_248 = arith.constant 640 : i32
    %mul3A_249 = arith.muli %arg1, %mul3A_248 : i32
    %mul3A_250 = arith.constant 640 : i32
    %mul3A_251 = arith.muli %arg1, %mul3A_250 : i32
    "tpu.region"() ({
      %run_scoped3A = tpu.sem_alloc : memref<!tpu.dma_semaphore, #tpu.memory_space<semaphore_mem>>
      %dma_start3A_252 = arith.constant 0 : i32
      %dma_start3A_253 = tpu.memref_slice %arg6[%arg0, %mul3A_251, %dma_start3A_252] : memref<2x10240x128xf32, #tpu.memory_space<hbm>> -> memref<1x640x128xf32, #tpu.memory_space<hbm>>
      %dma_start3A_254 = tpu.memref_squeeze %dma_start3A_253 : memref<1x640x128xf32, #tpu.memory_space<hbm>> -> memref<640x128xf32, #tpu.memory_space<hbm>>
      %dma_start3A_255 = arith.constant 0 : i32
      %dma_start3A_256 = tpu.memref_slice %arg10[%mul3A_249, %dma_start3A_255] : memref<10240x128xf32, #tpu.memory_space<vmem_shared>> -> memref<640x128xf32, #tpu.memory_space<vmem_shared>>
      tpu.enqueue_dma source(%dma_start3A_256 : memref<640x128xf32, #tpu.memory_space<vmem_shared>>) target(%dma_start3A_254 : memref<640x128xf32, #tpu.memory_space<hbm>>) target_semaphore(%run_scoped3A : memref<!tpu.dma_semaphore, #tpu.memory_space<semaphore_mem>>)
      %dma_wait3A_257 = arith.constant 0 : i32
      %dma_wait3A_258 = tpu.memref_slice %arg6[%arg0, %mul3A_251, %dma_wait3A_257] : memref<2x10240x128xf32, #tpu.memory_space<hbm>> -> memref<1x640x128xf32, #tpu.memory_space<hbm>>
      %dma_wait3A_259 = tpu.memref_squeeze %dma_wait3A_258 : memref<1x640x128xf32, #tpu.memory_space<hbm>> -> memref<640x128xf32, #tpu.memory_space<hbm>>
      %dma_wait3A_260 = arith.constant 0 : i32
      %dma_wait3A_261 = tpu.memref_slice %arg10[%mul3A_249, %dma_wait3A_260] : memref<10240x128xf32, #tpu.memory_space<vmem_shared>> -> memref<640x128xf32, #tpu.memory_space<vmem_shared>>
      tpu.wait_dma2 semaphore(%run_scoped3A : memref<!tpu.dma_semaphore, #tpu.memory_space<semaphore_mem>>) src(%dma_wait3A_261 : memref<640x128xf32, #tpu.memory_space<vmem_shared>>) dst(%dma_wait3A_259 : memref<640x128xf32, #tpu.memory_space<hbm>>)
      tpu.yield
    }) : () -> ()
    return
  }
}

#map = affine_map<(d0, d1) -> (0, 0, 0)>
#map1 = affine_map<(d0, d1) -> (0)>
#map2 = affine_map<(d0, d1) -> (0, 0)>
module attributes {stable_mosaic.version = 14 : i64} {
  func.func @_deg_kernel(%arg0: i32, %arg1: i32, %arg2: memref<32x125x80xi32, #tpu.memory_space<hbm>>, %arg3: memref<10240xf32, #tpu.memory_space<hbm>>, %arg4: memref<2x10240xf32, #tpu.memory_space<hbm>>, %arg5: memref<125x80xi32, #tpu.memory_space<vmem>>, %arg6: memref<80xf32, #tpu.memory_space<vmem>>, %arg7: memref<10240xf32, #tpu.memory_space<vmem_shared>>, %arg8: memref<8x!tpu.dma_semaphore, #tpu.memory_space<semaphore_mem>>) attributes {dimension_semantics = [#tpu.dimension_semantics<core_parallel>, #tpu.dimension_semantics<subcore_parallel>], iteration_bounds = array<i64: 2, 16>, scalar_prefetch = 0 : i64, scratch_operands = 4 : i64, tpu.core_type = #tpu.core_type<sc_vector_subcore>, window_params = [{transform_indices = #map}, {transform_indices = #map1}, {transform_indices = #map2}]} {
    %mul3A = arith.constant 16 : i32
    %mul3A_0 = arith.muli %arg0, %mul3A : i32
    %add3A = arith.addi %mul3A_0, %arg1 : i32
    "tpu.region"() ({
      %run_scoped3A = tpu.sem_alloc : memref<!tpu.dma_semaphore, #tpu.memory_space<semaphore_mem>>
      %dma_start3A = arith.constant 0 : i32
      %dma_start3A_49 = arith.constant 0 : i32
      %dma_start3A_50 = tpu.memref_slice %arg2[%add3A, %dma_start3A, %dma_start3A_49] : memref<32x125x80xi32, #tpu.memory_space<hbm>> -> memref<1x125x80xi32, #tpu.memory_space<hbm>>
      %dma_start3A_51 = tpu.memref_squeeze %dma_start3A_50 : memref<1x125x80xi32, #tpu.memory_space<hbm>> -> memref<125x80xi32, #tpu.memory_space<hbm>>
      %dma_start3A_52 = arith.constant 0 : i32
      %dma_start3A_53 = arith.constant 0 : i32
      %dma_start3A_54 = tpu.memref_slice %arg2[%add3A, %dma_start3A_52, %dma_start3A_53] : memref<32x125x80xi32, #tpu.memory_space<hbm>> -> memref<1x125x80xi32, #tpu.memory_space<hbm>>
      %dma_start3A_55 = tpu.memref_squeeze %dma_start3A_54 : memref<1x125x80xi32, #tpu.memory_space<hbm>> -> memref<125x80xi32, #tpu.memory_space<hbm>>
      tpu.enqueue_dma source(%dma_start3A_55 : memref<125x80xi32, #tpu.memory_space<hbm>>) target(%arg5 : memref<125x80xi32, #tpu.memory_space<vmem>>) target_semaphore(%run_scoped3A : memref<!tpu.dma_semaphore, #tpu.memory_space<semaphore_mem>>)
      %dma_wait3A = arith.constant 0 : i32
      %dma_wait3A_56 = arith.constant 0 : i32
      %dma_wait3A_57 = tpu.memref_slice %arg2[%add3A, %dma_wait3A, %dma_wait3A_56] : memref<32x125x80xi32, #tpu.memory_space<hbm>> -> memref<1x125x80xi32, #tpu.memory_space<hbm>>
      %dma_wait3A_58 = tpu.memref_squeeze %dma_wait3A_57 : memref<1x125x80xi32, #tpu.memory_space<hbm>> -> memref<125x80xi32, #tpu.memory_space<hbm>>
      %dma_wait3A_59 = arith.constant 0 : i32
      %dma_wait3A_60 = arith.constant 0 : i32
      %dma_wait3A_61 = tpu.memref_slice %arg2[%add3A, %dma_wait3A_59, %dma_wait3A_60] : memref<32x125x80xi32, #tpu.memory_space<hbm>> -> memref<1x125x80xi32, #tpu.memory_space<hbm>>
      %dma_wait3A_62 = tpu.memref_squeeze %dma_wait3A_61 : memref<1x125x80xi32, #tpu.memory_space<hbm>> -> memref<125x80xi32, #tpu.memory_space<hbm>>
      tpu.wait_dma2 semaphore(%run_scoped3A : memref<!tpu.dma_semaphore, #tpu.memory_space<semaphore_mem>>) src(%dma_wait3A_62 : memref<125x80xi32, #tpu.memory_space<hbm>>) dst(%arg5 : memref<125x80xi32, #tpu.memory_space<vmem>>)
      tpu.yield
    }) : () -> ()
    %broadcast_in_dim3A = arith.constant 1.000000e+00 : f32
    %broadcast_in_dim3A_1 = vector.broadcast %broadcast_in_dim3A : f32 to vector<16xf32>
    %swap3A = arith.constant 0 : index
    %swap3A_2 = tpu.vector_load %arg6[%swap3A] {strides = array<i32>} : memref<80xf32, #tpu.memory_space<vmem>>, vector<16xf32>,
    %swap3A_3 = vector.shape_cast %swap3A_2 : vector<16xf32> to vector<16xf32>
    %swap3A_4 = vector.shape_cast %broadcast_in_dim3A_1 : vector<16xf32> to vector<16xf32>
    tpu.vector_store %arg6[%swap3A], %swap3A_4 {strides = array<i32>} : memref<80xf32, #tpu.memory_space<vmem>>, vector<16xf32>,
    %broadcast_in_dim3A_5 = arith.constant 1.000000e+00 : f32
    %broadcast_in_dim3A_6 = vector.broadcast %broadcast_in_dim3A_5 : f32 to vector<16xf32>
    %swap3A_7 = arith.constant 16 : index
    %swap3A_8 = tpu.vector_load %arg6[%swap3A_7] {strides = array<i32>} : memref<80xf32, #tpu.memory_space<vmem>>, vector<16xf32>,
    %swap3A_9 = vector.shape_cast %swap3A_8 : vector<16xf32> to vector<16xf32>
    %swap3A_10 = vector.shape_cast %broadcast_in_dim3A_6 : vector<16xf32> to vector<16xf32>
    tpu.vector_store %arg6[%swap3A_7], %swap3A_10 {strides = array<i32>} : memref<80xf32, #tpu.memory_space<vmem>>, vector<16xf32>,
    %broadcast_in_dim3A_11 = arith.constant 1.000000e+00 : f32
    %broadcast_in_dim3A_12 = vector.broadcast %broadcast_in_dim3A_11 : f32 to vector<16xf32>
    %swap3A_13 = arith.constant 32 : index
    %swap3A_14 = tpu.vector_load %arg6[%swap3A_13] {strides = array<i32>} : memref<80xf32, #tpu.memory_space<vmem>>, vector<16xf32>,
    %swap3A_15 = vector.shape_cast %swap3A_14 : vector<16xf32> to vector<16xf32>
    %swap3A_16 = vector.shape_cast %broadcast_in_dim3A_12 : vector<16xf32> to vector<16xf32>
    tpu.vector_store %arg6[%swap3A_13], %swap3A_16 {strides = array<i32>} : memref<80xf32, #tpu.memory_space<vmem>>, vector<16xf32>,
    %broadcast_in_dim3A_17 = arith.constant 1.000000e+00 : f32
    %broadcast_in_dim3A_18 = vector.broadcast %broadcast_in_dim3A_17 : f32 to vector<16xf32>
    %swap3A_19 = arith.constant 48 : index
    %swap3A_20 = tpu.vector_load %arg6[%swap3A_19] {strides = array<i32>} : memref<80xf32, #tpu.memory_space<vmem>>, vector<16xf32>,
    %swap3A_21 = vector.shape_cast %swap3A_20 : vector<16xf32> to vector<16xf32>
    %swap3A_22 = vector.shape_cast %broadcast_in_dim3A_18 : vector<16xf32> to vector<16xf32>
    tpu.vector_store %arg6[%swap3A_19], %swap3A_22 {strides = array<i32>} : memref<80xf32, #tpu.memory_space<vmem>>, vector<16xf32>,
    %broadcast_in_dim3A_23 = arith.constant 1.000000e+00 : f32
    %broadcast_in_dim3A_24 = vector.broadcast %broadcast_in_dim3A_23 : f32 to vector<16xf32>
    %swap3A_25 = arith.constant 64 : index
    %swap3A_26 = tpu.vector_load %arg6[%swap3A_25] {strides = array<i32>} : memref<80xf32, #tpu.memory_space<vmem>>, vector<16xf32>,
    %swap3A_27 = vector.shape_cast %swap3A_26 : vector<16xf32> to vector<16xf32>
    %swap3A_28 = vector.shape_cast %broadcast_in_dim3A_24 : vector<16xf32> to vector<16xf32>
    tpu.vector_store %arg6[%swap3A_25], %swap3A_28 {strides = array<i32>} : memref<80xf32, #tpu.memory_space<vmem>>, vector<16xf32>,
    %mul3A_29 = arith.constant 640 : i32
    %mul3A_30 = arith.muli %arg1, %mul3A_29 : i32
    %mul3A_31 = arith.constant 640 : i32
    %mul3A_32 = arith.muli %arg1, %mul3A_31 : i32
    "tpu.region"() ({
      %run_scoped3A = tpu.sem_alloc : memref<!tpu.dma_semaphore, #tpu.memory_space<semaphore_mem>>
      %dma_start3A = tpu.memref_slice %arg7[%mul3A_32] : memref<10240xf32, #tpu.memory_space<vmem_shared>> -> memref<640xf32, #tpu.memory_space<vmem_shared>>
      %dma_start3A_49 = tpu.memref_slice %arg3[%mul3A_30] : memref<10240xf32, #tpu.memory_space<hbm>> -> memref<640xf32, #tpu.memory_space<hbm>>
      tpu.enqueue_dma source(%dma_start3A_49 : memref<640xf32, #tpu.memory_space<hbm>>) target(%dma_start3A : memref<640xf32, #tpu.memory_space<vmem_shared>>) target_semaphore(%run_scoped3A : memref<!tpu.dma_semaphore, #tpu.memory_space<semaphore_mem>>)
      %dma_wait3A = tpu.memref_slice %arg7[%mul3A_32] : memref<10240xf32, #tpu.memory_space<vmem_shared>> -> memref<640xf32, #tpu.memory_space<vmem_shared>>
      %dma_wait3A_50 = tpu.memref_slice %arg3[%mul3A_30] : memref<10240xf32, #tpu.memory_space<hbm>> -> memref<640xf32, #tpu.memory_space<hbm>>
      tpu.wait_dma2 semaphore(%run_scoped3A : memref<!tpu.dma_semaphore, #tpu.memory_space<semaphore_mem>>) src(%dma_wait3A_50 : memref<640xf32, #tpu.memory_space<hbm>>) dst(%dma_wait3A : memref<640xf32, #tpu.memory_space<vmem_shared>>)
      tpu.yield
    }) : () -> ()
    %barrier3A = arith.constant 0 : index
    tpu.barrier barrier_id(%barrier3A)
    %scan3A = arith.constant 0 : i32
    %scan3A_33 = arith.constant 0 : i32
    %scan3A_34 = arith.constant 125 : i32
    %scan3A_35 = arith.addi %scan3A_33, %scan3A_34 : i32
    %scan3A_36 = arith.constant 1 : i32
    scf.for %scan3A_49 = %scan3A_33 to %scan3A_35 step %scan3A_36  : i32 {
      %ge3A = arith.constant 8 : i32
      %ge3A_50 = arith.cmpi sge, %scan3A_49, %ge3A : i32
      %convert_element_type3A = arith.extui %ge3A_50 : i1 to i32
      %cond3A = arith.constant 0 : i32
      %cond3A_51 = arith.cmpi ne, %convert_element_type3A, %cond3A : i32
      scf.if %cond3A_51 {
        %sub3A = arith.constant 8 : i32
        %sub3A_59 = arith.subi %scan3A_49, %sub3A : i32
        %rem3A_60 = arith.constant 8 : i32
        %rem3A_61 = arith.remsi %sub3A_59, %rem3A_60 : i32
        %dma_wait3A = arith.constant 0 : i32
        %dma_wait3A_62 = tpu.memref_slice %arg5[%sub3A_59, %dma_wait3A] : memref<125x80xi32, #tpu.memory_space<vmem>> -> memref<1x80xi32, #tpu.memory_space<vmem>>
        %dma_wait3A_63 = tpu.memref_squeeze %dma_wait3A_62 : memref<1x80xi32, #tpu.memory_space<vmem>> -> memref<80xi32, #tpu.memory_space<vmem>>
        %dma_wait3A_64 = arith.constant 0 : i32
        %dma_wait3A_65 = tpu.memref_slice %arg7[%dma_wait3A_64] : memref<10240xf32, #tpu.memory_space<vmem_shared>> -> memref<10240xf32, #tpu.memory_space<vmem_shared>>
        %dma_wait3A_66 = tpu.memref_slice %arg8[%rem3A_61] : memref<8x!tpu.dma_semaphore, #tpu.memory_space<semaphore_mem>> -> memref<1x!tpu.dma_semaphore, #tpu.memory_space<semaphore_mem>>
        %dma_wait3A_67 = tpu.memref_squeeze %dma_wait3A_66 : memref<1x!tpu.dma_semaphore, #tpu.memory_space<semaphore_mem>> -> memref<!tpu.dma_semaphore, #tpu.memory_space<semaphore_mem>>
        tpu.wait_indirect_dma semaphore(%dma_wait3A_67 : memref<!tpu.dma_semaphore, #tpu.memory_space<semaphore_mem>>) src(%arg6 : memref<80xf32, #tpu.memory_space<vmem>>) dst(%dma_wait3A_65 : memref<10240xf32, #tpu.memory_space<vmem_shared>>)
      } else {
      }
      %rem3A = arith.constant 8 : i32
      %rem3A_52 = arith.remsi %scan3A_49, %rem3A : i32
      %dma_start3A = arith.constant 0 : i32
      %dma_start3A_53 = tpu.memref_slice %arg5[%scan3A_49, %dma_start3A] : memref<125x80xi32, #tpu.memory_space<vmem>> -> memref<1x80xi32, #tpu.memory_space<vmem>>
      %dma_start3A_54 = tpu.memref_squeeze %dma_start3A_53 : memref<1x80xi32, #tpu.memory_space<vmem>> -> memref<80xi32, #tpu.memory_space<vmem>>
      %dma_start3A_55 = arith.constant 0 : i32
      %dma_start3A_56 = tpu.memref_slice %arg7[%dma_start3A_55] : memref<10240xf32, #tpu.memory_space<vmem_shared>> -> memref<10240xf32, #tpu.memory_space<vmem_shared>>
      %dma_start3A_57 = tpu.memref_slice %arg8[%rem3A_52] : memref<8x!tpu.dma_semaphore, #tpu.memory_space<semaphore_mem>> -> memref<1x!tpu.dma_semaphore, #tpu.memory_space<semaphore_mem>>
      %dma_start3A_58 = tpu.memref_squeeze %dma_start3A_57 : memref<1x!tpu.dma_semaphore, #tpu.memory_space<semaphore_mem>> -> memref<!tpu.dma_semaphore, #tpu.memory_space<semaphore_mem>>
      tpu.enqueue_indirect_dma source(%arg6 : memref<80xf32, #tpu.memory_space<vmem>>) target(%dma_start3A_56 : memref<10240xf32, #tpu.memory_space<vmem_shared>>) offsets(%dma_start3A_54 : memref<80xi32, #tpu.memory_space<vmem>>) semaphore(%dma_start3A_58 : memref<!tpu.dma_semaphore, #tpu.memory_space<semaphore_mem>>) {add = true}
    }
    %scan3A_37 = arith.constant 125 : i32
    %scan3A_38 = arith.constant 0 : i32
    %scan3A_39 = arith.constant 117 : i32
    %scan3A_40 = arith.constant 8 : i32
    %scan3A_41 = arith.addi %scan3A_39, %scan3A_40 : i32
    %scan3A_42 = arith.constant 1 : i32
    scf.for %scan3A_49 = %scan3A_39 to %scan3A_41 step %scan3A_42  : i32 {
      %rem3A = arith.constant 8 : i32
      %rem3A_50 = arith.remsi %scan3A_49, %rem3A : i32
      %dma_wait3A = arith.constant 0 : i32
      %dma_wait3A_51 = tpu.memref_slice %arg5[%scan3A_49, %dma_wait3A] : memref<125x80xi32, #tpu.memory_space<vmem>> -> memref<1x80xi32, #tpu.memory_space<vmem>>
      %dma_wait3A_52 = tpu.memref_squeeze %dma_wait3A_51 : memref<1x80xi32, #tpu.memory_space<vmem>> -> memref<80xi32, #tpu.memory_space<vmem>>
      %dma_wait3A_53 = arith.constant 0 : i32
      %dma_wait3A_54 = tpu.memref_slice %arg7[%dma_wait3A_53] : memref<10240xf32, #tpu.memory_space<vmem_shared>> -> memref<10240xf32, #tpu.memory_space<vmem_shared>>
      %dma_wait3A_55 = tpu.memref_slice %arg8[%rem3A_50] : memref<8x!tpu.dma_semaphore, #tpu.memory_space<semaphore_mem>> -> memref<1x!tpu.dma_semaphore, #tpu.memory_space<semaphore_mem>>
      %dma_wait3A_56 = tpu.memref_squeeze %dma_wait3A_55 : memref<1x!tpu.dma_semaphore, #tpu.memory_space<semaphore_mem>> -> memref<!tpu.dma_semaphore, #tpu.memory_space<semaphore_mem>>
      tpu.wait_indirect_dma semaphore(%dma_wait3A_56 : memref<!tpu.dma_semaphore, #tpu.memory_space<semaphore_mem>>) src(%arg6 : memref<80xf32, #tpu.memory_space<vmem>>) dst(%dma_wait3A_54 : memref<10240xf32, #tpu.memory_space<vmem_shared>>)
    }
    %scan3A_43 = arith.constant 8 : i32
    %barrier3A_44 = arith.constant 0 : index
    tpu.barrier barrier_id(%barrier3A_44)
    %mul3A_45 = arith.constant 640 : i32
    %mul3A_46 = arith.muli %arg1, %mul3A_45 : i32
    %mul3A_47 = arith.constant 640 : i32
    %mul3A_48 = arith.muli %arg1, %mul3A_47 : i32
    "tpu.region"() ({
      %run_scoped3A = tpu.sem_alloc : memref<!tpu.dma_semaphore, #tpu.memory_space<semaphore_mem>>
      %dma_start3A = tpu.memref_slice %arg4[%arg0, %mul3A_48] : memref<2x10240xf32, #tpu.memory_space<hbm>> -> memref<1x640xf32, #tpu.memory_space<hbm>>
      %dma_start3A_49 = tpu.memref_squeeze %dma_start3A : memref<1x640xf32, #tpu.memory_space<hbm>> -> memref<640xf32, #tpu.memory_space<hbm>>
      %dma_start3A_50 = tpu.memref_slice %arg7[%mul3A_46] : memref<10240xf32, #tpu.memory_space<vmem_shared>> -> memref<640xf32, #tpu.memory_space<vmem_shared>>
      tpu.enqueue_dma source(%dma_start3A_50 : memref<640xf32, #tpu.memory_space<vmem_shared>>) target(%dma_start3A_49 : memref<640xf32, #tpu.memory_space<hbm>>) target_semaphore(%run_scoped3A : memref<!tpu.dma_semaphore, #tpu.memory_space<semaphore_mem>>)
      %dma_wait3A = tpu.memref_slice %arg4[%arg0, %mul3A_48] : memref<2x10240xf32, #tpu.memory_space<hbm>> -> memref<1x640xf32, #tpu.memory_space<hbm>>
      %dma_wait3A_51 = tpu.memref_squeeze %dma_wait3A : memref<1x640xf32, #tpu.memory_space<hbm>> -> memref<640xf32, #tpu.memory_space<hbm>>
      %dma_wait3A_52 = tpu.memref_slice %arg7[%mul3A_46] : memref<10240xf32, #tpu.memory_space<vmem_shared>> -> memref<640xf32, #tpu.memory_space<vmem_shared>>
      tpu.wait_dma2 semaphore(%run_scoped3A : memref<!tpu.dma_semaphore, #tpu.memory_space<semaphore_mem>>) src(%dma_wait3A_52 : memref<640xf32, #tpu.memory_space<vmem_shared>>) dst(%dma_wait3A_51 : memref<640xf32, #tpu.memory_space<hbm>>)
      tpu.yield
    }) : () -> ()
    return
  }
}

#map = affine_map<(d0, d1) -> (0, 0)>
#map1 = affine_map<(d0, d1) -> (0, 0, 0, 0)>
#map2 = affine_map<(d0, d1) -> (0, 0, 0)>
module attributes {stable_mosaic.version = 14 : i64} {
  func.func @_agg_kernel(%arg0: i32, %arg1: i32, %arg2: memref<10000x128xf32, #tpu.memory_space<hbm>>, %arg3: memref<32x20x10x50xi32, #tpu.memory_space<hbm>>, %arg4: memref<32x20x10x50xi32, #tpu.memory_space<hbm>>, %arg5: memref<10240x128xf32, #tpu.memory_space<hbm>>, %arg6: memref<2x10240x128xf32, #tpu.memory_space<hbm>>, %arg7: memref<2x10x50xi32, #tpu.memory_space<vmem>>, %arg8: memref<2x10x50xi32, #tpu.memory_space<vmem>>, %arg9: memref<5x50x128xf32, #tpu.memory_space<vmem>>, %arg10: memref<10240x128xf32, #tpu.memory_space<vmem_shared>>, %arg11: memref<5x!tpu.dma_semaphore, #tpu.memory_space<semaphore_mem>>, %arg12: memref<5x!tpu.dma_semaphore, #tpu.memory_space<semaphore_mem>>, %arg13: memref<2x!tpu.dma_semaphore, #tpu.memory_space<semaphore_mem>>) attributes {dimension_semantics = [#tpu.dimension_semantics<core_parallel>, #tpu.dimension_semantics<subcore_parallel>], iteration_bounds = array<i64: 2, 16>, scalar_prefetch = 0 : i64, scratch_operands = 7 : i64, tpu.core_type = #tpu.core_type<sc_vector_subcore>, window_params = [{transform_indices = #map}, {transform_indices = #map1}, {transform_indices = #map1}, {transform_indices = #map}, {transform_indices = #map2}]} {
    %mul3A = arith.constant 16 : i32
    %mul3A_0 = arith.muli %arg0, %mul3A : i32
    %add3A = arith.addi %mul3A_0, %arg1 : i32
    %dma_start3A = arith.constant 0 : i32
    %dma_start3A_1 = arith.constant 0 : i32
    %dma_start3A_2 = arith.constant 0 : i32
    %dma_start3A_3 = arith.constant 0 : i32
    %dma_start3A_4 = arith.constant 0 : i32
    %dma_start3A_5 = tpu.memref_slice %arg7[%dma_start3A_1, %dma_start3A_3, %dma_start3A_4] : memref<2x10x50xi32, #tpu.memory_space<vmem>> -> memref<1x10x50xi32, #tpu.memory_space<vmem>>
    %dma_start3A_6 = tpu.memref_squeeze %dma_start3A_5 : memref<1x10x50xi32, #tpu.memory_space<vmem>> -> memref<10x50xi32, #tpu.memory_space<vmem>>
    %dma_start3A_7 = arith.constant 0 : i32
    %dma_start3A_8 = arith.constant 0 : i32
    %dma_start3A_9 = tpu.memref_slice %arg3[%add3A, %dma_start3A, %dma_start3A_7, %dma_start3A_8] : memref<32x20x10x50xi32, #tpu.memory_space<hbm>> -> memref<1x1x10x50xi32, #tpu.memory_space<hbm>>
    %dma_start3A_10 = tpu.memref_squeeze %dma_start3A_9 : memref<1x1x10x50xi32, #tpu.memory_space<hbm>> -> memref<10x50xi32, #tpu.memory_space<hbm>>
    %dma_start3A_11 = tpu.memref_slice %arg13[%dma_start3A_2] : memref<2x!tpu.dma_semaphore, #tpu.memory_space<semaphore_mem>> -> memref<1x!tpu.dma_semaphore, #tpu.memory_space<semaphore_mem>>
    %dma_start3A_12 = tpu.memref_squeeze %dma_start3A_11 : memref<1x!tpu.dma_semaphore, #tpu.memory_space<semaphore_mem>> -> memref<!tpu.dma_semaphore, #tpu.memory_space<semaphore_mem>>
    %dma_start3A_13 = arith.constant 0 : i32
    %dma_start3A_14 = arith.constant 0 : i32
    %dma_start3A_15 = tpu.memref_slice %arg7[%dma_start3A_1, %dma_start3A_13, %dma_start3A_14] : memref<2x10x50xi32, #tpu.memory_space<vmem>> -> memref<1x10x50xi32, #tpu.memory_space<vmem>>
    %dma_start3A_16 = tpu.memref_squeeze %dma_start3A_15 : memref<1x10x50xi32, #tpu.memory_space<vmem>> -> memref<10x50xi32, #tpu.memory_space<vmem>>
    %dma_start3A_17 = arith.constant 0 : i32
    %dma_start3A_18 = arith.constant 0 : i32
    %dma_start3A_19 = tpu.memref_slice %arg3[%add3A, %dma_start3A, %dma_start3A_17, %dma_start3A_18] : memref<32x20x10x50xi32, #tpu.memory_space<hbm>> -> memref<1x1x10x50xi32, #tpu.memory_space<hbm>>
    %dma_start3A_20 = tpu.memref_squeeze %dma_start3A_19 : memref<1x1x10x50xi32, #tpu.memory_space<hbm>> -> memref<10x50xi32, #tpu.memory_space<hbm>>
    tpu.enqueue_dma source(%dma_start3A_20 : memref<10x50xi32, #tpu.memory_space<hbm>>) target(%dma_start3A_16 : memref<10x50xi32, #tpu.memory_space<vmem>>) target_semaphore(%dma_start3A_12 : memref<!tpu.dma_semaphore, #tpu.memory_space<semaphore_mem>>)
    %dma_start3A_21 = arith.constant 0 : i32
    %dma_start3A_22 = arith.constant 0 : i32
    %dma_start3A_23 = arith.constant 1 : i32
    %dma_start3A_24 = arith.constant 0 : i32
    %dma_start3A_25 = arith.constant 0 : i32
    %dma_start3A_26 = tpu.memref_slice %arg8[%dma_start3A_22, %dma_start3A_24, %dma_start3A_25] : memref<2x10x50xi32, #tpu.memory_space<vmem>> -> memref<1x10x50xi32, #tpu.memory_space<vmem>>
    %dma_start3A_27 = tpu.memref_squeeze %dma_start3A_26 : memref<1x10x50xi32, #tpu.memory_space<vmem>> -> memref<10x50xi32, #tpu.memory_space<vmem>>
    %dma_start3A_28 = arith.constant 0 : i32
    %dma_start3A_29 = arith.constant 0 : i32
    %dma_start3A_30 = tpu.memref_slice %arg4[%add3A, %dma_start3A_21, %dma_start3A_28, %dma_start3A_29] : memref<32x20x10x50xi32, #tpu.memory_space<hbm>> -> memref<1x1x10x50xi32, #tpu.memory_space<hbm>>
    %dma_start3A_31 = tpu.memref_squeeze %dma_start3A_30 : memref<1x1x10x50xi32, #tpu.memory_space<hbm>> -> memref<10x50xi32, #tpu.memory_space<hbm>>
    %dma_start3A_32 = tpu.memref_slice %arg13[%dma_start3A_23] : memref<2x!tpu.dma_semaphore, #tpu.memory_space<semaphore_mem>> -> memref<1x!tpu.dma_semaphore, #tpu.memory_space<semaphore_mem>>
    %dma_start3A_33 = tpu.memref_squeeze %dma_start3A_32 : memref<1x!tpu.dma_semaphore, #tpu.memory_space<semaphore_mem>> -> memref<!tpu.dma_semaphore, #tpu.memory_space<semaphore_mem>>
    %dma_start3A_34 = arith.constant 0 : i32
    %dma_start3A_35 = arith.constant 0 : i32
    %dma_start3A_36 = tpu.memref_slice %arg8[%dma_start3A_22, %dma_start3A_34, %dma_start3A_35] : memref<2x10x50xi32, #tpu.memory_space<vmem>> -> memref<1x10x50xi32, #tpu.memory_space<vmem>>
    %dma_start3A_37 = tpu.memref_squeeze %dma_start3A_36 : memref<1x10x50xi32, #tpu.memory_space<vmem>> -> memref<10x50xi32, #tpu.memory_space<vmem>>
    %dma_start3A_38 = arith.constant 0 : i32
    %dma_start3A_39 = arith.constant 0 : i32
    %dma_start3A_40 = tpu.memref_slice %arg4[%add3A, %dma_start3A_21, %dma_start3A_38, %dma_start3A_39] : memref<32x20x10x50xi32, #tpu.memory_space<hbm>> -> memref<1x1x10x50xi32, #tpu.memory_space<hbm>>
    %dma_start3A_41 = tpu.memref_squeeze %dma_start3A_40 : memref<1x1x10x50xi32, #tpu.memory_space<hbm>> -> memref<10x50xi32, #tpu.memory_space<hbm>>
    tpu.enqueue_dma source(%dma_start3A_41 : memref<10x50xi32, #tpu.memory_space<hbm>>) target(%dma_start3A_37 : memref<10x50xi32, #tpu.memory_space<vmem>>) target_semaphore(%dma_start3A_33 : memref<!tpu.dma_semaphore, #tpu.memory_space<semaphore_mem>>)
    %mul3A_42 = arith.constant 640 : i32
    %mul3A_43 = arith.muli %arg1, %mul3A_42 : i32
    %mul3A_44 = arith.constant 640 : i32
    %mul3A_45 = arith.muli %arg1, %mul3A_44 : i32
    "tpu.region"() ({
      %run_scoped3A = tpu.sem_alloc : memref<!tpu.dma_semaphore, #tpu.memory_space<semaphore_mem>>
      %dma_start3A_252 = arith.constant 0 : i32
      %dma_start3A_253 = tpu.memref_slice %arg10[%mul3A_45, %dma_start3A_252] : memref<10240x128xf32, #tpu.memory_space<vmem_shared>> -> memref<640x128xf32, #tpu.memory_space<vmem_shared>>
      %dma_start3A_254 = arith.constant 0 : i32
      %dma_start3A_255 = tpu.memref_slice %arg5[%mul3A_43, %dma_start3A_254] : memref<10240x128xf32, #tpu.memory_space<hbm>> -> memref<640x128xf32, #tpu.memory_space<hbm>>
      tpu.enqueue_dma source(%dma_start3A_255 : memref<640x128xf32, #tpu.memory_space<hbm>>) target(%dma_start3A_253 : memref<640x128xf32, #tpu.memory_space<vmem_shared>>) target_semaphore(%run_scoped3A : memref<!tpu.dma_semaphore, #tpu.memory_space<semaphore_mem>>)
      %dma_wait3A_256 = arith.constant 0 : i32
      %dma_wait3A_257 = tpu.memref_slice %arg10[%mul3A_45, %dma_wait3A_256] : memref<10240x128xf32, #tpu.memory_space<vmem_shared>> -> memref<640x128xf32, #tpu.memory_space<vmem_shared>>
      %dma_wait3A_258 = arith.constant 0 : i32
      %dma_wait3A_259 = tpu.memref_slice %arg5[%mul3A_43, %dma_wait3A_258] : memref<10240x128xf32, #tpu.memory_space<hbm>> -> memref<640x128xf32, #tpu.memory_space<hbm>>
      tpu.wait_dma2 semaphore(%run_scoped3A : memref<!tpu.dma_semaphore, #tpu.memory_space<semaphore_mem>>) src(%dma_wait3A_259 : memref<640x128xf32, #tpu.memory_space<hbm>>) dst(%dma_wait3A_257 : memref<640x128xf32, #tpu.memory_space<vmem_shared>>)
      tpu.yield
    }) : () -> ()
    %barrier3A = arith.constant 0 : index
    tpu.barrier barrier_id(%barrier3A)
    %dma_wait3A = arith.constant 0 : i32
    %dma_wait3A_46 = arith.constant 0 : i32
    %dma_wait3A_47 = arith.constant 0 : i32
    %dma_wait3A_48 = arith.constant 0 : i32
    %dma_wait3A_49 = arith.constant 0 : i32
    %dma_wait3A_50 = tpu.memref_slice %arg7[%dma_wait3A_46, %dma_wait3A_48, %dma_wait3A_49] : memref<2x10x50xi32, #tpu.memory_space<vmem>> -> memref<1x10x50xi32, #tpu.memory_space<vmem>>
    %dma_wait3A_51 = tpu.memref_squeeze %dma_wait3A_50 : memref<1x10x50xi32, #tpu.memory_space<vmem>> -> memref<10x50xi32, #tpu.memory_space<vmem>>
    %dma_wait3A_52 = arith.constant 0 : i32
    %dma_wait3A_53 = arith.constant 0 : i32
    %dma_wait3A_54 = tpu.memref_slice %arg3[%add3A, %dma_wait3A, %dma_wait3A_52, %dma_wait3A_53] : memref<32x20x10x50xi32, #tpu.memory_space<hbm>> -> memref<1x1x10x50xi32, #tpu.memory_space<hbm>>
    %dma_wait3A_55 = tpu.memref_squeeze %dma_wait3A_54 : memref<1x1x10x50xi32, #tpu.memory_space<hbm>> -> memref<10x50xi32, #tpu.memory_space<hbm>>
    %dma_wait3A_56 = tpu.memref_slice %arg13[%dma_wait3A_47] : memref<2x!tpu.dma_semaphore, #tpu.memory_space<semaphore_mem>> -> memref<1x!tpu.dma_semaphore, #tpu.memory_space<semaphore_mem>>
    %dma_wait3A_57 = tpu.memref_squeeze %dma_wait3A_56 : memref<1x!tpu.dma_semaphore, #tpu.memory_space<semaphore_mem>> -> memref<!tpu.dma_semaphore, #tpu.memory_space<semaphore_mem>>
    %dma_wait3A_58 = arith.constant 0 : i32
    %dma_wait3A_59 = arith.constant 0 : i32
    %dma_wait3A_60 = tpu.memref_slice %arg7[%dma_wait3A_46, %dma_wait3A_58, %dma_wait3A_59] : memref<2x10x50xi32, #tpu.memory_space<vmem>> -> memref<1x10x50xi32, #tpu.memory_space<vmem>>
    %dma_wait3A_61 = tpu.memref_squeeze %dma_wait3A_60 : memref<1x10x50xi32, #tpu.memory_space<vmem>> -> memref<10x50xi32, #tpu.memory_space<vmem>>
    %dma_wait3A_62 = arith.constant 0 : i32
    %dma_wait3A_63 = arith.constant 0 : i32
    %dma_wait3A_64 = tpu.memref_slice %arg3[%add3A, %dma_wait3A, %dma_wait3A_62, %dma_wait3A_63] : memref<32x20x10x50xi32, #tpu.memory_space<hbm>> -> memref<1x1x10x50xi32, #tpu.memory_space<hbm>>
    %dma_wait3A_65 = tpu.memref_squeeze %dma_wait3A_64 : memref<1x1x10x50xi32, #tpu.memory_space<hbm>> -> memref<10x50xi32, #tpu.memory_space<hbm>>
    tpu.wait_dma2 semaphore(%dma_wait3A_57 : memref<!tpu.dma_semaphore, #tpu.memory_space<semaphore_mem>>) src(%dma_wait3A_65 : memref<10x50xi32, #tpu.memory_space<hbm>>) dst(%dma_wait3A_61 : memref<10x50xi32, #tpu.memory_space<vmem>>)
    %dma_wait3A_66 = arith.constant 0 : i32
    %dma_wait3A_67 = arith.constant 0 : i32
    %dma_wait3A_68 = arith.constant 1 : i32
    %dma_wait3A_69 = arith.constant 0 : i32
    %dma_wait3A_70 = arith.constant 0 : i32
    %dma_wait3A_71 = tpu.memref_slice %arg8[%dma_wait3A_67, %dma_wait3A_69, %dma_wait3A_70] : memref<2x10x50xi32, #tpu.memory_space<vmem>> -> memref<1x10x50xi32, #tpu.memory_space<vmem>>
    %dma_wait3A_72 = tpu.memref_squeeze %dma_wait3A_71 : memref<1x10x50xi32, #tpu.memory_space<vmem>> -> memref<10x50xi32, #tpu.memory_space<vmem>>
    %dma_wait3A_73 = arith.constant 0 : i32
    %dma_wait3A_74 = arith.constant 0 : i32
    %dma_wait3A_75 = tpu.memref_slice %arg4[%add3A, %dma_wait3A_66, %dma_wait3A_73, %dma_wait3A_74] : memref<32x20x10x50xi32, #tpu.memory_space<hbm>> -> memref<1x1x10x50xi32, #tpu.memory_space<hbm>>
    %dma_wait3A_76 = tpu.memref_squeeze %dma_wait3A_75 : memref<1x1x10x50xi32, #tpu.memory_space<hbm>> -> memref<10x50xi32, #tpu.memory_space<hbm>>
    %dma_wait3A_77 = tpu.memref_slice %arg13[%dma_wait3A_68] : memref<2x!tpu.dma_semaphore, #tpu.memory_space<semaphore_mem>> -> memref<1x!tpu.dma_semaphore, #tpu.memory_space<semaphore_mem>>
    %dma_wait3A_78 = tpu.memref_squeeze %dma_wait3A_77 : memref<1x!tpu.dma_semaphore, #tpu.memory_space<semaphore_mem>> -> memref<!tpu.dma_semaphore, #tpu.memory_space<semaphore_mem>>
    %dma_wait3A_79 = arith.constant 0 : i32
    %dma_wait3A_80 = arith.constant 0 : i32
    %dma_wait3A_81 = tpu.memref_slice %arg8[%dma_wait3A_67, %dma_wait3A_79, %dma_wait3A_80] : memref<2x10x50xi32, #tpu.memory_space<vmem>> -> memref<1x10x50xi32, #tpu.memory_space<vmem>>
    %dma_wait3A_82 = tpu.memref_squeeze %dma_wait3A_81 : memref<1x10x50xi32, #tpu.memory_space<vmem>> -> memref<10x50xi32, #tpu.memory_space<vmem>>
    %dma_wait3A_83 = arith.constant 0 : i32
    %dma_wait3A_84 = arith.constant 0 : i32
    %dma_wait3A_85 = tpu.memref_slice %arg4[%add3A, %dma_wait3A_66, %dma_wait3A_83, %dma_wait3A_84] : memref<32x20x10x50xi32, #tpu.memory_space<hbm>> -> memref<1x1x10x50xi32, #tpu.memory_space<hbm>>
    %dma_wait3A_86 = tpu.memref_squeeze %dma_wait3A_85 : memref<1x1x10x50xi32, #tpu.memory_space<hbm>> -> memref<10x50xi32, #tpu.memory_space<hbm>>
    tpu.wait_dma2 semaphore(%dma_wait3A_78 : memref<!tpu.dma_semaphore, #tpu.memory_space<semaphore_mem>>) src(%dma_wait3A_86 : memref<10x50xi32, #tpu.memory_space<hbm>>) dst(%dma_wait3A_82 : memref<10x50xi32, #tpu.memory_space<vmem>>)
    %dma_start3A_87 = arith.constant 1 : i32
    %dma_start3A_88 = arith.constant 1 : i32
    %dma_start3A_89 = arith.constant 0 : i32
    %dma_start3A_90 = arith.constant 0 : i32
    %dma_start3A_91 = arith.constant 0 : i32
    %dma_start3A_92 = tpu.memref_slice %arg7[%dma_start3A_88, %dma_start3A_90, %dma_start3A_91] : memref<2x10x50xi32, #tpu.memory_space<vmem>> -> memref<1x10x50xi32, #tpu.memory_space<vmem>>
    %dma_start3A_93 = tpu.memref_squeeze %dma_start3A_92 : memref<1x10x50xi32, #tpu.memory_space<vmem>> -> memref<10x50xi32, #tpu.memory_space<vmem>>
    %dma_start3A_94 = arith.constant 0 : i32
    %dma_start3A_95 = arith.constant 0 : i32
    %dma_start3A_96 = tpu.memref_slice %arg3[%add3A, %dma_start3A_87, %dma_start3A_94, %dma_start3A_95] : memref<32x20x10x50xi32, #tpu.memory_space<hbm>> -> memref<1x1x10x50xi32, #tpu.memory_space<hbm>>
    %dma_start3A_97 = tpu.memref_squeeze %dma_start3A_96 : memref<1x1x10x50xi32, #tpu.memory_space<hbm>> -> memref<10x50xi32, #tpu.memory_space<hbm>>
    %dma_start3A_98 = tpu.memref_slice %arg13[%dma_start3A_89] : memref<2x!tpu.dma_semaphore, #tpu.memory_space<semaphore_mem>> -> memref<1x!tpu.dma_semaphore, #tpu.memory_space<semaphore_mem>>
    %dma_start3A_99 = tpu.memref_squeeze %dma_start3A_98 : memref<1x!tpu.dma_semaphore, #tpu.memory_space<semaphore_mem>> -> memref<!tpu.dma_semaphore, #tpu.memory_space<semaphore_mem>>
    %dma_start3A_100 = arith.constant 0 : i32
    %dma_start3A_101 = arith.constant 0 : i32
    %dma_start3A_102 = tpu.memref_slice %arg7[%dma_start3A_88, %dma_start3A_100, %dma_start3A_101] : memref<2x10x50xi32, #tpu.memory_space<vmem>> -> memref<1x10x50xi32, #tpu.memory_space<vmem>>
    %dma_start3A_103 = tpu.memref_squeeze %dma_start3A_102 : memref<1x10x50xi32, #tpu.memory_space<vmem>> -> memref<10x50xi32, #tpu.memory_space<vmem>>
    %dma_start3A_104 = arith.constant 0 : i32
    %dma_start3A_105 = arith.constant 0 : i32
    %dma_start3A_106 = tpu.memref_slice %arg3[%add3A, %dma_start3A_87, %dma_start3A_104, %dma_start3A_105] : memref<32x20x10x50xi32, #tpu.memory_space<hbm>> -> memref<1x1x10x50xi32, #tpu.memory_space<hbm>>
    %dma_start3A_107 = tpu.memref_squeeze %dma_start3A_106 : memref<1x1x10x50xi32, #tpu.memory_space<hbm>> -> memref<10x50xi32, #tpu.memory_space<hbm>>
    tpu.enqueue_dma source(%dma_start3A_107 : memref<10x50xi32, #tpu.memory_space<hbm>>) target(%dma_start3A_103 : memref<10x50xi32, #tpu.memory_space<vmem>>) target_semaphore(%dma_start3A_99 : memref<!tpu.dma_semaphore, #tpu.memory_space<semaphore_mem>>)
    %dma_start3A_108 = arith.constant 1 : i32
    %dma_start3A_109 = arith.constant 1 : i32
    %dma_start3A_110 = arith.constant 1 : i32
    %dma_start3A_111 = arith.constant 0 : i32
    %dma_start3A_112 = arith.constant 0 : i32
    %dma_start3A_113 = tpu.memref_slice %arg8[%dma_start3A_109, %dma_start3A_111, %dma_start3A_112] : memref<2x10x50xi32, #tpu.memory_space<vmem>> -> memref<1x10x50xi32, #tpu.memory_space<vmem>>
    %dma_start3A_114 = tpu.memref_squeeze %dma_start3A_113 : memref<1x10x50xi32, #tpu.memory_space<vmem>> -> memref<10x50xi32, #tpu.memory_space<vmem>>
    %dma_start3A_115 = arith.constant 0 : i32
    %dma_start3A_116 = arith.constant 0 : i32
    %dma_start3A_117 = tpu.memref_slice %arg4[%add3A, %dma_start3A_108, %dma_start3A_115, %dma_start3A_116] : memref<32x20x10x50xi32, #tpu.memory_space<hbm>> -> memref<1x1x10x50xi32, #tpu.memory_space<hbm>>
    %dma_start3A_118 = tpu.memref_squeeze %dma_start3A_117 : memref<1x1x10x50xi32, #tpu.memory_space<hbm>> -> memref<10x50xi32, #tpu.memory_space<hbm>>
    %dma_start3A_119 = tpu.memref_slice %arg13[%dma_start3A_110] : memref<2x!tpu.dma_semaphore, #tpu.memory_space<semaphore_mem>> -> memref<1x!tpu.dma_semaphore, #tpu.memory_space<semaphore_mem>>
    %dma_start3A_120 = tpu.memref_squeeze %dma_start3A_119 : memref<1x!tpu.dma_semaphore, #tpu.memory_space<semaphore_mem>> -> memref<!tpu.dma_semaphore, #tpu.memory_space<semaphore_mem>>
    %dma_start3A_121 = arith.constant 0 : i32
    %dma_start3A_122 = arith.constant 0 : i32
    %dma_start3A_123 = tpu.memref_slice %arg8[%dma_start3A_109, %dma_start3A_121, %dma_start3A_122] : memref<2x10x50xi32, #tpu.memory_space<vmem>> -> memref<1x10x50xi32, #tpu.memory_space<vmem>>
    %dma_start3A_124 = tpu.memref_squeeze %dma_start3A_123 : memref<1x10x50xi32, #tpu.memory_space<vmem>> -> memref<10x50xi32, #tpu.memory_space<vmem>>
    %dma_start3A_125 = arith.constant 0 : i32
    %dma_start3A_126 = arith.constant 0 : i32
    %dma_start3A_127 = tpu.memref_slice %arg4[%add3A, %dma_start3A_108, %dma_start3A_125, %dma_start3A_126] : memref<32x20x10x50xi32, #tpu.memory_space<hbm>> -> memref<1x1x10x50xi32, #tpu.memory_space<hbm>>
    %dma_start3A_128 = tpu.memref_squeeze %dma_start3A_127 : memref<1x1x10x50xi32, #tpu.memory_space<hbm>> -> memref<10x50xi32, #tpu.memory_space<hbm>>
    tpu.enqueue_dma source(%dma_start3A_128 : memref<10x50xi32, #tpu.memory_space<hbm>>) target(%dma_start3A_124 : memref<10x50xi32, #tpu.memory_space<vmem>>) target_semaphore(%dma_start3A_120 : memref<!tpu.dma_semaphore, #tpu.memory_space<semaphore_mem>>)
    %div3A = arith.constant 0 : i32
    %div3A_129 = arith.constant 10 : i32
    %div3A_130 = arith.divsi %div3A, %div3A_129 : i32
    %rem3A = arith.constant 2 : i32
    %rem3A_131 = arith.remsi %div3A_130, %rem3A : i32
    %rem3A_132 = arith.constant 0 : i32
    %rem3A_133 = arith.constant 10 : i32
    %rem3A_134 = arith.remsi %rem3A_132, %rem3A_133 : i32
    %rem3A_135 = arith.constant 0 : i32
    %rem3A_136 = arith.constant 5 : i32
    %rem3A_137 = arith.remsi %rem3A_135, %rem3A_136 : i32
    %dma_start3A_138 = arith.constant 0 : i32
    %dma_start3A_139 = arith.constant 0 : i32
    %dma_start3A_140 = tpu.memref_slice %arg9[%rem3A_137, %dma_start3A_138, %dma_start3A_139] : memref<5x50x128xf32, #tpu.memory_space<vmem>> -> memref<1x50x128xf32, #tpu.memory_space<vmem>>
    %dma_start3A_141 = tpu.memref_squeeze %dma_start3A_140 : memref<1x50x128xf32, #tpu.memory_space<vmem>> -> memref<50x128xf32, #tpu.memory_space<vmem>>
    %dma_start3A_142 = arith.constant 0 : i32
    %dma_start3A_143 = tpu.memref_slice %arg7[%rem3A_131, %rem3A_134, %dma_start3A_142] : memref<2x10x50xi32, #tpu.memory_space<vmem>> -> memref<1x1x50xi32, #tpu.memory_space<vmem>>
    %dma_start3A_144 = tpu.memref_squeeze %dma_start3A_143 : memref<1x1x50xi32, #tpu.memory_space<vmem>> -> memref<50xi32, #tpu.memory_space<vmem>>
    %dma_start3A_145 = arith.constant 0 : i32
    %dma_start3A_146 = arith.constant 0 : i32
    %dma_start3A_147 = tpu.memref_slice %arg2[%dma_start3A_145, %dma_start3A_146] : memref<10000x128xf32, #tpu.memory_space<hbm>> -> memref<10000x128xf32, #tpu.memory_space<hbm>>
    %dma_start3A_148 = tpu.memref_slice %arg11[%rem3A_137] : memref<5x!tpu.dma_semaphore, #tpu.memory_space<semaphore_mem>> -> memref<1x!tpu.dma_semaphore, #tpu.memory_space<semaphore_mem>>
    %dma_start3A_149 = tpu.memref_squeeze %dma_start3A_148 : memref<1x!tpu.dma_semaphore, #tpu.memory_space<semaphore_mem>> -> memref<!tpu.dma_semaphore, #tpu.memory_space<semaphore_mem>>
    tpu.enqueue_indirect_dma source(%dma_start3A_147 : memref<10000x128xf32, #tpu.memory_space<hbm>>) target(%dma_start3A_141 : memref<50x128xf32, #tpu.memory_space<vmem>>) offsets(%dma_start3A_144 : memref<50xi32, #tpu.memory_space<vmem>>) semaphore(%dma_start3A_149 : memref<!tpu.dma_semaphore, #tpu.memory_space<semaphore_mem>>)
    %div3A_150 = arith.constant 1 : i32
    %div3A_151 = arith.constant 10 : i32
    %div3A_152 = arith.divsi %div3A_150, %div3A_151 : i32
    %rem3A_153 = arith.constant 2 : i32
    %rem3A_154 = arith.remsi %div3A_152, %rem3A_153 : i32
    %rem3A_155 = arith.constant 1 : i32
    %rem3A_156 = arith.constant 10 : i32
    %rem3A_157 = arith.remsi %rem3A_155, %rem3A_156 : i32
    %rem3A_158 = arith.constant 1 : i32
    %rem3A_159 = arith.constant 5 : i32
    %rem3A_160 = arith.remsi %rem3A_158, %rem3A_159 : i32
    %dma_start3A_161 = arith.constant 0 : i32
    %dma_start3A_162 = arith.constant 0 : i32
    %dma_start3A_163 = tpu.memref_slice %arg9[%rem3A_160, %dma_start3A_161, %dma_start3A_162] : memref<5x50x128xf32, #tpu.memory_space<vmem>> -> memref<1x50x128xf32, #tpu.memory_space<vmem>>
    %dma_start3A_164 = tpu.memref_squeeze %dma_start3A_163 : memref<1x50x128xf32, #tpu.memory_space<vmem>> -> memref<50x128xf32, #tpu.memory_space<vmem>>
    %dma_start3A_165 = arith.constant 0 : i32
    %dma_start3A_166 = tpu.memref_slice %arg7[%rem3A_154, %rem3A_157, %dma_start3A_165] : memref<2x10x50xi32, #tpu.memory_space<vmem>> -> memref<1x1x50xi32, #tpu.memory_space<vmem>>
    %dma_start3A_167 = tpu.memref_squeeze %dma_start3A_166 : memref<1x1x50xi32, #tpu.memory_space<vmem>> -> memref<50xi32, #tpu.memory_space<vmem>>
    %dma_start3A_168 = arith.constant 0 : i32
    %dma_start3A_169 = arith.constant 0 : i32
    %dma_start3A_170 = tpu.memref_slice %arg2[%dma_start3A_168, %dma_start3A_169] : memref<10000x128xf32, #tpu.memory_space<hbm>> -> memref<10000x128xf32, #tpu.memory_space<hbm>>
    %dma_start3A_171 = tpu.memref_slice %arg11[%rem3A_160] : memref<5x!tpu.dma_semaphore, #tpu.memory_space<semaphore_mem>> -> memref<1x!tpu.dma_semaphore, #tpu.memory_space<semaphore_mem>>
    %dma_start3A_172 = tpu.memref_squeeze %dma_start3A_171 : memref<1x!tpu.dma_semaphore, #tpu.memory_space<semaphore_mem>> -> memref<!tpu.dma_semaphore, #tpu.memory_space<semaphore_mem>>
    tpu.enqueue_indirect_dma source(%dma_start3A_170 : memref<10000x128xf32, #tpu.memory_space<hbm>>) target(%dma_start3A_164 : memref<50x128xf32, #tpu.memory_space<vmem>>) offsets(%dma_start3A_167 : memref<50xi32, #tpu.memory_space<vmem>>) semaphore(%dma_start3A_172 : memref<!tpu.dma_semaphore, #tpu.memory_space<semaphore_mem>>)
    %div3A_173 = arith.constant 2 : i32
    %div3A_174 = arith.constant 10 : i32
    %div3A_175 = arith.divsi %div3A_173, %div3A_174 : i32
    %rem3A_176 = arith.constant 2 : i32
    %rem3A_177 = arith.remsi %div3A_175, %rem3A_176 : i32
    %rem3A_178 = arith.constant 2 : i32
    %rem3A_179 = arith.constant 10 : i32
    %rem3A_180 = arith.remsi %rem3A_178, %rem3A_179 : i32
    %rem3A_181 = arith.constant 2 : i32
    %rem3A_182 = arith.constant 5 : i32
    %rem3A_183 = arith.remsi %rem3A_181, %rem3A_182 : i32
    %dma_start3A_184 = arith.constant 0 : i32
    %dma_start3A_185 = arith.constant 0 : i32
    %dma_start3A_186 = tpu.memref_slice %arg9[%rem3A_183, %dma_start3A_184, %dma_start3A_185] : memref<5x50x128xf32, #tpu.memory_space<vmem>> -> memref<1x50x128xf32, #tpu.memory_space<vmem>>
    %dma_start3A_187 = tpu.memref_squeeze %dma_start3A_186 : memref<1x50x128xf32, #tpu.memory_space<vmem>> -> memref<50x128xf32, #tpu.memory_space<vmem>>
    %dma_start3A_188 = arith.constant 0 : i32
    %dma_start3A_189 = tpu.memref_slice %arg7[%rem3A_177, %rem3A_180, %dma_start3A_188] : memref<2x10x50xi32, #tpu.memory_space<vmem>> -> memref<1x1x50xi32, #tpu.memory_space<vmem>>
    %dma_start3A_190 = tpu.memref_squeeze %dma_start3A_189 : memref<1x1x50xi32, #tpu.memory_space<vmem>> -> memref<50xi32, #tpu.memory_space<vmem>>
    %dma_start3A_191 = arith.constant 0 : i32
    %dma_start3A_192 = arith.constant 0 : i32
    %dma_start3A_193 = tpu.memref_slice %arg2[%dma_start3A_191, %dma_start3A_192] : memref<10000x128xf32, #tpu.memory_space<hbm>> -> memref<10000x128xf32, #tpu.memory_space<hbm>>
    %dma_start3A_194 = tpu.memref_slice %arg11[%rem3A_183] : memref<5x!tpu.dma_semaphore, #tpu.memory_space<semaphore_mem>> -> memref<1x!tpu.dma_semaphore, #tpu.memory_space<semaphore_mem>>
    %dma_start3A_195 = tpu.memref_squeeze %dma_start3A_194 : memref<1x!tpu.dma_semaphore, #tpu.memory_space<semaphore_mem>> -> memref<!tpu.dma_semaphore, #tpu.memory_space<semaphore_mem>>
    tpu.enqueue_indirect_dma source(%dma_start3A_193 : memref<10000x128xf32, #tpu.memory_space<hbm>>) target(%dma_start3A_187 : memref<50x128xf32, #tpu.memory_space<vmem>>) offsets(%dma_start3A_190 : memref<50xi32, #tpu.memory_space<vmem>>) semaphore(%dma_start3A_195 : memref<!tpu.dma_semaphore, #tpu.memory_space<semaphore_mem>>)
    %div3A_196 = arith.constant 3 : i32
    %div3A_197 = arith.constant 10 : i32
    %div3A_198 = arith.divsi %div3A_196, %div3A_197 : i32
    %rem3A_199 = arith.constant 2 : i32
    %rem3A_200 = arith.remsi %div3A_198, %rem3A_199 : i32
    %rem3A_201 = arith.constant 3 : i32
    %rem3A_202 = arith.constant 10 : i32
    %rem3A_203 = arith.remsi %rem3A_201, %rem3A_202 : i32
    %rem3A_204 = arith.constant 3 : i32
    %rem3A_205 = arith.constant 5 : i32
    %rem3A_206 = arith.remsi %rem3A_204, %rem3A_205 : i32
    %dma_start3A_207 = arith.constant 0 : i32
    %dma_start3A_208 = arith.constant 0 : i32
    %dma_start3A_209 = tpu.memref_slice %arg9[%rem3A_206, %dma_start3A_207, %dma_start3A_208] : memref<5x50x128xf32, #tpu.memory_space<vmem>> -> memref<1x50x128xf32, #tpu.memory_space<vmem>>
    %dma_start3A_210 = tpu.memref_squeeze %dma_start3A_209 : memref<1x50x128xf32, #tpu.memory_space<vmem>> -> memref<50x128xf32, #tpu.memory_space<vmem>>
    %dma_start3A_211 = arith.constant 0 : i32
    %dma_start3A_212 = tpu.memref_slice %arg7[%rem3A_200, %rem3A_203, %dma_start3A_211] : memref<2x10x50xi32, #tpu.memory_space<vmem>> -> memref<1x1x50xi32, #tpu.memory_space<vmem>>
    %dma_start3A_213 = tpu.memref_squeeze %dma_start3A_212 : memref<1x1x50xi32, #tpu.memory_space<vmem>> -> memref<50xi32, #tpu.memory_space<vmem>>
    %dma_start3A_214 = arith.constant 0 : i32
    %dma_start3A_215 = arith.constant 0 : i32
    %dma_start3A_216 = tpu.memref_slice %arg2[%dma_start3A_214, %dma_start3A_215] : memref<10000x128xf32, #tpu.memory_space<hbm>> -> memref<10000x128xf32, #tpu.memory_space<hbm>>
    %dma_start3A_217 = tpu.memref_slice %arg11[%rem3A_206] : memref<5x!tpu.dma_semaphore, #tpu.memory_space<semaphore_mem>> -> memref<1x!tpu.dma_semaphore, #tpu.memory_space<semaphore_mem>>
    %dma_start3A_218 = tpu.memref_squeeze %dma_start3A_217 : memref<1x!tpu.dma_semaphore, #tpu.memory_space<semaphore_mem>> -> memref<!tpu.dma_semaphore, #tpu.memory_space<semaphore_mem>>
    tpu.enqueue_indirect_dma source(%dma_start3A_216 : memref<10000x128xf32, #tpu.memory_space<hbm>>) target(%dma_start3A_210 : memref<50x128xf32, #tpu.memory_space<vmem>>) offsets(%dma_start3A_213 : memref<50xi32, #tpu.memory_space<vmem>>) semaphore(%dma_start3A_218 : memref<!tpu.dma_semaphore, #tpu.memory_space<semaphore_mem>>)
    %scan3A = arith.constant 0 : i32
    %scan3A_219 = arith.constant 0 : i32
    %scan3A_220 = arith.constant 200 : i32
    %scan3A_221 = arith.addi %scan3A_219, %scan3A_220 : i32
    %scan3A_222 = arith.constant 1 : i32
    scf.for %scan3A_252 = %scan3A_219 to %scan3A_221 step %scan3A_222  : i32 {
      %div3A_253 = arith.constant 10 : i32
      %div3A_254 = arith.divsi %scan3A_252, %div3A_253 : i32
      %rem3A_255 = arith.constant 2 : i32
      %rem3A_256 = arith.remsi %div3A_254, %rem3A_255 : i32
      %rem3A_257 = arith.constant 10 : i32
      %rem3A_258 = arith.remsi %scan3A_252, %rem3A_257 : i32
      %rem3A_259 = arith.constant 5 : i32
      %rem3A_260 = arith.remsi %scan3A_252, %rem3A_259 : i32
      %dma_wait3A_261 = arith.constant 0 : i32
      %dma_wait3A_262 = arith.constant 0 : i32
      %dma_wait3A_263 = tpu.memref_slice %arg9[%rem3A_260, %dma_wait3A_261, %dma_wait3A_262] : memref<5x50x128xf32, #tpu.memory_space<vmem>> -> memref<1x50x128xf32, #tpu.memory_space<vmem>>
      %dma_wait3A_264 = tpu.memref_squeeze %dma_wait3A_263 : memref<1x50x128xf32, #tpu.memory_space<vmem>> -> memref<50x128xf32, #tpu.memory_space<vmem>>
      %dma_wait3A_265 = arith.constant 0 : i32
      %dma_wait3A_266 = tpu.memref_slice %arg7[%rem3A_256, %rem3A_258, %dma_wait3A_265] : memref<2x10x50xi32, #tpu.memory_space<vmem>> -> memref<1x1x50xi32, #tpu.memory_space<vmem>>
      %dma_wait3A_267 = tpu.memref_squeeze %dma_wait3A_266 : memref<1x1x50xi32, #tpu.memory_space<vmem>> -> memref<50xi32, #tpu.memory_space<vmem>>
      %dma_wait3A_268 = arith.constant 0 : i32
      %dma_wait3A_269 = arith.constant 0 : i32
      %dma_wait3A_270 = tpu.memref_slice %arg2[%dma_wait3A_268, %dma_wait3A_269] : memref<10000x128xf32, #tpu.memory_space<hbm>> -> memref<10000x128xf32, #tpu.memory_space<hbm>>
      %dma_wait3A_271 = tpu.memref_slice %arg11[%rem3A_260] : memref<5x!tpu.dma_semaphore, #tpu.memory_space<semaphore_mem>> -> memref<1x!tpu.dma_semaphore, #tpu.memory_space<semaphore_mem>>
      %dma_wait3A_272 = tpu.memref_squeeze %dma_wait3A_271 : memref<1x!tpu.dma_semaphore, #tpu.memory_space<semaphore_mem>> -> memref<!tpu.dma_semaphore, #tpu.memory_space<semaphore_mem>>
      tpu.wait_indirect_dma semaphore(%dma_wait3A_272 : memref<!tpu.dma_semaphore, #tpu.memory_space<semaphore_mem>>) src(%dma_wait3A_270 : memref<10000x128xf32, #tpu.memory_space<hbm>>) dst(%dma_wait3A_264 : memref<50x128xf32, #tpu.memory_space<vmem>>)
      %div3A_273 = arith.constant 10 : i32
      %div3A_274 = arith.divsi %scan3A_252, %div3A_273 : i32
      %rem3A_275 = arith.constant 2 : i32
      %rem3A_276 = arith.remsi %div3A_274, %rem3A_275 : i32
      %rem3A_277 = arith.constant 10 : i32
      %rem3A_278 = arith.remsi %scan3A_252, %rem3A_277 : i32
      %rem3A_279 = arith.constant 5 : i32
      %rem3A_280 = arith.remsi %scan3A_252, %rem3A_279 : i32
      %dma_start3A_281 = arith.constant 0 : i32
      %dma_start3A_282 = arith.constant 0 : i32
      %dma_start3A_283 = tpu.memref_slice %arg9[%rem3A_280, %dma_start3A_281, %dma_start3A_282] : memref<5x50x128xf32, #tpu.memory_space<vmem>> -> memref<1x50x128xf32, #tpu.memory_space<vmem>>
      %dma_start3A_284 = tpu.memref_squeeze %dma_start3A_283 : memref<1x50x128xf32, #tpu.memory_space<vmem>> -> memref<50x128xf32, #tpu.memory_space<vmem>>
      %dma_start3A_285 = arith.constant 0 : i32
      %dma_start3A_286 = tpu.memref_slice %arg8[%rem3A_276, %rem3A_278, %dma_start3A_285] : memref<2x10x50xi32, #tpu.memory_space<vmem>> -> memref<1x1x50xi32, #tpu.memory_space<vmem>>
      %dma_start3A_287 = tpu.memref_squeeze %dma_start3A_286 : memref<1x1x50xi32, #tpu.memory_space<vmem>> -> memref<50xi32, #tpu.memory_space<vmem>>
      %dma_start3A_288 = arith.constant 0 : i32
      %dma_start3A_289 = arith.constant 0 : i32
      %dma_start3A_290 = tpu.memref_slice %arg10[%dma_start3A_288, %dma_start3A_289] : memref<10240x128xf32, #tpu.memory_space<vmem_shared>> -> memref<10240x128xf32, #tpu.memory_space<vmem_shared>>
      %dma_start3A_291 = tpu.memref_slice %arg12[%rem3A_280] : memref<5x!tpu.dma_semaphore, #tpu.memory_space<semaphore_mem>> -> memref<1x!tpu.dma_semaphore, #tpu.memory_space<semaphore_mem>>
      %dma_start3A_292 = tpu.memref_squeeze %dma_start3A_291 : memref<1x!tpu.dma_semaphore, #tpu.memory_space<semaphore_mem>> -> memref<!tpu.dma_semaphore, #tpu.memory_space<semaphore_mem>>
      tpu.enqueue_indirect_dma source(%dma_start3A_284 : memref<50x128xf32, #tpu.memory_space<vmem>>) target(%dma_start3A_290 : memref<10240x128xf32, #tpu.memory_space<vmem_shared>>) offsets(%dma_start3A_287 : memref<50xi32, #tpu.memory_space<vmem>>) semaphore(%dma_start3A_292 : memref<!tpu.dma_semaphore, #tpu.memory_space<semaphore_mem>>) {add = true}
      %ge3A = arith.constant 1 : i32
      %ge3A_293 = arith.cmpi sge, %scan3A_252, %ge3A : i32
      %convert_element_type3A = arith.extui %ge3A_293 : i1 to i32
      %cond3A = arith.constant 0 : i32
      %cond3A_294 = arith.cmpi ne, %convert_element_type3A, %cond3A : i32
      scf.if %cond3A_294 {
        %sub3A_310 = arith.constant 1 : i32
        %sub3A_311 = arith.subi %scan3A_252, %sub3A_310 : i32
        %div3A_312 = arith.constant 10 : i32
        %div3A_313 = arith.divsi %sub3A_311, %div3A_312 : i32
        %rem3A_314 = arith.constant 2 : i32
        %rem3A_315 = arith.remsi %div3A_313, %rem3A_314 : i32
        %rem3A_316 = arith.constant 10 : i32
        %rem3A_317 = arith.remsi %sub3A_311, %rem3A_316 : i32
        %rem3A_318 = arith.constant 5 : i32
        %rem3A_319 = arith.remsi %sub3A_311, %rem3A_318 : i32
        %dma_wait3A_320 = arith.constant 0 : i32
        %dma_wait3A_321 = arith.constant 0 : i32
        %dma_wait3A_322 = tpu.memref_slice %arg9[%rem3A_319, %dma_wait3A_320, %dma_wait3A_321] : memref<5x50x128xf32, #tpu.memory_space<vmem>> -> memref<1x50x128xf32, #tpu.memory_space<vmem>>
        %dma_wait3A_323 = tpu.memref_squeeze %dma_wait3A_322 : memref<1x50x128xf32, #tpu.memory_space<vmem>> -> memref<50x128xf32, #tpu.memory_space<vmem>>
        %dma_wait3A_324 = arith.constant 0 : i32
        %dma_wait3A_325 = tpu.memref_slice %arg8[%rem3A_315, %rem3A_317, %dma_wait3A_324] : memref<2x10x50xi32, #tpu.memory_space<vmem>> -> memref<1x1x50xi32, #tpu.memory_space<vmem>>
        %dma_wait3A_326 = tpu.memref_squeeze %dma_wait3A_325 : memref<1x1x50xi32, #tpu.memory_space<vmem>> -> memref<50xi32, #tpu.memory_space<vmem>>
        %dma_wait3A_327 = arith.constant 0 : i32
        %dma_wait3A_328 = arith.constant 0 : i32
        %dma_wait3A_329 = tpu.memref_slice %arg10[%dma_wait3A_327, %dma_wait3A_328] : memref<10240x128xf32, #tpu.memory_space<vmem_shared>> -> memref<10240x128xf32, #tpu.memory_space<vmem_shared>>
        %dma_wait3A_330 = tpu.memref_slice %arg12[%rem3A_319] : memref<5x!tpu.dma_semaphore, #tpu.memory_space<semaphore_mem>> -> memref<1x!tpu.dma_semaphore, #tpu.memory_space<semaphore_mem>>
        %dma_wait3A_331 = tpu.memref_squeeze %dma_wait3A_330 : memref<1x!tpu.dma_semaphore, #tpu.memory_space<semaphore_mem>> -> memref<!tpu.dma_semaphore, #tpu.memory_space<semaphore_mem>>
        tpu.wait_indirect_dma semaphore(%dma_wait3A_331 : memref<!tpu.dma_semaphore, #tpu.memory_space<semaphore_mem>>) src(%dma_wait3A_323 : memref<50x128xf32, #tpu.memory_space<vmem>>) dst(%dma_wait3A_329 : memref<10240x128xf32, #tpu.memory_space<vmem_shared>>)
      } else {
      }
      %ge3A_295 = arith.constant 1 : i32
      %ge3A_296 = arith.cmpi sge, %scan3A_252, %ge3A_295 : i32
      %rem3A_297 = arith.constant 10 : i32
      %rem3A_298 = arith.remsi %scan3A_252, %rem3A_297 : i32
      %eq3A = arith.constant 0 : i32
      %eq3A_299 = arith.cmpi eq, %rem3A_298, %eq3A : i32
      %and3A = arith.andi %ge3A_296, %eq3A_299 : i1
      %convert_element_type3A_300 = arith.extui %and3A : i1 to i32
      %cond3A_301 = arith.constant 0 : i32
      %cond3A_302 = arith.cmpi ne, %convert_element_type3A_300, %cond3A_301 : i32
      scf.if %cond3A_302 {
        %div3A_310 = arith.constant 10 : i32
        %div3A_311 = arith.divsi %scan3A_252, %div3A_310 : i32
        %add3A_312 = arith.constant 1 : i32
        %add3A_313 = arith.addi %div3A_311, %add3A_312 : i32
        %lt3A_314 = arith.constant 20 : i32
        %lt3A_315 = arith.cmpi slt, %add3A_313, %lt3A_314 : i32
        %convert_element_type3A_316 = arith.extui %lt3A_315 : i1 to i32
        %cond3A_317 = arith.constant 0 : i32
        %cond3A_318 = arith.cmpi ne, %convert_element_type3A_316, %cond3A_317 : i32
        scf.if %cond3A_318 {
          %add3A_319 = arith.constant 1 : i32
          %add3A_320 = arith.addi %div3A_311, %add3A_319 : i32
          %add3A_321 = arith.constant 1 : i32
          %add3A_322 = arith.addi %div3A_311, %add3A_321 : i32
          %rem3A_323 = arith.constant 2 : i32
          %rem3A_324 = arith.remsi %add3A_322, %rem3A_323 : i32
          %dma_start3A_325 = arith.constant 0 : i32
          %dma_start3A_326 = arith.constant 0 : i32
          %dma_start3A_327 = arith.constant 0 : i32
          %dma_start3A_328 = tpu.memref_slice %arg7[%rem3A_324, %dma_start3A_326, %dma_start3A_327] : memref<2x10x50xi32, #tpu.memory_space<vmem>> -> memref<1x10x50xi32, #tpu.memory_space<vmem>>
          %dma_start3A_329 = tpu.memref_squeeze %dma_start3A_328 : memref<1x10x50xi32, #tpu.memory_space<vmem>> -> memref<10x50xi32, #tpu.memory_space<vmem>>
          %dma_start3A_330 = arith.constant 0 : i32
          %dma_start3A_331 = arith.constant 0 : i32
          %dma_start3A_332 = tpu.memref_slice %arg3[%add3A, %add3A_320, %dma_start3A_330, %dma_start3A_331] : memref<32x20x10x50xi32, #tpu.memory_space<hbm>> -> memref<1x1x10x50xi32, #tpu.memory_space<hbm>>
          %dma_start3A_333 = tpu.memref_squeeze %dma_start3A_332 : memref<1x1x10x50xi32, #tpu.memory_space<hbm>> -> memref<10x50xi32, #tpu.memory_space<hbm>>
          %dma_start3A_334 = tpu.memref_slice %arg13[%dma_start3A_325] : memref<2x!tpu.dma_semaphore, #tpu.memory_space<semaphore_mem>> -> memref<1x!tpu.dma_semaphore, #tpu.memory_space<semaphore_mem>>
          %dma_start3A_335 = tpu.memref_squeeze %dma_start3A_334 : memref<1x!tpu.dma_semaphore, #tpu.memory_space<semaphore_mem>> -> memref<!tpu.dma_semaphore, #tpu.memory_space<semaphore_mem>>
          %dma_start3A_336 = arith.constant 0 : i32
          %dma_start3A_337 = arith.constant 0 : i32
          %dma_start3A_338 = tpu.memref_slice %arg7[%rem3A_324, %dma_start3A_336, %dma_start3A_337] : memref<2x10x50xi32, #tpu.memory_space<vmem>> -> memref<1x10x50xi32, #tpu.memory_space<vmem>>
          %dma_start3A_339 = tpu.memref_squeeze %dma_start3A_338 : memref<1x10x50xi32, #tpu.memory_space<vmem>> -> memref<10x50xi32, #tpu.memory_space<vmem>>
          %dma_start3A_340 = arith.constant 0 : i32
          %dma_start3A_341 = arith.constant 0 : i32
          %dma_start3A_342 = tpu.memref_slice %arg3[%add3A, %add3A_320, %dma_start3A_340, %dma_start3A_341] : memref<32x20x10x50xi32, #tpu.memory_space<hbm>> -> memref<1x1x10x50xi32, #tpu.memory_space<hbm>>
          %dma_start3A_343 = tpu.memref_squeeze %dma_start3A_342 : memref<1x1x10x50xi32, #tpu.memory_space<hbm>> -> memref<10x50xi32, #tpu.memory_space<hbm>>
          tpu.enqueue_dma source(%dma_start3A_343 : memref<10x50xi32, #tpu.memory_space<hbm>>) target(%dma_start3A_339 : memref<10x50xi32, #tpu.memory_space<vmem>>) target_semaphore(%dma_start3A_335 : memref<!tpu.dma_semaphore, #tpu.memory_space<semaphore_mem>>)
          %dma_start3A_344 = arith.constant 1 : i32
          %dma_start3A_345 = arith.constant 0 : i32
          %dma_start3A_346 = arith.constant 0 : i32
          %dma_start3A_347 = tpu.memref_slice %arg8[%rem3A_324, %dma_start3A_345, %dma_start3A_346] : memref<2x10x50xi32, #tpu.memory_space<vmem>> -> memref<1x10x50xi32, #tpu.memory_space<vmem>>
          %dma_start3A_348 = tpu.memref_squeeze %dma_start3A_347 : memref<1x10x50xi32, #tpu.memory_space<vmem>> -> memref<10x50xi32, #tpu.memory_space<vmem>>
          %dma_start3A_349 = arith.constant 0 : i32
          %dma_start3A_350 = arith.constant 0 : i32
          %dma_start3A_351 = tpu.memref_slice %arg4[%add3A, %add3A_320, %dma_start3A_349, %dma_start3A_350] : memref<32x20x10x50xi32, #tpu.memory_space<hbm>> -> memref<1x1x10x50xi32, #tpu.memory_space<hbm>>
          %dma_start3A_352 = tpu.memref_squeeze %dma_start3A_351 : memref<1x1x10x50xi32, #tpu.memory_space<hbm>> -> memref<10x50xi32, #tpu.memory_space<hbm>>
          %dma_start3A_353 = tpu.memref_slice %arg13[%dma_start3A_344] : memref<2x!tpu.dma_semaphore, #tpu.memory_space<semaphore_mem>> -> memref<1x!tpu.dma_semaphore, #tpu.memory_space<semaphore_mem>>
          %dma_start3A_354 = tpu.memref_squeeze %dma_start3A_353 : memref<1x!tpu.dma_semaphore, #tpu.memory_space<semaphore_mem>> -> memref<!tpu.dma_semaphore, #tpu.memory_space<semaphore_mem>>
          %dma_start3A_355 = arith.constant 0 : i32
          %dma_start3A_356 = arith.constant 0 : i32
          %dma_start3A_357 = tpu.memref_slice %arg8[%rem3A_324, %dma_start3A_355, %dma_start3A_356] : memref<2x10x50xi32, #tpu.memory_space<vmem>> -> memref<1x10x50xi32, #tpu.memory_space<vmem>>
          %dma_start3A_358 = tpu.memref_squeeze %dma_start3A_357 : memref<1x10x50xi32, #tpu.memory_space<vmem>> -> memref<10x50xi32, #tpu.memory_space<vmem>>
          %dma_start3A_359 = arith.constant 0 : i32
          %dma_start3A_360 = arith.constant 0 : i32
          %dma_start3A_361 = tpu.memref_slice %arg4[%add3A, %add3A_320, %dma_start3A_359, %dma_start3A_360] : memref<32x20x10x50xi32, #tpu.memory_space<hbm>> -> memref<1x1x10x50xi32, #tpu.memory_space<hbm>>
          %dma_start3A_362 = tpu.memref_squeeze %dma_start3A_361 : memref<1x1x10x50xi32, #tpu.memory_space<hbm>> -> memref<10x50xi32, #tpu.memory_space<hbm>>
          tpu.enqueue_dma source(%dma_start3A_362 : memref<10x50xi32, #tpu.memory_space<hbm>>) target(%dma_start3A_358 : memref<10x50xi32, #tpu.memory_space<vmem>>) target_semaphore(%dma_start3A_354 : memref<!tpu.dma_semaphore, #tpu.memory_space<semaphore_mem>>)
        } else {
        }
      } else {
      }
      %add3A_303 = arith.constant 5 : i32
      %add3A_304 = arith.addi %scan3A_252, %add3A_303 : i32
      %sub3A = arith.constant 1 : i32
      %sub3A_305 = arith.subi %add3A_304, %sub3A : i32
      %lt3A = arith.constant 200 : i32
      %lt3A_306 = arith.cmpi slt, %sub3A_305, %lt3A : i32
      %convert_element_type3A_307 = arith.extui %lt3A_306 : i1 to i32
      %cond3A_308 = arith.constant 0 : i32
      %cond3A_309 = arith.cmpi ne, %convert_element_type3A_307, %cond3A_308 : i32
      scf.if %cond3A_309 {
        %rem3A_310 = arith.constant 10 : i32
        %rem3A_311 = arith.remsi %sub3A_305, %rem3A_310 : i32
        %eq3A_312 = arith.constant 0 : i32
        %eq3A_313 = arith.cmpi eq, %rem3A_311, %eq3A_312 : i32
        %convert_element_type3A_314 = arith.extui %eq3A_313 : i1 to i32
        %cond3A_315 = arith.constant 0 : i32
        %cond3A_316 = arith.cmpi ne, %convert_element_type3A_314, %cond3A_315 : i32
        scf.if %cond3A_316 {
          %div3A_337 = arith.constant 10 : i32
          %div3A_338 = arith.divsi %sub3A_305, %div3A_337 : i32
          %rem3A_339 = arith.constant 2 : i32
          %rem3A_340 = arith.remsi %div3A_338, %rem3A_339 : i32
          %dma_wait3A_341 = arith.constant 0 : i32
          %dma_wait3A_342 = arith.constant 0 : i32
          %dma_wait3A_343 = arith.constant 0 : i32
          %dma_wait3A_344 = tpu.memref_slice %arg7[%rem3A_340, %dma_wait3A_342, %dma_wait3A_343] : memref<2x10x50xi32, #tpu.memory_space<vmem>> -> memref<1x10x50xi32, #tpu.memory_space<vmem>>
          %dma_wait3A_345 = tpu.memref_squeeze %dma_wait3A_344 : memref<1x10x50xi32, #tpu.memory_space<vmem>> -> memref<10x50xi32, #tpu.memory_space<vmem>>
          %dma_wait3A_346 = arith.constant 0 : i32
          %dma_wait3A_347 = arith.constant 0 : i32
          %dma_wait3A_348 = tpu.memref_slice %arg3[%add3A, %div3A_338, %dma_wait3A_346, %dma_wait3A_347] : memref<32x20x10x50xi32, #tpu.memory_space<hbm>> -> memref<1x1x10x50xi32, #tpu.memory_space<hbm>>
          %dma_wait3A_349 = tpu.memref_squeeze %dma_wait3A_348 : memref<1x1x10x50xi32, #tpu.memory_space<hbm>> -> memref<10x50xi32, #tpu.memory_space<hbm>>
          %dma_wait3A_350 = tpu.memref_slice %arg13[%dma_wait3A_341] : memref<2x!tpu.dma_semaphore, #tpu.memory_space<semaphore_mem>> -> memref<1x!tpu.dma_semaphore, #tpu.memory_space<semaphore_mem>>
          %dma_wait3A_351 = tpu.memref_squeeze %dma_wait3A_350 : memref<1x!tpu.dma_semaphore, #tpu.memory_space<semaphore_mem>> -> memref<!tpu.dma_semaphore, #tpu.memory_space<semaphore_mem>>
          %dma_wait3A_352 = arith.constant 0 : i32
          %dma_wait3A_353 = arith.constant 0 : i32
          %dma_wait3A_354 = tpu.memref_slice %arg7[%rem3A_340, %dma_wait3A_352, %dma_wait3A_353] : memref<2x10x50xi32, #tpu.memory_space<vmem>> -> memref<1x10x50xi32, #tpu.memory_space<vmem>>
          %dma_wait3A_355 = tpu.memref_squeeze %dma_wait3A_354 : memref<1x10x50xi32, #tpu.memory_space<vmem>> -> memref<10x50xi32, #tpu.memory_space<vmem>>
          %dma_wait3A_356 = arith.constant 0 : i32
          %dma_wait3A_357 = arith.constant 0 : i32
          %dma_wait3A_358 = tpu.memref_slice %arg3[%add3A, %div3A_338, %dma_wait3A_356, %dma_wait3A_357] : memref<32x20x10x50xi32, #tpu.memory_space<hbm>> -> memref<1x1x10x50xi32, #tpu.memory_space<hbm>>
          %dma_wait3A_359 = tpu.memref_squeeze %dma_wait3A_358 : memref<1x1x10x50xi32, #tpu.memory_space<hbm>> -> memref<10x50xi32, #tpu.memory_space<hbm>>
          tpu.wait_dma2 semaphore(%dma_wait3A_351 : memref<!tpu.dma_semaphore, #tpu.memory_space<semaphore_mem>>) src(%dma_wait3A_359 : memref<10x50xi32, #tpu.memory_space<hbm>>) dst(%dma_wait3A_355 : memref<10x50xi32, #tpu.memory_space<vmem>>)
          %dma_wait3A_360 = arith.constant 1 : i32
          %dma_wait3A_361 = arith.constant 0 : i32
          %dma_wait3A_362 = arith.constant 0 : i32
          %dma_wait3A_363 = tpu.memref_slice %arg8[%rem3A_340, %dma_wait3A_361, %dma_wait3A_362] : memref<2x10x50xi32, #tpu.memory_space<vmem>> -> memref<1x10x50xi32, #tpu.memory_space<vmem>>
          %dma_wait3A_364 = tpu.memref_squeeze %dma_wait3A_363 : memref<1x10x50xi32, #tpu.memory_space<vmem>> -> memref<10x50xi32, #tpu.memory_space<vmem>>
          %dma_wait3A_365 = arith.constant 0 : i32
          %dma_wait3A_366 = arith.constant 0 : i32
          %dma_wait3A_367 = tpu.memref_slice %arg4[%add3A, %div3A_338, %dma_wait3A_365, %dma_wait3A_366] : memref<32x20x10x50xi32, #tpu.memory_space<hbm>> -> memref<1x1x10x50xi32, #tpu.memory_space<hbm>>
          %dma_wait3A_368 = tpu.memref_squeeze %dma_wait3A_367 : memref<1x1x10x50xi32, #tpu.memory_space<hbm>> -> memref<10x50xi32, #tpu.memory_space<hbm>>
          %dma_wait3A_369 = tpu.memref_slice %arg13[%dma_wait3A_360] : memref<2x!tpu.dma_semaphore, #tpu.memory_space<semaphore_mem>> -> memref<1x!tpu.dma_semaphore, #tpu.memory_space<semaphore_mem>>
          %dma_wait3A_370 = tpu.memref_squeeze %dma_wait3A_369 : memref<1x!tpu.dma_semaphore, #tpu.memory_space<semaphore_mem>> -> memref<!tpu.dma_semaphore, #tpu.memory_space<semaphore_mem>>
          %dma_wait3A_371 = arith.constant 0 : i32
          %dma_wait3A_372 = arith.constant 0 : i32
          %dma_wait3A_373 = tpu.memref_slice %arg8[%rem3A_340, %dma_wait3A_371, %dma_wait3A_372] : memref<2x10x50xi32, #tpu.memory_space<vmem>> -> memref<1x10x50xi32, #tpu.memory_space<vmem>>
          %dma_wait3A_374 = tpu.memref_squeeze %dma_wait3A_373 : memref<1x10x50xi32, #tpu.memory_space<vmem>> -> memref<10x50xi32, #tpu.memory_space<vmem>>
          %dma_wait3A_375 = arith.constant 0 : i32
          %dma_wait3A_376 = arith.constant 0 : i32
          %dma_wait3A_377 = tpu.memref_slice %arg4[%add3A, %div3A_338, %dma_wait3A_375, %dma_wait3A_376] : memref<32x20x10x50xi32, #tpu.memory_space<hbm>> -> memref<1x1x10x50xi32, #tpu.memory_space<hbm>>
          %dma_wait3A_378 = tpu.memref_squeeze %dma_wait3A_377 : memref<1x1x10x50xi32, #tpu.memory_space<hbm>> -> memref<10x50xi32, #tpu.memory_space<hbm>>
          tpu.wait_dma2 semaphore(%dma_wait3A_370 : memref<!tpu.dma_semaphore, #tpu.memory_space<semaphore_mem>>) src(%dma_wait3A_378 : memref<10x50xi32, #tpu.memory_space<hbm>>) dst(%dma_wait3A_374 : memref<10x50xi32, #tpu.memory_space<vmem>>)
        } else {
        }
        %div3A_317 = arith.constant 10 : i32
        %div3A_318 = arith.divsi %sub3A_305, %div3A_317 : i32
        %rem3A_319 = arith.constant 2 : i32
        %rem3A_320 = arith.remsi %div3A_318, %rem3A_319 : i32
        %rem3A_321 = arith.constant 10 : i32
        %rem3A_322 = arith.remsi %sub3A_305, %rem3A_321 : i32
        %rem3A_323 = arith.constant 5 : i32
        %rem3A_324 = arith.remsi %sub3A_305, %rem3A_323 : i32
        %dma_start3A_325 = arith.constant 0 : i32
        %dma_start3A_326 = arith.constant 0 : i32
        %dma_start3A_327 = tpu.memref_slice %arg9[%rem3A_324, %dma_start3A_325, %dma_start3A_326] : memref<5x50x128xf32, #tpu.memory_space<vmem>> -> memref<1x50x128xf32, #tpu.memory_space<vmem>>
        %dma_start3A_328 = tpu.memref_squeeze %dma_start3A_327 : memref<1x50x128xf32, #tpu.memory_space<vmem>> -> memref<50x128xf32, #tpu.memory_space<vmem>>
        %dma_start3A_329 = arith.constant 0 : i32
        %dma_start3A_330 = tpu.memref_slice %arg7[%rem3A_320, %rem3A_322, %dma_start3A_329] : memref<2x10x50xi32, #tpu.memory_space<vmem>> -> memref<1x1x50xi32, #tpu.memory_space<vmem>>
        %dma_start3A_331 = tpu.memref_squeeze %dma_start3A_330 : memref<1x1x50xi32, #tpu.memory_space<vmem>> -> memref<50xi32, #tpu.memory_space<vmem>>
        %dma_start3A_332 = arith.constant 0 : i32
        %dma_start3A_333 = arith.constant 0 : i32
        %dma_start3A_334 = tpu.memref_slice %arg2[%dma_start3A_332, %dma_start3A_333] : memref<10000x128xf32, #tpu.memory_space<hbm>> -> memref<10000x128xf32, #tpu.memory_space<hbm>>
        %dma_start3A_335 = tpu.memref_slice %arg11[%rem3A_324] : memref<5x!tpu.dma_semaphore, #tpu.memory_space<semaphore_mem>> -> memref<1x!tpu.dma_semaphore, #tpu.memory_space<semaphore_mem>>
        %dma_start3A_336 = tpu.memref_squeeze %dma_start3A_335 : memref<1x!tpu.dma_semaphore, #tpu.memory_space<semaphore_mem>> -> memref<!tpu.dma_semaphore, #tpu.memory_space<semaphore_mem>>
        tpu.enqueue_indirect_dma source(%dma_start3A_334 : memref<10000x128xf32, #tpu.memory_space<hbm>>) target(%dma_start3A_328 : memref<50x128xf32, #tpu.memory_space<vmem>>) offsets(%dma_start3A_331 : memref<50xi32, #tpu.memory_space<vmem>>) semaphore(%dma_start3A_336 : memref<!tpu.dma_semaphore, #tpu.memory_space<semaphore_mem>>)
      } else {
      }
    }
    %scan3A_223 = arith.constant 200 : i32
    %div3A_224 = arith.constant 199 : i32
    %div3A_225 = arith.constant 10 : i32
    %div3A_226 = arith.divsi %div3A_224, %div3A_225 : i32
    %rem3A_227 = arith.constant 2 : i32
    %rem3A_228 = arith.remsi %div3A_226, %rem3A_227 : i32
    %rem3A_229 = arith.constant 199 : i32
    %rem3A_230 = arith.constant 10 : i32
    %rem3A_231 = arith.remsi %rem3A_229, %rem3A_230 : i32
    %rem3A_232 = arith.constant 199 : i32
    %rem3A_233 = arith.constant 5 : i32
    %rem3A_234 = arith.remsi %rem3A_232, %rem3A_233 : i32
    %dma_wait3A_235 = arith.constant 0 : i32
    %dma_wait3A_236 = arith.constant 0 : i32
    %dma_wait3A_237 = tpu.memref_slice %arg9[%rem3A_234, %dma_wait3A_235, %dma_wait3A_236] : memref<5x50x128xf32, #tpu.memory_space<vmem>> -> memref<1x50x128xf32, #tpu.memory_space<vmem>>
    %dma_wait3A_238 = tpu.memref_squeeze %dma_wait3A_237 : memref<1x50x128xf32, #tpu.memory_space<vmem>> -> memref<50x128xf32, #tpu.memory_space<vmem>>
    %dma_wait3A_239 = arith.constant 0 : i32
    %dma_wait3A_240 = tpu.memref_slice %arg8[%rem3A_228, %rem3A_231, %dma_wait3A_239] : memref<2x10x50xi32, #tpu.memory_space<vmem>> -> memref<1x1x50xi32, #tpu.memory_space<vmem>>
    %dma_wait3A_241 = tpu.memref_squeeze %dma_wait3A_240 : memref<1x1x50xi32, #tpu.memory_space<vmem>> -> memref<50xi32, #tpu.memory_space<vmem>>
    %dma_wait3A_242 = arith.constant 0 : i32
    %dma_wait3A_243 = arith.constant 0 : i32
    %dma_wait3A_244 = tpu.memref_slice %arg10[%dma_wait3A_242, %dma_wait3A_243] : memref<10240x128xf32, #tpu.memory_space<vmem_shared>> -> memref<10240x128xf32, #tpu.memory_space<vmem_shared>>
    %dma_wait3A_245 = tpu.memref_slice %arg12[%rem3A_234] : memref<5x!tpu.dma_semaphore, #tpu.memory_space<semaphore_mem>> -> memref<1x!tpu.dma_semaphore, #tpu.memory_space<semaphore_mem>>
    %dma_wait3A_246 = tpu.memref_squeeze %dma_wait3A_245 : memref<1x!tpu.dma_semaphore, #tpu.memory_space<semaphore_mem>> -> memref<!tpu.dma_semaphore, #tpu.memory_space<semaphore_mem>>
    tpu.wait_indirect_dma semaphore(%dma_wait3A_246 : memref<!tpu.dma_semaphore, #tpu.memory_space<semaphore_mem>>) src(%dma_wait3A_238 : memref<50x128xf32, #tpu.memory_space<vmem>>) dst(%dma_wait3A_244 : memref<10240x128xf32, #tpu.memory_space<vmem_shared>>)
    %barrier3A_247 = arith.constant 0 : index
    tpu.barrier barrier_id(%barrier3A_247)
    %mul3A_248 = arith.constant 640 : i32
    %mul3A_249 = arith.muli %arg1, %mul3A_248 : i32
    %mul3A_250 = arith.constant 640 : i32
    %mul3A_251 = arith.muli %arg1, %mul3A_250 : i32
    "tpu.region"() ({
      %run_scoped3A = tpu.sem_alloc : memref<!tpu.dma_semaphore, #tpu.memory_space<semaphore_mem>>
      %dma_start3A_252 = arith.constant 0 : i32
      %dma_start3A_253 = tpu.memref_slice %arg6[%arg0, %mul3A_251, %dma_start3A_252] : memref<2x10240x128xf32, #tpu.memory_space<hbm>> -> memref<1x640x128xf32, #tpu.memory_space<hbm>>
      %dma_start3A_254 = tpu.memref_squeeze %dma_start3A_253 : memref<1x640x128xf32, #tpu.memory_space<hbm>> -> memref<640x128xf32, #tpu.memory_space<hbm>>
      %dma_start3A_255 = arith.constant 0 : i32
      %dma_start3A_256 = tpu.memref_slice %arg10[%mul3A_249, %dma_start3A_255] : memref<10240x128xf32, #tpu.memory_space<vmem_shared>> -> memref<640x128xf32, #tpu.memory_space<vmem_shared>>
      tpu.enqueue_dma source(%dma_start3A_256 : memref<640x128xf32, #tpu.memory_space<vmem_shared>>) target(%dma_start3A_254 : memref<640x128xf32, #tpu.memory_space<hbm>>) target_semaphore(%run_scoped3A : memref<!tpu.dma_semaphore, #tpu.memory_space<semaphore_mem>>)
      %dma_wait3A_257 = arith.constant 0 : i32
      %dma_wait3A_258 = tpu.memref_slice %arg6[%arg0, %mul3A_251, %dma_wait3A_257] : memref<2x10240x128xf32, #tpu.memory_space<hbm>> -> memref<1x640x128xf32, #tpu.memory_space<hbm>>
      %dma_wait3A_259 = tpu.memref_squeeze %dma_wait3A_258 : memref<1x640x128xf32, #tpu.memory_space<hbm>> -> memref<640x128xf32, #tpu.memory_space<hbm>>
      %dma_wait3A_260 = arith.constant 0 : i32
      %dma_wait3A_261 = tpu.memref_slice %arg10[%mul3A_249, %dma_wait3A_260] : memref<10240x128xf32, #tpu.memory_space<vmem_shared>> -> memref<640x128xf32, #tpu.memory_space<vmem_shared>>
      tpu.wait_dma2 semaphore(%run_scoped3A : memref<!tpu.dma_semaphore, #tpu.memory_space<semaphore_mem>>) src(%dma_wait3A_261 : memref<640x128xf32, #tpu.memory_space<vmem_shared>>) dst(%dma_wait3A_259 : memref<640x128xf32, #tpu.memory_space<hbm>>)
      tpu.yield
    }) : () -> ()
    return
  }
}

#map = affine_map<(d0, d1) -> (0, 0)>
#map1 = affine_map<(d0, d1) -> (0, 0, 0, 0)>
#map2 = affine_map<(d0, d1) -> (0, 0, 0)>
module attributes {stable_mosaic.version = 14 : i64} {
  func.func @_agg_kernel(%arg0: i32, %arg1: i32, %arg2: memref<10000x128xf32, #tpu.memory_space<hbm>>, %arg3: memref<32x20x10x50xi32, #tpu.memory_space<hbm>>, %arg4: memref<32x20x10x50xi32, #tpu.memory_space<hbm>>, %arg5: memref<10240x128xf32, #tpu.memory_space<hbm>>, %arg6: memref<2x10240x128xf32, #tpu.memory_space<hbm>>, %arg7: memref<2x10x50xi32, #tpu.memory_space<vmem>>, %arg8: memref<2x10x50xi32, #tpu.memory_space<vmem>>, %arg9: memref<5x50x128xf32, #tpu.memory_space<vmem>>, %arg10: memref<10240x128xf32, #tpu.memory_space<vmem_shared>>, %arg11: memref<5x!tpu.dma_semaphore, #tpu.memory_space<semaphore_mem>>, %arg12: memref<5x!tpu.dma_semaphore, #tpu.memory_space<semaphore_mem>>, %arg13: memref<2x!tpu.dma_semaphore, #tpu.memory_space<semaphore_mem>>) attributes {dimension_semantics = [#tpu.dimension_semantics<core_parallel>, #tpu.dimension_semantics<subcore_parallel>], iteration_bounds = array<i64: 2, 16>, scalar_prefetch = 0 : i64, scratch_operands = 7 : i64, tpu.core_type = #tpu.core_type<sc_vector_subcore>, window_params = [{transform_indices = #map}, {transform_indices = #map1}, {transform_indices = #map1}, {transform_indices = #map}, {transform_indices = #map2}]} {
    %mul3A = arith.constant 16 : i32
    %mul3A_0 = arith.muli %arg0, %mul3A : i32
    %add3A = arith.addi %mul3A_0, %arg1 : i32
    %dma_start3A = arith.constant 0 : i32
    %dma_start3A_1 = arith.constant 0 : i32
    %dma_start3A_2 = arith.constant 0 : i32
    %dma_start3A_3 = arith.constant 0 : i32
    %dma_start3A_4 = arith.constant 0 : i32
    %dma_start3A_5 = tpu.memref_slice %arg7[%dma_start3A_1, %dma_start3A_3, %dma_start3A_4] : memref<2x10x50xi32, #tpu.memory_space<vmem>> -> memref<1x10x50xi32, #tpu.memory_space<vmem>>
    %dma_start3A_6 = tpu.memref_squeeze %dma_start3A_5 : memref<1x10x50xi32, #tpu.memory_space<vmem>> -> memref<10x50xi32, #tpu.memory_space<vmem>>
    %dma_start3A_7 = arith.constant 0 : i32
    %dma_start3A_8 = arith.constant 0 : i32
    %dma_start3A_9 = tpu.memref_slice %arg3[%add3A, %dma_start3A, %dma_start3A_7, %dma_start3A_8] : memref<32x20x10x50xi32, #tpu.memory_space<hbm>> -> memref<1x1x10x50xi32, #tpu.memory_space<hbm>>
    %dma_start3A_10 = tpu.memref_squeeze %dma_start3A_9 : memref<1x1x10x50xi32, #tpu.memory_space<hbm>> -> memref<10x50xi32, #tpu.memory_space<hbm>>
    %dma_start3A_11 = tpu.memref_slice %arg13[%dma_start3A_2] : memref<2x!tpu.dma_semaphore, #tpu.memory_space<semaphore_mem>> -> memref<1x!tpu.dma_semaphore, #tpu.memory_space<semaphore_mem>>
    %dma_start3A_12 = tpu.memref_squeeze %dma_start3A_11 : memref<1x!tpu.dma_semaphore, #tpu.memory_space<semaphore_mem>> -> memref<!tpu.dma_semaphore, #tpu.memory_space<semaphore_mem>>
    %dma_start3A_13 = arith.constant 0 : i32
    %dma_start3A_14 = arith.constant 0 : i32
    %dma_start3A_15 = tpu.memref_slice %arg7[%dma_start3A_1, %dma_start3A_13, %dma_start3A_14] : memref<2x10x50xi32, #tpu.memory_space<vmem>> -> memref<1x10x50xi32, #tpu.memory_space<vmem>>
    %dma_start3A_16 = tpu.memref_squeeze %dma_start3A_15 : memref<1x10x50xi32, #tpu.memory_space<vmem>> -> memref<10x50xi32, #tpu.memory_space<vmem>>
    %dma_start3A_17 = arith.constant 0 : i32
    %dma_start3A_18 = arith.constant 0 : i32
    %dma_start3A_19 = tpu.memref_slice %arg3[%add3A, %dma_start3A, %dma_start3A_17, %dma_start3A_18] : memref<32x20x10x50xi32, #tpu.memory_space<hbm>> -> memref<1x1x10x50xi32, #tpu.memory_space<hbm>>
    %dma_start3A_20 = tpu.memref_squeeze %dma_start3A_19 : memref<1x1x10x50xi32, #tpu.memory_space<hbm>> -> memref<10x50xi32, #tpu.memory_space<hbm>>
    tpu.enqueue_dma source(%dma_start3A_20 : memref<10x50xi32, #tpu.memory_space<hbm>>) target(%dma_start3A_16 : memref<10x50xi32, #tpu.memory_space<vmem>>) target_semaphore(%dma_start3A_12 : memref<!tpu.dma_semaphore, #tpu.memory_space<semaphore_mem>>)
    %dma_start3A_21 = arith.constant 0 : i32
    %dma_start3A_22 = arith.constant 0 : i32
    %dma_start3A_23 = arith.constant 1 : i32
    %dma_start3A_24 = arith.constant 0 : i32
    %dma_start3A_25 = arith.constant 0 : i32
    %dma_start3A_26 = tpu.memref_slice %arg8[%dma_start3A_22, %dma_start3A_24, %dma_start3A_25] : memref<2x10x50xi32, #tpu.memory_space<vmem>> -> memref<1x10x50xi32, #tpu.memory_space<vmem>>
    %dma_start3A_27 = tpu.memref_squeeze %dma_start3A_26 : memref<1x10x50xi32, #tpu.memory_space<vmem>> -> memref<10x50xi32, #tpu.memory_space<vmem>>
    %dma_start3A_28 = arith.constant 0 : i32
    %dma_start3A_29 = arith.constant 0 : i32
    %dma_start3A_30 = tpu.memref_slice %arg4[%add3A, %dma_start3A_21, %dma_start3A_28, %dma_start3A_29] : memref<32x20x10x50xi32, #tpu.memory_space<hbm>> -> memref<1x1x10x50xi32, #tpu.memory_space<hbm>>
    %dma_start3A_31 = tpu.memref_squeeze %dma_start3A_30 : memref<1x1x10x50xi32, #tpu.memory_space<hbm>> -> memref<10x50xi32, #tpu.memory_space<hbm>>
    %dma_start3A_32 = tpu.memref_slice %arg13[%dma_start3A_23] : memref<2x!tpu.dma_semaphore, #tpu.memory_space<semaphore_mem>> -> memref<1x!tpu.dma_semaphore, #tpu.memory_space<semaphore_mem>>
    %dma_start3A_33 = tpu.memref_squeeze %dma_start3A_32 : memref<1x!tpu.dma_semaphore, #tpu.memory_space<semaphore_mem>> -> memref<!tpu.dma_semaphore, #tpu.memory_space<semaphore_mem>>
    %dma_start3A_34 = arith.constant 0 : i32
    %dma_start3A_35 = arith.constant 0 : i32
    %dma_start3A_36 = tpu.memref_slice %arg8[%dma_start3A_22, %dma_start3A_34, %dma_start3A_35] : memref<2x10x50xi32, #tpu.memory_space<vmem>> -> memref<1x10x50xi32, #tpu.memory_space<vmem>>
    %dma_start3A_37 = tpu.memref_squeeze %dma_start3A_36 : memref<1x10x50xi32, #tpu.memory_space<vmem>> -> memref<10x50xi32, #tpu.memory_space<vmem>>
    %dma_start3A_38 = arith.constant 0 : i32
    %dma_start3A_39 = arith.constant 0 : i32
    %dma_start3A_40 = tpu.memref_slice %arg4[%add3A, %dma_start3A_21, %dma_start3A_38, %dma_start3A_39] : memref<32x20x10x50xi32, #tpu.memory_space<hbm>> -> memref<1x1x10x50xi32, #tpu.memory_space<hbm>>
    %dma_start3A_41 = tpu.memref_squeeze %dma_start3A_40 : memref<1x1x10x50xi32, #tpu.memory_space<hbm>> -> memref<10x50xi32, #tpu.memory_space<hbm>>
    tpu.enqueue_dma source(%dma_start3A_41 : memref<10x50xi32, #tpu.memory_space<hbm>>) target(%dma_start3A_37 : memref<10x50xi32, #tpu.memory_space<vmem>>) target_semaphore(%dma_start3A_33 : memref<!tpu.dma_semaphore, #tpu.memory_space<semaphore_mem>>)
    %mul3A_42 = arith.constant 640 : i32
    %mul3A_43 = arith.muli %arg1, %mul3A_42 : i32
    %mul3A_44 = arith.constant 640 : i32
    %mul3A_45 = arith.muli %arg1, %mul3A_44 : i32
    "tpu.region"() ({
      %run_scoped3A = tpu.sem_alloc : memref<!tpu.dma_semaphore, #tpu.memory_space<semaphore_mem>>
      %dma_start3A_252 = arith.constant 0 : i32
      %dma_start3A_253 = tpu.memref_slice %arg10[%mul3A_45, %dma_start3A_252] : memref<10240x128xf32, #tpu.memory_space<vmem_shared>> -> memref<640x128xf32, #tpu.memory_space<vmem_shared>>
      %dma_start3A_254 = arith.constant 0 : i32
      %dma_start3A_255 = tpu.memref_slice %arg5[%mul3A_43, %dma_start3A_254] : memref<10240x128xf32, #tpu.memory_space<hbm>> -> memref<640x128xf32, #tpu.memory_space<hbm>>
      tpu.enqueue_dma source(%dma_start3A_255 : memref<640x128xf32, #tpu.memory_space<hbm>>) target(%dma_start3A_253 : memref<640x128xf32, #tpu.memory_space<vmem_shared>>) target_semaphore(%run_scoped3A : memref<!tpu.dma_semaphore, #tpu.memory_space<semaphore_mem>>)
      %dma_wait3A_256 = arith.constant 0 : i32
      %dma_wait3A_257 = tpu.memref_slice %arg10[%mul3A_45, %dma_wait3A_256] : memref<10240x128xf32, #tpu.memory_space<vmem_shared>> -> memref<640x128xf32, #tpu.memory_space<vmem_shared>>
      %dma_wait3A_258 = arith.constant 0 : i32
      %dma_wait3A_259 = tpu.memref_slice %arg5[%mul3A_43, %dma_wait3A_258] : memref<10240x128xf32, #tpu.memory_space<hbm>> -> memref<640x128xf32, #tpu.memory_space<hbm>>
      tpu.wait_dma2 semaphore(%run_scoped3A : memref<!tpu.dma_semaphore, #tpu.memory_space<semaphore_mem>>) src(%dma_wait3A_259 : memref<640x128xf32, #tpu.memory_space<hbm>>) dst(%dma_wait3A_257 : memref<640x128xf32, #tpu.memory_space<vmem_shared>>)
      tpu.yield
    }) : () -> ()
    %barrier3A = arith.constant 0 : index
    tpu.barrier barrier_id(%barrier3A)
    %dma_wait3A = arith.constant 0 : i32
    %dma_wait3A_46 = arith.constant 0 : i32
    %dma_wait3A_47 = arith.constant 0 : i32
    %dma_wait3A_48 = arith.constant 0 : i32
    %dma_wait3A_49 = arith.constant 0 : i32
    %dma_wait3A_50 = tpu.memref_slice %arg7[%dma_wait3A_46, %dma_wait3A_48, %dma_wait3A_49] : memref<2x10x50xi32, #tpu.memory_space<vmem>> -> memref<1x10x50xi32, #tpu.memory_space<vmem>>
    %dma_wait3A_51 = tpu.memref_squeeze %dma_wait3A_50 : memref<1x10x50xi32, #tpu.memory_space<vmem>> -> memref<10x50xi32, #tpu.memory_space<vmem>>
    %dma_wait3A_52 = arith.constant 0 : i32
    %dma_wait3A_53 = arith.constant 0 : i32
    %dma_wait3A_54 = tpu.memref_slice %arg3[%add3A, %dma_wait3A, %dma_wait3A_52, %dma_wait3A_53] : memref<32x20x10x50xi32, #tpu.memory_space<hbm>> -> memref<1x1x10x50xi32, #tpu.memory_space<hbm>>
    %dma_wait3A_55 = tpu.memref_squeeze %dma_wait3A_54 : memref<1x1x10x50xi32, #tpu.memory_space<hbm>> -> memref<10x50xi32, #tpu.memory_space<hbm>>
    %dma_wait3A_56 = tpu.memref_slice %arg13[%dma_wait3A_47] : memref<2x!tpu.dma_semaphore, #tpu.memory_space<semaphore_mem>> -> memref<1x!tpu.dma_semaphore, #tpu.memory_space<semaphore_mem>>
    %dma_wait3A_57 = tpu.memref_squeeze %dma_wait3A_56 : memref<1x!tpu.dma_semaphore, #tpu.memory_space<semaphore_mem>> -> memref<!tpu.dma_semaphore, #tpu.memory_space<semaphore_mem>>
    %dma_wait3A_58 = arith.constant 0 : i32
    %dma_wait3A_59 = arith.constant 0 : i32
    %dma_wait3A_60 = tpu.memref_slice %arg7[%dma_wait3A_46, %dma_wait3A_58, %dma_wait3A_59] : memref<2x10x50xi32, #tpu.memory_space<vmem>> -> memref<1x10x50xi32, #tpu.memory_space<vmem>>
    %dma_wait3A_61 = tpu.memref_squeeze %dma_wait3A_60 : memref<1x10x50xi32, #tpu.memory_space<vmem>> -> memref<10x50xi32, #tpu.memory_space<vmem>>
    %dma_wait3A_62 = arith.constant 0 : i32
    %dma_wait3A_63 = arith.constant 0 : i32
    %dma_wait3A_64 = tpu.memref_slice %arg3[%add3A, %dma_wait3A, %dma_wait3A_62, %dma_wait3A_63] : memref<32x20x10x50xi32, #tpu.memory_space<hbm>> -> memref<1x1x10x50xi32, #tpu.memory_space<hbm>>
    %dma_wait3A_65 = tpu.memref_squeeze %dma_wait3A_64 : memref<1x1x10x50xi32, #tpu.memory_space<hbm>> -> memref<10x50xi32, #tpu.memory_space<hbm>>
    tpu.wait_dma2 semaphore(%dma_wait3A_57 : memref<!tpu.dma_semaphore, #tpu.memory_space<semaphore_mem>>) src(%dma_wait3A_65 : memref<10x50xi32, #tpu.memory_space<hbm>>) dst(%dma_wait3A_61 : memref<10x50xi32, #tpu.memory_space<vmem>>)
    %dma_wait3A_66 = arith.constant 0 : i32
    %dma_wait3A_67 = arith.constant 0 : i32
    %dma_wait3A_68 = arith.constant 1 : i32
    %dma_wait3A_69 = arith.constant 0 : i32
    %dma_wait3A_70 = arith.constant 0 : i32
    %dma_wait3A_71 = tpu.memref_slice %arg8[%dma_wait3A_67, %dma_wait3A_69, %dma_wait3A_70] : memref<2x10x50xi32, #tpu.memory_space<vmem>> -> memref<1x10x50xi32, #tpu.memory_space<vmem>>
    %dma_wait3A_72 = tpu.memref_squeeze %dma_wait3A_71 : memref<1x10x50xi32, #tpu.memory_space<vmem>> -> memref<10x50xi32, #tpu.memory_space<vmem>>
    %dma_wait3A_73 = arith.constant 0 : i32
    %dma_wait3A_74 = arith.constant 0 : i32
    %dma_wait3A_75 = tpu.memref_slice %arg4[%add3A, %dma_wait3A_66, %dma_wait3A_73, %dma_wait3A_74] : memref<32x20x10x50xi32, #tpu.memory_space<hbm>> -> memref<1x1x10x50xi32, #tpu.memory_space<hbm>>
    %dma_wait3A_76 = tpu.memref_squeeze %dma_wait3A_75 : memref<1x1x10x50xi32, #tpu.memory_space<hbm>> -> memref<10x50xi32, #tpu.memory_space<hbm>>
    %dma_wait3A_77 = tpu.memref_slice %arg13[%dma_wait3A_68] : memref<2x!tpu.dma_semaphore, #tpu.memory_space<semaphore_mem>> -> memref<1x!tpu.dma_semaphore, #tpu.memory_space<semaphore_mem>>
    %dma_wait3A_78 = tpu.memref_squeeze %dma_wait3A_77 : memref<1x!tpu.dma_semaphore, #tpu.memory_space<semaphore_mem>> -> memref<!tpu.dma_semaphore, #tpu.memory_space<semaphore_mem>>
    %dma_wait3A_79 = arith.constant 0 : i32
    %dma_wait3A_80 = arith.constant 0 : i32
    %dma_wait3A_81 = tpu.memref_slice %arg8[%dma_wait3A_67, %dma_wait3A_79, %dma_wait3A_80] : memref<2x10x50xi32, #tpu.memory_space<vmem>> -> memref<1x10x50xi32, #tpu.memory_space<vmem>>
    %dma_wait3A_82 = tpu.memref_squeeze %dma_wait3A_81 : memref<1x10x50xi32, #tpu.memory_space<vmem>> -> memref<10x50xi32, #tpu.memory_space<vmem>>
    %dma_wait3A_83 = arith.constant 0 : i32
    %dma_wait3A_84 = arith.constant 0 : i32
    %dma_wait3A_85 = tpu.memref_slice %arg4[%add3A, %dma_wait3A_66, %dma_wait3A_83, %dma_wait3A_84] : memref<32x20x10x50xi32, #tpu.memory_space<hbm>> -> memref<1x1x10x50xi32, #tpu.memory_space<hbm>>
    %dma_wait3A_86 = tpu.memref_squeeze %dma_wait3A_85 : memref<1x1x10x50xi32, #tpu.memory_space<hbm>> -> memref<10x50xi32, #tpu.memory_space<hbm>>
    tpu.wait_dma2 semaphore(%dma_wait3A_78 : memref<!tpu.dma_semaphore, #tpu.memory_space<semaphore_mem>>) src(%dma_wait3A_86 : memref<10x50xi32, #tpu.memory_space<hbm>>) dst(%dma_wait3A_82 : memref<10x50xi32, #tpu.memory_space<vmem>>)
    %dma_start3A_87 = arith.constant 1 : i32
    %dma_start3A_88 = arith.constant 1 : i32
    %dma_start3A_89 = arith.constant 0 : i32
    %dma_start3A_90 = arith.constant 0 : i32
    %dma_start3A_91 = arith.constant 0 : i32
    %dma_start3A_92 = tpu.memref_slice %arg7[%dma_start3A_88, %dma_start3A_90, %dma_start3A_91] : memref<2x10x50xi32, #tpu.memory_space<vmem>> -> memref<1x10x50xi32, #tpu.memory_space<vmem>>
    %dma_start3A_93 = tpu.memref_squeeze %dma_start3A_92 : memref<1x10x50xi32, #tpu.memory_space<vmem>> -> memref<10x50xi32, #tpu.memory_space<vmem>>
    %dma_start3A_94 = arith.constant 0 : i32
    %dma_start3A_95 = arith.constant 0 : i32
    %dma_start3A_96 = tpu.memref_slice %arg3[%add3A, %dma_start3A_87, %dma_start3A_94, %dma_start3A_95] : memref<32x20x10x50xi32, #tpu.memory_space<hbm>> -> memref<1x1x10x50xi32, #tpu.memory_space<hbm>>
    %dma_start3A_97 = tpu.memref_squeeze %dma_start3A_96 : memref<1x1x10x50xi32, #tpu.memory_space<hbm>> -> memref<10x50xi32, #tpu.memory_space<hbm>>
    %dma_start3A_98 = tpu.memref_slice %arg13[%dma_start3A_89] : memref<2x!tpu.dma_semaphore, #tpu.memory_space<semaphore_mem>> -> memref<1x!tpu.dma_semaphore, #tpu.memory_space<semaphore_mem>>
    %dma_start3A_99 = tpu.memref_squeeze %dma_start3A_98 : memref<1x!tpu.dma_semaphore, #tpu.memory_space<semaphore_mem>> -> memref<!tpu.dma_semaphore, #tpu.memory_space<semaphore_mem>>
    %dma_start3A_100 = arith.constant 0 : i32
    %dma_start3A_101 = arith.constant 0 : i32
    %dma_start3A_102 = tpu.memref_slice %arg7[%dma_start3A_88, %dma_start3A_100, %dma_start3A_101] : memref<2x10x50xi32, #tpu.memory_space<vmem>> -> memref<1x10x50xi32, #tpu.memory_space<vmem>>
    %dma_start3A_103 = tpu.memref_squeeze %dma_start3A_102 : memref<1x10x50xi32, #tpu.memory_space<vmem>> -> memref<10x50xi32, #tpu.memory_space<vmem>>
    %dma_start3A_104 = arith.constant 0 : i32
    %dma_start3A_105 = arith.constant 0 : i32
    %dma_start3A_106 = tpu.memref_slice %arg3[%add3A, %dma_start3A_87, %dma_start3A_104, %dma_start3A_105] : memref<32x20x10x50xi32, #tpu.memory_space<hbm>> -> memref<1x1x10x50xi32, #tpu.memory_space<hbm>>
    %dma_start3A_107 = tpu.memref_squeeze %dma_start3A_106 : memref<1x1x10x50xi32, #tpu.memory_space<hbm>> -> memref<10x50xi32, #tpu.memory_space<hbm>>
    tpu.enqueue_dma source(%dma_start3A_107 : memref<10x50xi32, #tpu.memory_space<hbm>>) target(%dma_start3A_103 : memref<10x50xi32, #tpu.memory_space<vmem>>) target_semaphore(%dma_start3A_99 : memref<!tpu.dma_semaphore, #tpu.memory_space<semaphore_mem>>)
    %dma_start3A_108 = arith.constant 1 : i32
    %dma_start3A_109 = arith.constant 1 : i32
    %dma_start3A_110 = arith.constant 1 : i32
    %dma_start3A_111 = arith.constant 0 : i32
    %dma_start3A_112 = arith.constant 0 : i32
    %dma_start3A_113 = tpu.memref_slice %arg8[%dma_start3A_109, %dma_start3A_111, %dma_start3A_112] : memref<2x10x50xi32, #tpu.memory_space<vmem>> -> memref<1x10x50xi32, #tpu.memory_space<vmem>>
    %dma_start3A_114 = tpu.memref_squeeze %dma_start3A_113 : memref<1x10x50xi32, #tpu.memory_space<vmem>> -> memref<10x50xi32, #tpu.memory_space<vmem>>
    %dma_start3A_115 = arith.constant 0 : i32
    %dma_start3A_116 = arith.constant 0 : i32
    %dma_start3A_117 = tpu.memref_slice %arg4[%add3A, %dma_start3A_108, %dma_start3A_115, %dma_start3A_116] : memref<32x20x10x50xi32, #tpu.memory_space<hbm>> -> memref<1x1x10x50xi32, #tpu.memory_space<hbm>>
    %dma_start3A_118 = tpu.memref_squeeze %dma_start3A_117 : memref<1x1x10x50xi32, #tpu.memory_space<hbm>> -> memref<10x50xi32, #tpu.memory_space<hbm>>
    %dma_start3A_119 = tpu.memref_slice %arg13[%dma_start3A_110] : memref<2x!tpu.dma_semaphore, #tpu.memory_space<semaphore_mem>> -> memref<1x!tpu.dma_semaphore, #tpu.memory_space<semaphore_mem>>
    %dma_start3A_120 = tpu.memref_squeeze %dma_start3A_119 : memref<1x!tpu.dma_semaphore, #tpu.memory_space<semaphore_mem>> -> memref<!tpu.dma_semaphore, #tpu.memory_space<semaphore_mem>>
    %dma_start3A_121 = arith.constant 0 : i32
    %dma_start3A_122 = arith.constant 0 : i32
    %dma_start3A_123 = tpu.memref_slice %arg8[%dma_start3A_109, %dma_start3A_121, %dma_start3A_122] : memref<2x10x50xi32, #tpu.memory_space<vmem>> -> memref<1x10x50xi32, #tpu.memory_space<vmem>>
    %dma_start3A_124 = tpu.memref_squeeze %dma_start3A_123 : memref<1x10x50xi32, #tpu.memory_space<vmem>> -> memref<10x50xi32, #tpu.memory_space<vmem>>
    %dma_start3A_125 = arith.constant 0 : i32
    %dma_start3A_126 = arith.constant 0 : i32
    %dma_start3A_127 = tpu.memref_slice %arg4[%add3A, %dma_start3A_108, %dma_start3A_125, %dma_start3A_126] : memref<32x20x10x50xi32, #tpu.memory_space<hbm>> -> memref<1x1x10x50xi32, #tpu.memory_space<hbm>>
    %dma_start3A_128 = tpu.memref_squeeze %dma_start3A_127 : memref<1x1x10x50xi32, #tpu.memory_space<hbm>> -> memref<10x50xi32, #tpu.memory_space<hbm>>
    tpu.enqueue_dma source(%dma_start3A_128 : memref<10x50xi32, #tpu.memory_space<hbm>>) target(%dma_start3A_124 : memref<10x50xi32, #tpu.memory_space<vmem>>) target_semaphore(%dma_start3A_120 : memref<!tpu.dma_semaphore, #tpu.memory_space<semaphore_mem>>)
    %div3A = arith.constant 0 : i32
    %div3A_129 = arith.constant 10 : i32
    %div3A_130 = arith.divsi %div3A, %div3A_129 : i32
    %rem3A = arith.constant 2 : i32
    %rem3A_131 = arith.remsi %div3A_130, %rem3A : i32
    %rem3A_132 = arith.constant 0 : i32
    %rem3A_133 = arith.constant 10 : i32
    %rem3A_134 = arith.remsi %rem3A_132, %rem3A_133 : i32
    %rem3A_135 = arith.constant 0 : i32
    %rem3A_136 = arith.constant 5 : i32
    %rem3A_137 = arith.remsi %rem3A_135, %rem3A_136 : i32
    %dma_start3A_138 = arith.constant 0 : i32
    %dma_start3A_139 = arith.constant 0 : i32
    %dma_start3A_140 = tpu.memref_slice %arg9[%rem3A_137, %dma_start3A_138, %dma_start3A_139] : memref<5x50x128xf32, #tpu.memory_space<vmem>> -> memref<1x50x128xf32, #tpu.memory_space<vmem>>
    %dma_start3A_141 = tpu.memref_squeeze %dma_start3A_140 : memref<1x50x128xf32, #tpu.memory_space<vmem>> -> memref<50x128xf32, #tpu.memory_space<vmem>>
    %dma_start3A_142 = arith.constant 0 : i32
    %dma_start3A_143 = tpu.memref_slice %arg7[%rem3A_131, %rem3A_134, %dma_start3A_142] : memref<2x10x50xi32, #tpu.memory_space<vmem>> -> memref<1x1x50xi32, #tpu.memory_space<vmem>>
    %dma_start3A_144 = tpu.memref_squeeze %dma_start3A_143 : memref<1x1x50xi32, #tpu.memory_space<vmem>> -> memref<50xi32, #tpu.memory_space<vmem>>
    %dma_start3A_145 = arith.constant 0 : i32
    %dma_start3A_146 = arith.constant 0 : i32
    %dma_start3A_147 = tpu.memref_slice %arg2[%dma_start3A_145, %dma_start3A_146] : memref<10000x128xf32, #tpu.memory_space<hbm>> -> memref<10000x128xf32, #tpu.memory_space<hbm>>
    %dma_start3A_148 = tpu.memref_slice %arg11[%rem3A_137] : memref<5x!tpu.dma_semaphore, #tpu.memory_space<semaphore_mem>> -> memref<1x!tpu.dma_semaphore, #tpu.memory_space<semaphore_mem>>
    %dma_start3A_149 = tpu.memref_squeeze %dma_start3A_148 : memref<1x!tpu.dma_semaphore, #tpu.memory_space<semaphore_mem>> -> memref<!tpu.dma_semaphore, #tpu.memory_space<semaphore_mem>>
    tpu.enqueue_indirect_dma source(%dma_start3A_147 : memref<10000x128xf32, #tpu.memory_space<hbm>>) target(%dma_start3A_141 : memref<50x128xf32, #tpu.memory_space<vmem>>) offsets(%dma_start3A_144 : memref<50xi32, #tpu.memory_space<vmem>>) semaphore(%dma_start3A_149 : memref<!tpu.dma_semaphore, #tpu.memory_space<semaphore_mem>>)
    %div3A_150 = arith.constant 1 : i32
    %div3A_151 = arith.constant 10 : i32
    %div3A_152 = arith.divsi %div3A_150, %div3A_151 : i32
    %rem3A_153 = arith.constant 2 : i32
    %rem3A_154 = arith.remsi %div3A_152, %rem3A_153 : i32
    %rem3A_155 = arith.constant 1 : i32
    %rem3A_156 = arith.constant 10 : i32
    %rem3A_157 = arith.remsi %rem3A_155, %rem3A_156 : i32
    %rem3A_158 = arith.constant 1 : i32
    %rem3A_159 = arith.constant 5 : i32
    %rem3A_160 = arith.remsi %rem3A_158, %rem3A_159 : i32
    %dma_start3A_161 = arith.constant 0 : i32
    %dma_start3A_162 = arith.constant 0 : i32
    %dma_start3A_163 = tpu.memref_slice %arg9[%rem3A_160, %dma_start3A_161, %dma_start3A_162] : memref<5x50x128xf32, #tpu.memory_space<vmem>> -> memref<1x50x128xf32, #tpu.memory_space<vmem>>
    %dma_start3A_164 = tpu.memref_squeeze %dma_start3A_163 : memref<1x50x128xf32, #tpu.memory_space<vmem>> -> memref<50x128xf32, #tpu.memory_space<vmem>>
    %dma_start3A_165 = arith.constant 0 : i32
    %dma_start3A_166 = tpu.memref_slice %arg7[%rem3A_154, %rem3A_157, %dma_start3A_165] : memref<2x10x50xi32, #tpu.memory_space<vmem>> -> memref<1x1x50xi32, #tpu.memory_space<vmem>>
    %dma_start3A_167 = tpu.memref_squeeze %dma_start3A_166 : memref<1x1x50xi32, #tpu.memory_space<vmem>> -> memref<50xi32, #tpu.memory_space<vmem>>
    %dma_start3A_168 = arith.constant 0 : i32
    %dma_start3A_169 = arith.constant 0 : i32
    %dma_start3A_170 = tpu.memref_slice %arg2[%dma_start3A_168, %dma_start3A_169] : memref<10000x128xf32, #tpu.memory_space<hbm>> -> memref<10000x128xf32, #tpu.memory_space<hbm>>
    %dma_start3A_171 = tpu.memref_slice %arg11[%rem3A_160] : memref<5x!tpu.dma_semaphore, #tpu.memory_space<semaphore_mem>> -> memref<1x!tpu.dma_semaphore, #tpu.memory_space<semaphore_mem>>
    %dma_start3A_172 = tpu.memref_squeeze %dma_start3A_171 : memref<1x!tpu.dma_semaphore, #tpu.memory_space<semaphore_mem>> -> memref<!tpu.dma_semaphore, #tpu.memory_space<semaphore_mem>>
    tpu.enqueue_indirect_dma source(%dma_start3A_170 : memref<10000x128xf32, #tpu.memory_space<hbm>>) target(%dma_start3A_164 : memref<50x128xf32, #tpu.memory_space<vmem>>) offsets(%dma_start3A_167 : memref<50xi32, #tpu.memory_space<vmem>>) semaphore(%dma_start3A_172 : memref<!tpu.dma_semaphore, #tpu.memory_space<semaphore_mem>>)
    %div3A_173 = arith.constant 2 : i32
    %div3A_174 = arith.constant 10 : i32
    %div3A_175 = arith.divsi %div3A_173, %div3A_174 : i32
    %rem3A_176 = arith.constant 2 : i32
    %rem3A_177 = arith.remsi %div3A_175, %rem3A_176 : i32
    %rem3A_178 = arith.constant 2 : i32
    %rem3A_179 = arith.constant 10 : i32
    %rem3A_180 = arith.remsi %rem3A_178, %rem3A_179 : i32
    %rem3A_181 = arith.constant 2 : i32
    %rem3A_182 = arith.constant 5 : i32
    %rem3A_183 = arith.remsi %rem3A_181, %rem3A_182 : i32
    %dma_start3A_184 = arith.constant 0 : i32
    %dma_start3A_185 = arith.constant 0 : i32
    %dma_start3A_186 = tpu.memref_slice %arg9[%rem3A_183, %dma_start3A_184, %dma_start3A_185] : memref<5x50x128xf32, #tpu.memory_space<vmem>> -> memref<1x50x128xf32, #tpu.memory_space<vmem>>
    %dma_start3A_187 = tpu.memref_squeeze %dma_start3A_186 : memref<1x50x128xf32, #tpu.memory_space<vmem>> -> memref<50x128xf32, #tpu.memory_space<vmem>>
    %dma_start3A_188 = arith.constant 0 : i32
    %dma_start3A_189 = tpu.memref_slice %arg7[%rem3A_177, %rem3A_180, %dma_start3A_188] : memref<2x10x50xi32, #tpu.memory_space<vmem>> -> memref<1x1x50xi32, #tpu.memory_space<vmem>>
    %dma_start3A_190 = tpu.memref_squeeze %dma_start3A_189 : memref<1x1x50xi32, #tpu.memory_space<vmem>> -> memref<50xi32, #tpu.memory_space<vmem>>
    %dma_start3A_191 = arith.constant 0 : i32
    %dma_start3A_192 = arith.constant 0 : i32
    %dma_start3A_193 = tpu.memref_slice %arg2[%dma_start3A_191, %dma_start3A_192] : memref<10000x128xf32, #tpu.memory_space<hbm>> -> memref<10000x128xf32, #tpu.memory_space<hbm>>
    %dma_start3A_194 = tpu.memref_slice %arg11[%rem3A_183] : memref<5x!tpu.dma_semaphore, #tpu.memory_space<semaphore_mem>> -> memref<1x!tpu.dma_semaphore, #tpu.memory_space<semaphore_mem>>
    %dma_start3A_195 = tpu.memref_squeeze %dma_start3A_194 : memref<1x!tpu.dma_semaphore, #tpu.memory_space<semaphore_mem>> -> memref<!tpu.dma_semaphore, #tpu.memory_space<semaphore_mem>>
    tpu.enqueue_indirect_dma source(%dma_start3A_193 : memref<10000x128xf32, #tpu.memory_space<hbm>>) target(%dma_start3A_187 : memref<50x128xf32, #tpu.memory_space<vmem>>) offsets(%dma_start3A_190 : memref<50xi32, #tpu.memory_space<vmem>>) semaphore(%dma_start3A_195 : memref<!tpu.dma_semaphore, #tpu.memory_space<semaphore_mem>>)
    %div3A_196 = arith.constant 3 : i32
    %div3A_197 = arith.constant 10 : i32
    %div3A_198 = arith.divsi %div3A_196, %div3A_197 : i32
    %rem3A_199 = arith.constant 2 : i32
    %rem3A_200 = arith.remsi %div3A_198, %rem3A_199 : i32
    %rem3A_201 = arith.constant 3 : i32
    %rem3A_202 = arith.constant 10 : i32
    %rem3A_203 = arith.remsi %rem3A_201, %rem3A_202 : i32
    %rem3A_204 = arith.constant 3 : i32
    %rem3A_205 = arith.constant 5 : i32
    %rem3A_206 = arith.remsi %rem3A_204, %rem3A_205 : i32
    %dma_start3A_207 = arith.constant 0 : i32
    %dma_start3A_208 = arith.constant 0 : i32
    %dma_start3A_209 = tpu.memref_slice %arg9[%rem3A_206, %dma_start3A_207, %dma_start3A_208] : memref<5x50x128xf32, #tpu.memory_space<vmem>> -> memref<1x50x128xf32, #tpu.memory_space<vmem>>
    %dma_start3A_210 = tpu.memref_squeeze %dma_start3A_209 : memref<1x50x128xf32, #tpu.memory_space<vmem>> -> memref<50x128xf32, #tpu.memory_space<vmem>>
    %dma_start3A_211 = arith.constant 0 : i32
    %dma_start3A_212 = tpu.memref_slice %arg7[%rem3A_200, %rem3A_203, %dma_start3A_211] : memref<2x10x50xi32, #tpu.memory_space<vmem>> -> memref<1x1x50xi32, #tpu.memory_space<vmem>>
    %dma_start3A_213 = tpu.memref_squeeze %dma_start3A_212 : memref<1x1x50xi32, #tpu.memory_space<vmem>> -> memref<50xi32, #tpu.memory_space<vmem>>
    %dma_start3A_214 = arith.constant 0 : i32
    %dma_start3A_215 = arith.constant 0 : i32
    %dma_start3A_216 = tpu.memref_slice %arg2[%dma_start3A_214, %dma_start3A_215] : memref<10000x128xf32, #tpu.memory_space<hbm>> -> memref<10000x128xf32, #tpu.memory_space<hbm>>
    %dma_start3A_217 = tpu.memref_slice %arg11[%rem3A_206] : memref<5x!tpu.dma_semaphore, #tpu.memory_space<semaphore_mem>> -> memref<1x!tpu.dma_semaphore, #tpu.memory_space<semaphore_mem>>
    %dma_start3A_218 = tpu.memref_squeeze %dma_start3A_217 : memref<1x!tpu.dma_semaphore, #tpu.memory_space<semaphore_mem>> -> memref<!tpu.dma_semaphore, #tpu.memory_space<semaphore_mem>>
    tpu.enqueue_indirect_dma source(%dma_start3A_216 : memref<10000x128xf32, #tpu.memory_space<hbm>>) target(%dma_start3A_210 : memref<50x128xf32, #tpu.memory_space<vmem>>) offsets(%dma_start3A_213 : memref<50xi32, #tpu.memory_space<vmem>>) semaphore(%dma_start3A_218 : memref<!tpu.dma_semaphore, #tpu.memory_space<semaphore_mem>>)
    %scan3A = arith.constant 0 : i32
    %scan3A_219 = arith.constant 0 : i32
    %scan3A_220 = arith.constant 200 : i32
    %scan3A_221 = arith.addi %scan3A_219, %scan3A_220 : i32
    %scan3A_222 = arith.constant 1 : i32
    scf.for %scan3A_252 = %scan3A_219 to %scan3A_221 step %scan3A_222  : i32 {
      %div3A_253 = arith.constant 10 : i32
      %div3A_254 = arith.divsi %scan3A_252, %div3A_253 : i32
      %rem3A_255 = arith.constant 2 : i32
      %rem3A_256 = arith.remsi %div3A_254, %rem3A_255 : i32
      %rem3A_257 = arith.constant 10 : i32
      %rem3A_258 = arith.remsi %scan3A_252, %rem3A_257 : i32
      %rem3A_259 = arith.constant 5 : i32
      %rem3A_260 = arith.remsi %scan3A_252, %rem3A_259 : i32
      %dma_wait3A_261 = arith.constant 0 : i32
      %dma_wait3A_262 = arith.constant 0 : i32
      %dma_wait3A_263 = tpu.memref_slice %arg9[%rem3A_260, %dma_wait3A_261, %dma_wait3A_262] : memref<5x50x128xf32, #tpu.memory_space<vmem>> -> memref<1x50x128xf32, #tpu.memory_space<vmem>>
      %dma_wait3A_264 = tpu.memref_squeeze %dma_wait3A_263 : memref<1x50x128xf32, #tpu.memory_space<vmem>> -> memref<50x128xf32, #tpu.memory_space<vmem>>
      %dma_wait3A_265 = arith.constant 0 : i32
      %dma_wait3A_266 = tpu.memref_slice %arg7[%rem3A_256, %rem3A_258, %dma_wait3A_265] : memref<2x10x50xi32, #tpu.memory_space<vmem>> -> memref<1x1x50xi32, #tpu.memory_space<vmem>>
      %dma_wait3A_267 = tpu.memref_squeeze %dma_wait3A_266 : memref<1x1x50xi32, #tpu.memory_space<vmem>> -> memref<50xi32, #tpu.memory_space<vmem>>
      %dma_wait3A_268 = arith.constant 0 : i32
      %dma_wait3A_269 = arith.constant 0 : i32
      %dma_wait3A_270 = tpu.memref_slice %arg2[%dma_wait3A_268, %dma_wait3A_269] : memref<10000x128xf32, #tpu.memory_space<hbm>> -> memref<10000x128xf32, #tpu.memory_space<hbm>>
      %dma_wait3A_271 = tpu.memref_slice %arg11[%rem3A_260] : memref<5x!tpu.dma_semaphore, #tpu.memory_space<semaphore_mem>> -> memref<1x!tpu.dma_semaphore, #tpu.memory_space<semaphore_mem>>
      %dma_wait3A_272 = tpu.memref_squeeze %dma_wait3A_271 : memref<1x!tpu.dma_semaphore, #tpu.memory_space<semaphore_mem>> -> memref<!tpu.dma_semaphore, #tpu.memory_space<semaphore_mem>>
      tpu.wait_indirect_dma semaphore(%dma_wait3A_272 : memref<!tpu.dma_semaphore, #tpu.memory_space<semaphore_mem>>) src(%dma_wait3A_270 : memref<10000x128xf32, #tpu.memory_space<hbm>>) dst(%dma_wait3A_264 : memref<50x128xf32, #tpu.memory_space<vmem>>)
      %div3A_273 = arith.constant 10 : i32
      %div3A_274 = arith.divsi %scan3A_252, %div3A_273 : i32
      %rem3A_275 = arith.constant 2 : i32
      %rem3A_276 = arith.remsi %div3A_274, %rem3A_275 : i32
      %rem3A_277 = arith.constant 10 : i32
      %rem3A_278 = arith.remsi %scan3A_252, %rem3A_277 : i32
      %rem3A_279 = arith.constant 5 : i32
      %rem3A_280 = arith.remsi %scan3A_252, %rem3A_279 : i32
      %dma_start3A_281 = arith.constant 0 : i32
      %dma_start3A_282 = arith.constant 0 : i32
      %dma_start3A_283 = tpu.memref_slice %arg9[%rem3A_280, %dma_start3A_281, %dma_start3A_282] : memref<5x50x128xf32, #tpu.memory_space<vmem>> -> memref<1x50x128xf32, #tpu.memory_space<vmem>>
      %dma_start3A_284 = tpu.memref_squeeze %dma_start3A_283 : memref<1x50x128xf32, #tpu.memory_space<vmem>> -> memref<50x128xf32, #tpu.memory_space<vmem>>
      %dma_start3A_285 = arith.constant 0 : i32
      %dma_start3A_286 = tpu.memref_slice %arg8[%rem3A_276, %rem3A_278, %dma_start3A_285] : memref<2x10x50xi32, #tpu.memory_space<vmem>> -> memref<1x1x50xi32, #tpu.memory_space<vmem>>
      %dma_start3A_287 = tpu.memref_squeeze %dma_start3A_286 : memref<1x1x50xi32, #tpu.memory_space<vmem>> -> memref<50xi32, #tpu.memory_space<vmem>>
      %dma_start3A_288 = arith.constant 0 : i32
      %dma_start3A_289 = arith.constant 0 : i32
      %dma_start3A_290 = tpu.memref_slice %arg10[%dma_start3A_288, %dma_start3A_289] : memref<10240x128xf32, #tpu.memory_space<vmem_shared>> -> memref<10240x128xf32, #tpu.memory_space<vmem_shared>>
      %dma_start3A_291 = tpu.memref_slice %arg12[%rem3A_280] : memref<5x!tpu.dma_semaphore, #tpu.memory_space<semaphore_mem>> -> memref<1x!tpu.dma_semaphore, #tpu.memory_space<semaphore_mem>>
      %dma_start3A_292 = tpu.memref_squeeze %dma_start3A_291 : memref<1x!tpu.dma_semaphore, #tpu.memory_space<semaphore_mem>> -> memref<!tpu.dma_semaphore, #tpu.memory_space<semaphore_mem>>
      tpu.enqueue_indirect_dma source(%dma_start3A_284 : memref<50x128xf32, #tpu.memory_space<vmem>>) target(%dma_start3A_290 : memref<10240x128xf32, #tpu.memory_space<vmem_shared>>) offsets(%dma_start3A_287 : memref<50xi32, #tpu.memory_space<vmem>>) semaphore(%dma_start3A_292 : memref<!tpu.dma_semaphore, #tpu.memory_space<semaphore_mem>>) {add = true}
      %ge3A = arith.constant 1 : i32
      %ge3A_293 = arith.cmpi sge, %scan3A_252, %ge3A : i32
      %convert_element_type3A = arith.extui %ge3A_293 : i1 to i32
      %cond3A = arith.constant 0 : i32
      %cond3A_294 = arith.cmpi ne, %convert_element_type3A, %cond3A : i32
      scf.if %cond3A_294 {
        %sub3A_310 = arith.constant 1 : i32
        %sub3A_311 = arith.subi %scan3A_252, %sub3A_310 : i32
        %div3A_312 = arith.constant 10 : i32
        %div3A_313 = arith.divsi %sub3A_311, %div3A_312 : i32
        %rem3A_314 = arith.constant 2 : i32
        %rem3A_315 = arith.remsi %div3A_313, %rem3A_314 : i32
        %rem3A_316 = arith.constant 10 : i32
        %rem3A_317 = arith.remsi %sub3A_311, %rem3A_316 : i32
        %rem3A_318 = arith.constant 5 : i32
        %rem3A_319 = arith.remsi %sub3A_311, %rem3A_318 : i32
        %dma_wait3A_320 = arith.constant 0 : i32
        %dma_wait3A_321 = arith.constant 0 : i32
        %dma_wait3A_322 = tpu.memref_slice %arg9[%rem3A_319, %dma_wait3A_320, %dma_wait3A_321] : memref<5x50x128xf32, #tpu.memory_space<vmem>> -> memref<1x50x128xf32, #tpu.memory_space<vmem>>
        %dma_wait3A_323 = tpu.memref_squeeze %dma_wait3A_322 : memref<1x50x128xf32, #tpu.memory_space<vmem>> -> memref<50x128xf32, #tpu.memory_space<vmem>>
        %dma_wait3A_324 = arith.constant 0 : i32
        %dma_wait3A_325 = tpu.memref_slice %arg8[%rem3A_315, %rem3A_317, %dma_wait3A_324] : memref<2x10x50xi32, #tpu.memory_space<vmem>> -> memref<1x1x50xi32, #tpu.memory_space<vmem>>
        %dma_wait3A_326 = tpu.memref_squeeze %dma_wait3A_325 : memref<1x1x50xi32, #tpu.memory_space<vmem>> -> memref<50xi32, #tpu.memory_space<vmem>>
        %dma_wait3A_327 = arith.constant 0 : i32
        %dma_wait3A_328 = arith.constant 0 : i32
        %dma_wait3A_329 = tpu.memref_slice %arg10[%dma_wait3A_327, %dma_wait3A_328] : memref<10240x128xf32, #tpu.memory_space<vmem_shared>> -> memref<10240x128xf32, #tpu.memory_space<vmem_shared>>
        %dma_wait3A_330 = tpu.memref_slice %arg12[%rem3A_319] : memref<5x!tpu.dma_semaphore, #tpu.memory_space<semaphore_mem>> -> memref<1x!tpu.dma_semaphore, #tpu.memory_space<semaphore_mem>>
        %dma_wait3A_331 = tpu.memref_squeeze %dma_wait3A_330 : memref<1x!tpu.dma_semaphore, #tpu.memory_space<semaphore_mem>> -> memref<!tpu.dma_semaphore, #tpu.memory_space<semaphore_mem>>
        tpu.wait_indirect_dma semaphore(%dma_wait3A_331 : memref<!tpu.dma_semaphore, #tpu.memory_space<semaphore_mem>>) src(%dma_wait3A_323 : memref<50x128xf32, #tpu.memory_space<vmem>>) dst(%dma_wait3A_329 : memref<10240x128xf32, #tpu.memory_space<vmem_shared>>)
      } else {
      }
      %ge3A_295 = arith.constant 1 : i32
      %ge3A_296 = arith.cmpi sge, %scan3A_252, %ge3A_295 : i32
      %rem3A_297 = arith.constant 10 : i32
      %rem3A_298 = arith.remsi %scan3A_252, %rem3A_297 : i32
      %eq3A = arith.constant 0 : i32
      %eq3A_299 = arith.cmpi eq, %rem3A_298, %eq3A : i32
      %and3A = arith.andi %ge3A_296, %eq3A_299 : i1
      %convert_element_type3A_300 = arith.extui %and3A : i1 to i32
      %cond3A_301 = arith.constant 0 : i32
      %cond3A_302 = arith.cmpi ne, %convert_element_type3A_300, %cond3A_301 : i32
      scf.if %cond3A_302 {
        %div3A_310 = arith.constant 10 : i32
        %div3A_311 = arith.divsi %scan3A_252, %div3A_310 : i32
        %add3A_312 = arith.constant 1 : i32
        %add3A_313 = arith.addi %div3A_311, %add3A_312 : i32
        %lt3A_314 = arith.constant 20 : i32
        %lt3A_315 = arith.cmpi slt, %add3A_313, %lt3A_314 : i32
        %convert_element_type3A_316 = arith.extui %lt3A_315 : i1 to i32
        %cond3A_317 = arith.constant 0 : i32
        %cond3A_318 = arith.cmpi ne, %convert_element_type3A_316, %cond3A_317 : i32
        scf.if %cond3A_318 {
          %add3A_319 = arith.constant 1 : i32
          %add3A_320 = arith.addi %div3A_311, %add3A_319 : i32
          %add3A_321 = arith.constant 1 : i32
          %add3A_322 = arith.addi %div3A_311, %add3A_321 : i32
          %rem3A_323 = arith.constant 2 : i32
          %rem3A_324 = arith.remsi %add3A_322, %rem3A_323 : i32
          %dma_start3A_325 = arith.constant 0 : i32
          %dma_start3A_326 = arith.constant 0 : i32
          %dma_start3A_327 = arith.constant 0 : i32
          %dma_start3A_328 = tpu.memref_slice %arg7[%rem3A_324, %dma_start3A_326, %dma_start3A_327] : memref<2x10x50xi32, #tpu.memory_space<vmem>> -> memref<1x10x50xi32, #tpu.memory_space<vmem>>
          %dma_start3A_329 = tpu.memref_squeeze %dma_start3A_328 : memref<1x10x50xi32, #tpu.memory_space<vmem>> -> memref<10x50xi32, #tpu.memory_space<vmem>>
          %dma_start3A_330 = arith.constant 0 : i32
          %dma_start3A_331 = arith.constant 0 : i32
          %dma_start3A_332 = tpu.memref_slice %arg3[%add3A, %add3A_320, %dma_start3A_330, %dma_start3A_331] : memref<32x20x10x50xi32, #tpu.memory_space<hbm>> -> memref<1x1x10x50xi32, #tpu.memory_space<hbm>>
          %dma_start3A_333 = tpu.memref_squeeze %dma_start3A_332 : memref<1x1x10x50xi32, #tpu.memory_space<hbm>> -> memref<10x50xi32, #tpu.memory_space<hbm>>
          %dma_start3A_334 = tpu.memref_slice %arg13[%dma_start3A_325] : memref<2x!tpu.dma_semaphore, #tpu.memory_space<semaphore_mem>> -> memref<1x!tpu.dma_semaphore, #tpu.memory_space<semaphore_mem>>
          %dma_start3A_335 = tpu.memref_squeeze %dma_start3A_334 : memref<1x!tpu.dma_semaphore, #tpu.memory_space<semaphore_mem>> -> memref<!tpu.dma_semaphore, #tpu.memory_space<semaphore_mem>>
          %dma_start3A_336 = arith.constant 0 : i32
          %dma_start3A_337 = arith.constant 0 : i32
          %dma_start3A_338 = tpu.memref_slice %arg7[%rem3A_324, %dma_start3A_336, %dma_start3A_337] : memref<2x10x50xi32, #tpu.memory_space<vmem>> -> memref<1x10x50xi32, #tpu.memory_space<vmem>>
          %dma_start3A_339 = tpu.memref_squeeze %dma_start3A_338 : memref<1x10x50xi32, #tpu.memory_space<vmem>> -> memref<10x50xi32, #tpu.memory_space<vmem>>
          %dma_start3A_340 = arith.constant 0 : i32
          %dma_start3A_341 = arith.constant 0 : i32
          %dma_start3A_342 = tpu.memref_slice %arg3[%add3A, %add3A_320, %dma_start3A_340, %dma_start3A_341] : memref<32x20x10x50xi32, #tpu.memory_space<hbm>> -> memref<1x1x10x50xi32, #tpu.memory_space<hbm>>
          %dma_start3A_343 = tpu.memref_squeeze %dma_start3A_342 : memref<1x1x10x50xi32, #tpu.memory_space<hbm>> -> memref<10x50xi32, #tpu.memory_space<hbm>>
          tpu.enqueue_dma source(%dma_start3A_343 : memref<10x50xi32, #tpu.memory_space<hbm>>) target(%dma_start3A_339 : memref<10x50xi32, #tpu.memory_space<vmem>>) target_semaphore(%dma_start3A_335 : memref<!tpu.dma_semaphore, #tpu.memory_space<semaphore_mem>>)
          %dma_start3A_344 = arith.constant 1 : i32
          %dma_start3A_345 = arith.constant 0 : i32
          %dma_start3A_346 = arith.constant 0 : i32
          %dma_start3A_347 = tpu.memref_slice %arg8[%rem3A_324, %dma_start3A_345, %dma_start3A_346] : memref<2x10x50xi32, #tpu.memory_space<vmem>> -> memref<1x10x50xi32, #tpu.memory_space<vmem>>
          %dma_start3A_348 = tpu.memref_squeeze %dma_start3A_347 : memref<1x10x50xi32, #tpu.memory_space<vmem>> -> memref<10x50xi32, #tpu.memory_space<vmem>>
          %dma_start3A_349 = arith.constant 0 : i32
          %dma_start3A_350 = arith.constant 0 : i32
          %dma_start3A_351 = tpu.memref_slice %arg4[%add3A, %add3A_320, %dma_start3A_349, %dma_start3A_350] : memref<32x20x10x50xi32, #tpu.memory_space<hbm>> -> memref<1x1x10x50xi32, #tpu.memory_space<hbm>>
          %dma_start3A_352 = tpu.memref_squeeze %dma_start3A_351 : memref<1x1x10x50xi32, #tpu.memory_space<hbm>> -> memref<10x50xi32, #tpu.memory_space<hbm>>
          %dma_start3A_353 = tpu.memref_slice %arg13[%dma_start3A_344] : memref<2x!tpu.dma_semaphore, #tpu.memory_space<semaphore_mem>> -> memref<1x!tpu.dma_semaphore, #tpu.memory_space<semaphore_mem>>
          %dma_start3A_354 = tpu.memref_squeeze %dma_start3A_353 : memref<1x!tpu.dma_semaphore, #tpu.memory_space<semaphore_mem>> -> memref<!tpu.dma_semaphore, #tpu.memory_space<semaphore_mem>>
          %dma_start3A_355 = arith.constant 0 : i32
          %dma_start3A_356 = arith.constant 0 : i32
          %dma_start3A_357 = tpu.memref_slice %arg8[%rem3A_324, %dma_start3A_355, %dma_start3A_356] : memref<2x10x50xi32, #tpu.memory_space<vmem>> -> memref<1x10x50xi32, #tpu.memory_space<vmem>>
          %dma_start3A_358 = tpu.memref_squeeze %dma_start3A_357 : memref<1x10x50xi32, #tpu.memory_space<vmem>> -> memref<10x50xi32, #tpu.memory_space<vmem>>
          %dma_start3A_359 = arith.constant 0 : i32
          %dma_start3A_360 = arith.constant 0 : i32
          %dma_start3A_361 = tpu.memref_slice %arg4[%add3A, %add3A_320, %dma_start3A_359, %dma_start3A_360] : memref<32x20x10x50xi32, #tpu.memory_space<hbm>> -> memref<1x1x10x50xi32, #tpu.memory_space<hbm>>
          %dma_start3A_362 = tpu.memref_squeeze %dma_start3A_361 : memref<1x1x10x50xi32, #tpu.memory_space<hbm>> -> memref<10x50xi32, #tpu.memory_space<hbm>>
          tpu.enqueue_dma source(%dma_start3A_362 : memref<10x50xi32, #tpu.memory_space<hbm>>) target(%dma_start3A_358 : memref<10x50xi32, #tpu.memory_space<vmem>>) target_semaphore(%dma_start3A_354 : memref<!tpu.dma_semaphore, #tpu.memory_space<semaphore_mem>>)
        } else {
        }
      } else {
      }
      %add3A_303 = arith.constant 5 : i32
      %add3A_304 = arith.addi %scan3A_252, %add3A_303 : i32
      %sub3A = arith.constant 1 : i32
      %sub3A_305 = arith.subi %add3A_304, %sub3A : i32
      %lt3A = arith.constant 200 : i32
      %lt3A_306 = arith.cmpi slt, %sub3A_305, %lt3A : i32
      %convert_element_type3A_307 = arith.extui %lt3A_306 : i1 to i32
      %cond3A_308 = arith.constant 0 : i32
      %cond3A_309 = arith.cmpi ne, %convert_element_type3A_307, %cond3A_308 : i32
      scf.if %cond3A_309 {
        %rem3A_310 = arith.constant 10 : i32
        %rem3A_311 = arith.remsi %sub3A_305, %rem3A_310 : i32
        %eq3A_312 = arith.constant 0 : i32
        %eq3A_313 = arith.cmpi eq, %rem3A_311, %eq3A_312 : i32
        %convert_element_type3A_314 = arith.extui %eq3A_313 : i1 to i32
        %cond3A_315 = arith.constant 0 : i32
        %cond3A_316 = arith.cmpi ne, %convert_element_type3A_314, %cond3A_315 : i32
        scf.if %cond3A_316 {
          %div3A_337 = arith.constant 10 : i32
          %div3A_338 = arith.divsi %sub3A_305, %div3A_337 : i32
          %rem3A_339 = arith.constant 2 : i32
          %rem3A_340 = arith.remsi %div3A_338, %rem3A_339 : i32
          %dma_wait3A_341 = arith.constant 0 : i32
          %dma_wait3A_342 = arith.constant 0 : i32
          %dma_wait3A_343 = arith.constant 0 : i32
          %dma_wait3A_344 = tpu.memref_slice %arg7[%rem3A_340, %dma_wait3A_342, %dma_wait3A_343] : memref<2x10x50xi32, #tpu.memory_space<vmem>> -> memref<1x10x50xi32, #tpu.memory_space<vmem>>
          %dma_wait3A_345 = tpu.memref_squeeze %dma_wait3A_344 : memref<1x10x50xi32, #tpu.memory_space<vmem>> -> memref<10x50xi32, #tpu.memory_space<vmem>>
          %dma_wait3A_346 = arith.constant 0 : i32
          %dma_wait3A_347 = arith.constant 0 : i32
          %dma_wait3A_348 = tpu.memref_slice %arg3[%add3A, %div3A_338, %dma_wait3A_346, %dma_wait3A_347] : memref<32x20x10x50xi32, #tpu.memory_space<hbm>> -> memref<1x1x10x50xi32, #tpu.memory_space<hbm>>
          %dma_wait3A_349 = tpu.memref_squeeze %dma_wait3A_348 : memref<1x1x10x50xi32, #tpu.memory_space<hbm>> -> memref<10x50xi32, #tpu.memory_space<hbm>>
          %dma_wait3A_350 = tpu.memref_slice %arg13[%dma_wait3A_341] : memref<2x!tpu.dma_semaphore, #tpu.memory_space<semaphore_mem>> -> memref<1x!tpu.dma_semaphore, #tpu.memory_space<semaphore_mem>>
          %dma_wait3A_351 = tpu.memref_squeeze %dma_wait3A_350 : memref<1x!tpu.dma_semaphore, #tpu.memory_space<semaphore_mem>> -> memref<!tpu.dma_semaphore, #tpu.memory_space<semaphore_mem>>
          %dma_wait3A_352 = arith.constant 0 : i32
          %dma_wait3A_353 = arith.constant 0 : i32
          %dma_wait3A_354 = tpu.memref_slice %arg7[%rem3A_340, %dma_wait3A_352, %dma_wait3A_353] : memref<2x10x50xi32, #tpu.memory_space<vmem>> -> memref<1x10x50xi32, #tpu.memory_space<vmem>>
          %dma_wait3A_355 = tpu.memref_squeeze %dma_wait3A_354 : memref<1x10x50xi32, #tpu.memory_space<vmem>> -> memref<10x50xi32, #tpu.memory_space<vmem>>
          %dma_wait3A_356 = arith.constant 0 : i32
          %dma_wait3A_357 = arith.constant 0 : i32
          %dma_wait3A_358 = tpu.memref_slice %arg3[%add3A, %div3A_338, %dma_wait3A_356, %dma_wait3A_357] : memref<32x20x10x50xi32, #tpu.memory_space<hbm>> -> memref<1x1x10x50xi32, #tpu.memory_space<hbm>>
          %dma_wait3A_359 = tpu.memref_squeeze %dma_wait3A_358 : memref<1x1x10x50xi32, #tpu.memory_space<hbm>> -> memref<10x50xi32, #tpu.memory_space<hbm>>
          tpu.wait_dma2 semaphore(%dma_wait3A_351 : memref<!tpu.dma_semaphore, #tpu.memory_space<semaphore_mem>>) src(%dma_wait3A_359 : memref<10x50xi32, #tpu.memory_space<hbm>>) dst(%dma_wait3A_355 : memref<10x50xi32, #tpu.memory_space<vmem>>)
          %dma_wait3A_360 = arith.constant 1 : i32
          %dma_wait3A_361 = arith.constant 0 : i32
          %dma_wait3A_362 = arith.constant 0 : i32
          %dma_wait3A_363 = tpu.memref_slice %arg8[%rem3A_340, %dma_wait3A_361, %dma_wait3A_362] : memref<2x10x50xi32, #tpu.memory_space<vmem>> -> memref<1x10x50xi32, #tpu.memory_space<vmem>>
          %dma_wait3A_364 = tpu.memref_squeeze %dma_wait3A_363 : memref<1x10x50xi32, #tpu.memory_space<vmem>> -> memref<10x50xi32, #tpu.memory_space<vmem>>
          %dma_wait3A_365 = arith.constant 0 : i32
          %dma_wait3A_366 = arith.constant 0 : i32
          %dma_wait3A_367 = tpu.memref_slice %arg4[%add3A, %div3A_338, %dma_wait3A_365, %dma_wait3A_366] : memref<32x20x10x50xi32, #tpu.memory_space<hbm>> -> memref<1x1x10x50xi32, #tpu.memory_space<hbm>>
          %dma_wait3A_368 = tpu.memref_squeeze %dma_wait3A_367 : memref<1x1x10x50xi32, #tpu.memory_space<hbm>> -> memref<10x50xi32, #tpu.memory_space<hbm>>
          %dma_wait3A_369 = tpu.memref_slice %arg13[%dma_wait3A_360] : memref<2x!tpu.dma_semaphore, #tpu.memory_space<semaphore_mem>> -> memref<1x!tpu.dma_semaphore, #tpu.memory_space<semaphore_mem>>
          %dma_wait3A_370 = tpu.memref_squeeze %dma_wait3A_369 : memref<1x!tpu.dma_semaphore, #tpu.memory_space<semaphore_mem>> -> memref<!tpu.dma_semaphore, #tpu.memory_space<semaphore_mem>>
          %dma_wait3A_371 = arith.constant 0 : i32
          %dma_wait3A_372 = arith.constant 0 : i32
          %dma_wait3A_373 = tpu.memref_slice %arg8[%rem3A_340, %dma_wait3A_371, %dma_wait3A_372] : memref<2x10x50xi32, #tpu.memory_space<vmem>> -> memref<1x10x50xi32, #tpu.memory_space<vmem>>
          %dma_wait3A_374 = tpu.memref_squeeze %dma_wait3A_373 : memref<1x10x50xi32, #tpu.memory_space<vmem>> -> memref<10x50xi32, #tpu.memory_space<vmem>>
          %dma_wait3A_375 = arith.constant 0 : i32
          %dma_wait3A_376 = arith.constant 0 : i32
          %dma_wait3A_377 = tpu.memref_slice %arg4[%add3A, %div3A_338, %dma_wait3A_375, %dma_wait3A_376] : memref<32x20x10x50xi32, #tpu.memory_space<hbm>> -> memref<1x1x10x50xi32, #tpu.memory_space<hbm>>
          %dma_wait3A_378 = tpu.memref_squeeze %dma_wait3A_377 : memref<1x1x10x50xi32, #tpu.memory_space<hbm>> -> memref<10x50xi32, #tpu.memory_space<hbm>>
          tpu.wait_dma2 semaphore(%dma_wait3A_370 : memref<!tpu.dma_semaphore, #tpu.memory_space<semaphore_mem>>) src(%dma_wait3A_378 : memref<10x50xi32, #tpu.memory_space<hbm>>) dst(%dma_wait3A_374 : memref<10x50xi32, #tpu.memory_space<vmem>>)
        } else {
        }
        %div3A_317 = arith.constant 10 : i32
        %div3A_318 = arith.divsi %sub3A_305, %div3A_317 : i32
        %rem3A_319 = arith.constant 2 : i32
        %rem3A_320 = arith.remsi %div3A_318, %rem3A_319 : i32
        %rem3A_321 = arith.constant 10 : i32
        %rem3A_322 = arith.remsi %sub3A_305, %rem3A_321 : i32
        %rem3A_323 = arith.constant 5 : i32
        %rem3A_324 = arith.remsi %sub3A_305, %rem3A_323 : i32
        %dma_start3A_325 = arith.constant 0 : i32
        %dma_start3A_326 = arith.constant 0 : i32
        %dma_start3A_327 = tpu.memref_slice %arg9[%rem3A_324, %dma_start3A_325, %dma_start3A_326] : memref<5x50x128xf32, #tpu.memory_space<vmem>> -> memref<1x50x128xf32, #tpu.memory_space<vmem>>
        %dma_start3A_328 = tpu.memref_squeeze %dma_start3A_327 : memref<1x50x128xf32, #tpu.memory_space<vmem>> -> memref<50x128xf32, #tpu.memory_space<vmem>>
        %dma_start3A_329 = arith.constant 0 : i32
        %dma_start3A_330 = tpu.memref_slice %arg7[%rem3A_320, %rem3A_322, %dma_start3A_329] : memref<2x10x50xi32, #tpu.memory_space<vmem>> -> memref<1x1x50xi32, #tpu.memory_space<vmem>>
        %dma_start3A_331 = tpu.memref_squeeze %dma_start3A_330 : memref<1x1x50xi32, #tpu.memory_space<vmem>> -> memref<50xi32, #tpu.memory_space<vmem>>
        %dma_start3A_332 = arith.constant 0 : i32
        %dma_start3A_333 = arith.constant 0 : i32
        %dma_start3A_334 = tpu.memref_slice %arg2[%dma_start3A_332, %dma_start3A_333] : memref<10000x128xf32, #tpu.memory_space<hbm>> -> memref<10000x128xf32, #tpu.memory_space<hbm>>
        %dma_start3A_335 = tpu.memref_slice %arg11[%rem3A_324] : memref<5x!tpu.dma_semaphore, #tpu.memory_space<semaphore_mem>> -> memref<1x!tpu.dma_semaphore, #tpu.memory_space<semaphore_mem>>
        %dma_start3A_336 = tpu.memref_squeeze %dma_start3A_335 : memref<1x!tpu.dma_semaphore, #tpu.memory_space<semaphore_mem>> -> memref<!tpu.dma_semaphore, #tpu.memory_space<semaphore_mem>>
        tpu.enqueue_indirect_dma source(%dma_start3A_334 : memref<10000x128xf32, #tpu.memory_space<hbm>>) target(%dma_start3A_328 : memref<50x128xf32, #tpu.memory_space<vmem>>) offsets(%dma_start3A_331 : memref<50xi32, #tpu.memory_space<vmem>>) semaphore(%dma_start3A_336 : memref<!tpu.dma_semaphore, #tpu.memory_space<semaphore_mem>>)
      } else {
      }
    }
    %scan3A_223 = arith.constant 200 : i32
    %div3A_224 = arith.constant 199 : i32
    %div3A_225 = arith.constant 10 : i32
    %div3A_226 = arith.divsi %div3A_224, %div3A_225 : i32
    %rem3A_227 = arith.constant 2 : i32
    %rem3A_228 = arith.remsi %div3A_226, %rem3A_227 : i32
    %rem3A_229 = arith.constant 199 : i32
    %rem3A_230 = arith.constant 10 : i32
    %rem3A_231 = arith.remsi %rem3A_229, %rem3A_230 : i32
    %rem3A_232 = arith.constant 199 : i32
    %rem3A_233 = arith.constant 5 : i32
    %rem3A_234 = arith.remsi %rem3A_232, %rem3A_233 : i32
    %dma_wait3A_235 = arith.constant 0 : i32
    %dma_wait3A_236 = arith.constant 0 : i32
    %dma_wait3A_237 = tpu.memref_slice %arg9[%rem3A_234, %dma_wait3A_235, %dma_wait3A_236] : memref<5x50x128xf32, #tpu.memory_space<vmem>> -> memref<1x50x128xf32, #tpu.memory_space<vmem>>
    %dma_wait3A_238 = tpu.memref_squeeze %dma_wait3A_237 : memref<1x50x128xf32, #tpu.memory_space<vmem>> -> memref<50x128xf32, #tpu.memory_space<vmem>>
    %dma_wait3A_239 = arith.constant 0 : i32
    %dma_wait3A_240 = tpu.memref_slice %arg8[%rem3A_228, %rem3A_231, %dma_wait3A_239] : memref<2x10x50xi32, #tpu.memory_space<vmem>> -> memref<1x1x50xi32, #tpu.memory_space<vmem>>
    %dma_wait3A_241 = tpu.memref_squeeze %dma_wait3A_240 : memref<1x1x50xi32, #tpu.memory_space<vmem>> -> memref<50xi32, #tpu.memory_space<vmem>>
    %dma_wait3A_242 = arith.constant 0 : i32
    %dma_wait3A_243 = arith.constant 0 : i32
    %dma_wait3A_244 = tpu.memref_slice %arg10[%dma_wait3A_242, %dma_wait3A_243] : memref<10240x128xf32, #tpu.memory_space<vmem_shared>> -> memref<10240x128xf32, #tpu.memory_space<vmem_shared>>
    %dma_wait3A_245 = tpu.memref_slice %arg12[%rem3A_234] : memref<5x!tpu.dma_semaphore, #tpu.memory_space<semaphore_mem>> -> memref<1x!tpu.dma_semaphore, #tpu.memory_space<semaphore_mem>>
    %dma_wait3A_246 = tpu.memref_squeeze %dma_wait3A_245 : memref<1x!tpu.dma_semaphore, #tpu.memory_space<semaphore_mem>> -> memref<!tpu.dma_semaphore, #tpu.memory_space<semaphore_mem>>
    tpu.wait_indirect_dma semaphore(%dma_wait3A_246 : memref<!tpu.dma_semaphore, #tpu.memory_space<semaphore_mem>>) src(%dma_wait3A_238 : memref<50x128xf32, #tpu.memory_space<vmem>>) dst(%dma_wait3A_244 : memref<10240x128xf32, #tpu.memory_space<vmem_shared>>)
    %barrier3A_247 = arith.constant 0 : index
    tpu.barrier barrier_id(%barrier3A_247)
    %mul3A_248 = arith.constant 640 : i32
    %mul3A_249 = arith.muli %arg1, %mul3A_248 : i32
    %mul3A_250 = arith.constant 640 : i32
    %mul3A_251 = arith.muli %arg1, %mul3A_250 : i32
    "tpu.region"() ({
      %run_scoped3A = tpu.sem_alloc : memref<!tpu.dma_semaphore, #tpu.memory_space<semaphore_mem>>
      %dma_start3A_252 = arith.constant 0 : i32
      %dma_start3A_253 = tpu.memref_slice %arg6[%arg0, %mul3A_251, %dma_start3A_252] : memref<2x10240x128xf32, #tpu.memory_space<hbm>> -> memref<1x640x128xf32, #tpu.memory_space<hbm>>
      %dma_start3A_254 = tpu.memref_squeeze %dma_start3A_253 : memref<1x640x128xf32, #tpu.memory_space<hbm>> -> memref<640x128xf32, #tpu.memory_space<hbm>>
      %dma_start3A_255 = arith.constant 0 : i32
      %dma_start3A_256 = tpu.memref_slice %arg10[%mul3A_249, %dma_start3A_255] : memref<10240x128xf32, #tpu.memory_space<vmem_shared>> -> memref<640x128xf32, #tpu.memory_space<vmem_shared>>
      tpu.enqueue_dma source(%dma_start3A_256 : memref<640x128xf32, #tpu.memory_space<vmem_shared>>) target(%dma_start3A_254 : memref<640x128xf32, #tpu.memory_space<hbm>>) target_semaphore(%run_scoped3A : memref<!tpu.dma_semaphore, #tpu.memory_space<semaphore_mem>>)
      %dma_wait3A_257 = arith.constant 0 : i32
      %dma_wait3A_258 = tpu.memref_slice %arg6[%arg0, %mul3A_251, %dma_wait3A_257] : memref<2x10240x128xf32, #tpu.memory_space<hbm>> -> memref<1x640x128xf32, #tpu.memory_space<hbm>>
      %dma_wait3A_259 = tpu.memref_squeeze %dma_wait3A_258 : memref<1x640x128xf32, #tpu.memory_space<hbm>> -> memref<640x128xf32, #tpu.memory_space<hbm>>
      %dma_wait3A_260 = arith.constant 0 : i32
      %dma_wait3A_261 = tpu.memref_slice %arg10[%mul3A_249, %dma_wait3A_260] : memref<10240x128xf32, #tpu.memory_space<vmem_shared>> -> memref<640x128xf32, #tpu.memory_space<vmem_shared>>
      tpu.wait_dma2 semaphore(%run_scoped3A : memref<!tpu.dma_semaphore, #tpu.memory_space<semaphore_mem>>) src(%dma_wait3A_261 : memref<640x128xf32, #tpu.memory_space<vmem_shared>>) dst(%dma_wait3A_259 : memref<640x128xf32, #tpu.memory_space<hbm>>)
      tpu.yield
    }) : () -> ()
    return
  }
}

module attributes {stable_mosaic.version = 14 : i64} {
  func.func @_mm_scale_body(%arg0: i32, %arg1: memref<1000x1xf32, #tpu.memory_space<vmem>>, %arg2: memref<1000x128xf32, #tpu.memory_space<vmem>>, %arg3: memref<128x128xf32, #tpu.memory_space<vmem>>, %arg4: memref<1000x128xf32, #tpu.memory_space<vmem>>) attributes {dimension_semantics = [#tpu.dimension_semantics<arbitrary>], iteration_bounds = array<i64: 10>, scalar_prefetch = 0 : i64, scratch_operands = 0 : i64, tpu.core_type = #tpu.core_type<tc>, window_params = [{transform_indices = @transform_0, window_bounds = array<i64: 1000, 1>}, {transform_indices = @transform_1, window_bounds = array<i64: 1000, 128>}, {pipeline_mode = #tpu.pipeline_mode<synchronous>, transform_indices = @transform_2, window_bounds = array<i64: 128, 128>}, {transform_indices = @transform_3, window_bounds = array<i64: 1000, 128>}]} {
    %get3A = arith.constant 0 : index
    %get3A_0 = arith.constant 0 : index
    %get3A_1 = vector.load %arg1[%get3A, %get3A_0] : memref<1000x1xf32, #tpu.memory_space<vmem>>, vector<1000x1xf32>
    %get3A_2 = arith.constant 0 : index
    %get3A_3 = arith.constant 0 : index
    %get3A_4 = vector.load %arg2[%get3A_2, %get3A_3] : memref<1000x128xf32, #tpu.memory_space<vmem>>, vector<1000x128xf32>
    %get3A_5 = arith.constant 0 : index
    %get3A_6 = arith.constant 0 : index
    %get3A_7 = vector.load %arg3[%get3A_5, %get3A_6] : memref<128x128xf32, #tpu.memory_space<vmem>>, vector<128x128xf32>
    %dot_general3A = arith.constant dense<0.000000e+00> : vector<1000x128xf32>
    %dot_general3A_8 = tpu.matmul %get3A_4, %get3A_7, %dot_general3A {dimension_numbers = #tpu.dot_dimension_numbers<[1], [0], [0], [1], [0, 0, 1, 1], [], []>, transpose_lhs_hint = false} : vector<1000x128xf32>, vector<128x128xf32>, vector<1000x128xf32> -> vector<1000x128xf32>
    %mul3A = vector.broadcast %get3A_1 : vector<1000x1xf32> to vector<1000x128xf32>
    %mul3A_9 = arith.mulf %mul3A, %dot_general3A_8 : vector<1000x128xf32>
    %swap3A = arith.constant 0 : index
    %swap3A_10 = arith.constant 0 : index
    %swap3A_11 = vector.load %arg4[%swap3A, %swap3A_10] : memref<1000x128xf32, #tpu.memory_space<vmem>>, vector<1000x128xf32>
    tpu.vector_store %arg4[%swap3A, %swap3A_10], %mul3A_9 {strides = array<i32>} : memref<1000x128xf32, #tpu.memory_space<vmem>>, vector<1000x128xf32>,
    return
  }
  func.func @transform_0(%arg0: i32) -> (i32, i32) {
    %c0_i32 = arith.constant 0 : i32
    %c0_i32_0 = arith.constant 0 : i32
    return %arg0, %c0_i32 : i32, i32
  }
  func.func @transform_1(%arg0: i32) -> (i32, i32) {
    %c0_i32 = arith.constant 0 : i32
    %c0_i32_0 = arith.constant 0 : i32
    return %arg0, %c0_i32 : i32, i32
  }
  func.func @transform_2(%arg0: i32) -> (i32, i32) {
    %c0_i32 = arith.constant 0 : i32
    %c0_i32_0 = arith.constant 0 : i32
    %c0_i32_1 = arith.constant 0 : i32
    return %c0_i32, %c0_i32_0 : i32, i32
  }
  func.func @transform_3(%arg0: i32) -> (i32, i32) {
    %c0_i32 = arith.constant 0 : i32
    %c0_i32_0 = arith.constant 0 : i32
    return %arg0, %c0_i32 : i32, i32
  }
}

module attributes {stable_mosaic.version = 14 : i64} {
  func.func @_post_mm_body(%arg0: i32, %arg1: memref<2x1000x128xf32, #tpu.memory_space<vmem>>, %arg2: memref<1000x128xf32, #tpu.memory_space<vmem>>, %arg3: memref<1000x1xf32, #tpu.memory_space<vmem>>, %arg4: memref<1x128xf32, #tpu.memory_space<vmem>>, %arg5: memref<128x128xf32, #tpu.memory_space<vmem>>, %arg6: memref<1000x128xf32, #tpu.memory_space<vmem>>) attributes {dimension_semantics = [#tpu.dimension_semantics<arbitrary>], iteration_bounds = array<i64: 10>, scalar_prefetch = 0 : i64, scratch_operands = 0 : i64, tpu.core_type = #tpu.core_type<tc>, window_params = [{transform_indices = @transform_0, window_bounds = array<i64: 2, 1000, 128>}, {transform_indices = @transform_1, window_bounds = array<i64: 1000, 128>}, {transform_indices = @transform_2, window_bounds = array<i64: 1000, 1>}, {pipeline_mode = #tpu.pipeline_mode<synchronous>, transform_indices = @transform_3, window_bounds = array<i64: 1, 128>}, {pipeline_mode = #tpu.pipeline_mode<synchronous>, transform_indices = @transform_4, window_bounds = array<i64: 128, 128>}, {transform_indices = @transform_5, window_bounds = array<i64: 1000, 128>}]} {
    %get3A = arith.constant 0 : index
    %get3A_0 = arith.constant 0 : index
    %get3A_1 = vector.load %arg3[%get3A, %get3A_0] : memref<1000x1xf32, #tpu.memory_space<vmem>>, vector<1000x1xf32>
    %get3A_2 = arith.constant 0 : index
    %get3A_3 = arith.constant 0 : index
    %get3A_4 = arith.constant 0 : index
    %get3A_5 = vector.load %arg1[%get3A_2, %get3A_3, %get3A_4] : memref<2x1000x128xf32, #tpu.memory_space<vmem>>, vector<1x1000x128xf32>
    %get3A_6 = vector.shape_cast %get3A_5 : vector<1x1000x128xf32> to vector<1000x128xf32>
    %get3A_7 = arith.constant 1 : index
    %get3A_8 = arith.constant 0 : index
    %get3A_9 = arith.constant 0 : index
    %get3A_10 = vector.load %arg1[%get3A_7, %get3A_8, %get3A_9] : memref<2x1000x128xf32, #tpu.memory_space<vmem>>, vector<1x1000x128xf32>
    %get3A_11 = vector.shape_cast %get3A_10 : vector<1x1000x128xf32> to vector<1000x128xf32>
    %add3A = arith.addf %get3A_6, %get3A_11 : vector<1000x128xf32>
    %get3A_12 = arith.constant 0 : index
    %get3A_13 = arith.constant 0 : index
    %get3A_14 = vector.load %arg2[%get3A_12, %get3A_13] : memref<1000x128xf32, #tpu.memory_space<vmem>>, vector<1000x128xf32>
    %add3A_15 = arith.addf %add3A, %get3A_14 : vector<1000x128xf32>
    %mul3A = vector.broadcast %get3A_1 : vector<1000x1xf32> to vector<1000x128xf32>
    %mul3A_16 = arith.mulf %mul3A, %add3A_15 : vector<1000x128xf32>
    %get3A_17 = arith.constant 0 : index
    %get3A_18 = arith.constant 0 : index
    %get3A_19 = vector.load %arg4[%get3A_17, %get3A_18] : memref<1x128xf32, #tpu.memory_space<vmem>>, vector<1x128xf32>
    %add3A_20 = vector.broadcast %get3A_19 : vector<1x128xf32> to vector<1000x128xf32>
    %add3A_21 = arith.addf %mul3A_16, %add3A_20 : vector<1000x128xf32>
    %max3A = arith.constant 0.000000e+00 : f32
    %max3A_22 = vector.broadcast %max3A : f32 to vector<1000x128xf32>
    %max3A_23 = arith.maximumf %add3A_21, %max3A_22 : vector<1000x128xf32>
    %get3A_24 = arith.constant 0 : index
    %get3A_25 = arith.constant 0 : index
    %get3A_26 = vector.load %arg3[%get3A_24, %get3A_25] : memref<1000x1xf32, #tpu.memory_space<vmem>>, vector<1000x1xf32>
    %get3A_27 = arith.constant 0 : index
    %get3A_28 = arith.constant 0 : index
    %get3A_29 = vector.load %arg5[%get3A_27, %get3A_28] : memref<128x128xf32, #tpu.memory_space<vmem>>, vector<128x128xf32>
    %dot_general3A = arith.constant dense<0.000000e+00> : vector<1000x128xf32>
    %dot_general3A_30 = tpu.matmul %max3A_23, %get3A_29, %dot_general3A {dimension_numbers = #tpu.dot_dimension_numbers<[1], [0], [0], [1], [0, 0, 1, 1], [], []>, transpose_lhs_hint = false} : vector<1000x128xf32>, vector<128x128xf32>, vector<1000x128xf32> -> vector<1000x128xf32>
    %mul3A_31 = vector.broadcast %get3A_26 : vector<1000x1xf32> to vector<1000x128xf32>
    %mul3A_32 = arith.mulf %mul3A_31, %dot_general3A_30 : vector<1000x128xf32>
    %swap3A = arith.constant 0 : index
    %swap3A_33 = arith.constant 0 : index
    %swap3A_34 = vector.load %arg6[%swap3A, %swap3A_33] : memref<1000x128xf32, #tpu.memory_space<vmem>>, vector<1000x128xf32>
    tpu.vector_store %arg6[%swap3A, %swap3A_33], %mul3A_32 {strides = array<i32>} : memref<1000x128xf32, #tpu.memory_space<vmem>>, vector<1000x128xf32>,
    return
  }
  func.func @transform_0(%arg0: i32) -> (i32, i32, i32) {
    %c0_i32 = arith.constant 0 : i32
    %c0_i32_0 = arith.constant 0 : i32
    %c0_i32_1 = arith.constant 0 : i32
    return %c0_i32, %arg0, %c0_i32_0 : i32, i32, i32
  }
  func.func @transform_1(%arg0: i32) -> (i32, i32) {
    %c0_i32 = arith.constant 0 : i32
    %c0_i32_0 = arith.constant 0 : i32
    return %arg0, %c0_i32 : i32, i32
  }
  func.func @transform_2(%arg0: i32) -> (i32, i32) {
    %c0_i32 = arith.constant 0 : i32
    %c0_i32_0 = arith.constant 0 : i32
    return %arg0, %c0_i32 : i32, i32
  }
  func.func @transform_3(%arg0: i32) -> (i32, i32) {
    %c0_i32 = arith.constant 0 : i32
    %c0_i32_0 = arith.constant 0 : i32
    %c0_i32_1 = arith.constant 0 : i32
    return %c0_i32, %c0_i32_0 : i32, i32
  }
  func.func @transform_4(%arg0: i32) -> (i32, i32) {
    %c0_i32 = arith.constant 0 : i32
    %c0_i32_0 = arith.constant 0 : i32
    %c0_i32_1 = arith.constant 0 : i32
    return %c0_i32, %c0_i32_0 : i32, i32
  }
  func.func @transform_5(%arg0: i32) -> (i32, i32) {
    %c0_i32 = arith.constant 0 : i32
    %c0_i32_0 = arith.constant 0 : i32
    return %arg0, %c0_i32 : i32, i32
  }
}

module attributes {stable_mosaic.version = 14 : i64} {
  func.func @_final_body(%arg0: i32, %arg1: memref<2x1000x128xf32, #tpu.memory_space<vmem>>, %arg2: memref<1000x128xf32, #tpu.memory_space<vmem>>, %arg3: memref<1000x1xf32, #tpu.memory_space<vmem>>, %arg4: memref<1x128xf32, #tpu.memory_space<vmem>>, %arg5: memref<1000x128xf32, #tpu.memory_space<vmem>>, %arg6: memref<1000x128xf32, #tpu.memory_space<vmem>>) attributes {dimension_semantics = [#tpu.dimension_semantics<arbitrary>], iteration_bounds = array<i64: 10>, scalar_prefetch = 0 : i64, scratch_operands = 0 : i64, tpu.core_type = #tpu.core_type<tc>, window_params = [{transform_indices = @transform_0, window_bounds = array<i64: 2, 1000, 128>}, {transform_indices = @transform_1, window_bounds = array<i64: 1000, 128>}, {transform_indices = @transform_2, window_bounds = array<i64: 1000, 1>}, {pipeline_mode = #tpu.pipeline_mode<synchronous>, transform_indices = @transform_3, window_bounds = array<i64: 1, 128>}, {transform_indices = @transform_4, window_bounds = array<i64: 1000, 128>}, {transform_indices = @transform_5, window_bounds = array<i64: 1000, 128>}]} {
    %get3A = arith.constant 0 : index
    %get3A_0 = arith.constant 0 : index
    %get3A_1 = vector.load %arg3[%get3A, %get3A_0] : memref<1000x1xf32, #tpu.memory_space<vmem>>, vector<1000x1xf32>
    %get3A_2 = arith.constant 0 : index
    %get3A_3 = arith.constant 0 : index
    %get3A_4 = arith.constant 0 : index
    %get3A_5 = vector.load %arg1[%get3A_2, %get3A_3, %get3A_4] : memref<2x1000x128xf32, #tpu.memory_space<vmem>>, vector<1x1000x128xf32>
    %get3A_6 = vector.shape_cast %get3A_5 : vector<1x1000x128xf32> to vector<1000x128xf32>
    %get3A_7 = arith.constant 1 : index
    %get3A_8 = arith.constant 0 : index
    %get3A_9 = arith.constant 0 : index
    %get3A_10 = vector.load %arg1[%get3A_7, %get3A_8, %get3A_9] : memref<2x1000x128xf32, #tpu.memory_space<vmem>>, vector<1x1000x128xf32>
    %get3A_11 = vector.shape_cast %get3A_10 : vector<1x1000x128xf32> to vector<1000x128xf32>
    %add3A = arith.addf %get3A_6, %get3A_11 : vector<1000x128xf32>
    %get3A_12 = arith.constant 0 : index
    %get3A_13 = arith.constant 0 : index
    %get3A_14 = vector.load %arg2[%get3A_12, %get3A_13] : memref<1000x128xf32, #tpu.memory_space<vmem>>, vector<1000x128xf32>
    %add3A_15 = arith.addf %add3A, %get3A_14 : vector<1000x128xf32>
    %mul3A = vector.broadcast %get3A_1 : vector<1000x1xf32> to vector<1000x128xf32>
    %mul3A_16 = arith.mulf %mul3A, %add3A_15 : vector<1000x128xf32>
    %get3A_17 = arith.constant 0 : index
    %get3A_18 = arith.constant 0 : index
    %get3A_19 = vector.load %arg4[%get3A_17, %get3A_18] : memref<1x128xf32, #tpu.memory_space<vmem>>, vector<1x128xf32>
    %add3A_20 = vector.broadcast %get3A_19 : vector<1x128xf32> to vector<1000x128xf32>
    %add3A_21 = arith.addf %mul3A_16, %add3A_20 : vector<1000x128xf32>
    %get3A_22 = arith.constant 0 : index
    %get3A_23 = arith.constant 0 : index
    %get3A_24 = vector.load %arg5[%get3A_22, %get3A_23] : memref<1000x128xf32, #tpu.memory_space<vmem>>, vector<1000x128xf32>
    %add3A_25 = arith.addf %add3A_21, %get3A_24 : vector<1000x128xf32>
    %swap3A = arith.constant 0 : index
    %swap3A_26 = arith.constant 0 : index
    %swap3A_27 = vector.load %arg6[%swap3A, %swap3A_26] : memref<1000x128xf32, #tpu.memory_space<vmem>>, vector<1000x128xf32>
    tpu.vector_store %arg6[%swap3A, %swap3A_26], %add3A_25 {strides = array<i32>} : memref<1000x128xf32, #tpu.memory_space<vmem>>, vector<1000x128xf32>,
    return
  }
  func.func @transform_0(%arg0: i32) -> (i32, i32, i32) {
    %c0_i32 = arith.constant 0 : i32
    %c0_i32_0 = arith.constant 0 : i32
    %c0_i32_1 = arith.constant 0 : i32
    return %c0_i32, %arg0, %c0_i32_0 : i32, i32, i32
  }
  func.func @transform_1(%arg0: i32) -> (i32, i32) {
    %c0_i32 = arith.constant 0 : i32
    %c0_i32_0 = arith.constant 0 : i32
    return %arg0, %c0_i32 : i32, i32
  }
  func.func @transform_2(%arg0: i32) -> (i32, i32) {
    %c0_i32 = arith.constant 0 : i32
    %c0_i32_0 = arith.constant 0 : i32
    return %arg0, %c0_i32 : i32, i32
  }
  func.func @transform_3(%arg0: i32) -> (i32, i32) {
    %c0_i32 = arith.constant 0 : i32
    %c0_i32_0 = arith.constant 0 : i32
    %c0_i32_1 = arith.constant 0 : i32
    return %c0_i32, %c0_i32_0 : i32, i32
  }
  func.func @transform_4(%arg0: i32) -> (i32, i32) {
    %c0_i32 = arith.constant 0 : i32
    %c0_i32_0 = arith.constant 0 : i32
    return %arg0, %c0_i32 : i32, i32
  }
  func.func @transform_5(%arg0: i32) -> (i32, i32) {
    %c0_i32 = arith.constant 0 : i32
    %c0_i32_0 = arith.constant 0 : i32
    return %arg0, %c0_i32 : i32, i32
  }
}

</mosaic_0001>

<sc_bundles>
// kernel: kernel.10.cloned.1.call-start
scs
__scs_entry_jumppad:
0x0: {  	(pc) =	sbr.rel $0x88, $3  }
0x1: {  	(tag) =	ssettag $0x0;
	lr =	simm.s32 $0x1  }
0x2: {  	[smem:$0x3F99] =	sst lr;
	_ =	strace $0xD0000000  }
0x3: {  	_ = 	snop  }
0x4: {  	_ = 	snop  }
0x5: {  	_ = 	snop  }
0x6: {  	_ = 	snop  }
0x7: {  	_ = 	snop  }
__scs_overlays_trampoline_lowered:
0x8: {  	[smem:$0x3FA8] =	sst s0  }
0x9: {  	[smem:$0x3FA9] =	sst s1  }
0xa: {  	[smem:$0x3FAA] =	sst s2  }
0xb: {  	[smem:$0x3FAB] =	sst s3  }
0xc: {  	[smem:$0x3FAC] =	sst s4  }
0xd: {  	[smem:$0x3FAD] =	sst s5  }
0xe: {  	[smem:$0x3FAE] =	sst s6  }
0xf: {  	[smem:$0x3FAF] =	sst s7  }
0x10: {  	[smem:$0x3FB0] =	sst s8  }
0x11: {  	[smem:$0x3FB1] =	sst s9;
	s0 =	simm.s32 @!p0 $0x0  }
0x12: {  	s1 =	sld [smem:$0x3F97];
	s0 =	simm.s32 @p0 $0x1  }
0x13: {  	[smem:$0x3FB2] =	sst s0;
	s0 =	simm.s32 @!p1 $0x0  }
0x14: {  	s2 =	sld [smem:$0x3F96];
	s0 =	simm.s32 @p1 $0x1  }
0x15: {  	[smem:$0x3FB3] =	sst s0;
	s0 =	simm.s32 @!p2 $0x0  }
0x16: {  	s3 =	sld [smem:$0x3FDB];
	s0 =	simm.s32 @p2 $0x1  }
0x17: {  	s4 =	simm.s32 $0x1BF5;
	[smem:$0x3FB5] =	sst s0  }
0x18: {  	s0 =	sld [smem:$0x3F98];
	_ =	swait.ge [sflag:s4], $0x0  }
0x19: {  	s7 =	sld [smem:$0x3F99]  }
0x1a: {  	s8 =	sadd.s32 $0xFFFFE003, lr  }
0x1b: {  	s9 =	sadd.s32 $0xFFFFFEF7, lr;
	s5 =	simm.s32 $0xFFFFFFFF;
	p2 =	slt.u32 s8, $0xFFFFF086  }
0x1c: {  	p1 =	slt.u32 s9, $0xF7A;
	s5 =	simm.s32 @!p2 $0x0  }
0x1d: {  	s5 =	simm.s32 @p1 $0x1;
	p0 =	seq.s32 s7, s2  }
0x1e: {  	s7 =	smul.u32 @!p0 $0xF7A, s2;
	p2 =	seq.s32 @!p0 s5, $0x0  }
0x1f: {  	s9 =	smul.u32 $0xF7A, s1;
	s8 =	simm.s32 @!p0 $0x1BF5;
	p2 =	por !p2, p0  }
0x20: {  	[sflag:s8] =	ssyncset.s32 @!p0 $0xFFFFF086;
	s6 =	sadd.s32 @!p0 s3, s7;
	s7 =	simm.s32 @!p0 $0x108  }
0x21: {  	s3 =	sadd.s32 s3, s9;
	s6 =	sadd.s32 @!p0 $0x88, s6;
	s7 =	simm.s32 @p2 $0x1082  }
0x22: {  	[simem:s7], [sflag:s8] =	dma.local @!p0 [hbm:s6], $0xF7A  }
0x23: {  	s9 =	sor.u32 $0xD0000000, s2;
	s6 =	simm.s32 $0x108;
	_ =	swait.ge @!p0 [sflag:s8], $0x0  }
0x24: {  	s3 =	sadd.s32 $0x88, s3;
	s6 =	simm.s32 @!p1 $0x1082;
	[sflag:s4] =	ssyncset.s32 $0xFFFFF086  }
0x25: {  	[simem:s6], [sflag:s4] =	dma.local [hbm:s3], $0xF7A  }
0x26: {  	[smem:$0x3F99] =	sst s1;
	(tag) =	ssettag s2;
	_ =	strace s9  }
0x27: {  	s1 =	sld [smem:$0x3FA9]  }
0x28: {  	s2 =	sld [smem:$0x3FAA]  }
0x29: {  	s4 =	sld [smem:$0x3FAC]  }
0x2a: {  	p0 =	seq.s32 s5, $0x0;
	s5 =	sld [smem:$0x3FAD]  }
0x2b: {  	s6 =	sld [smem:$0x3FAE]  }
0x2c: {  	s7 =	sld [smem:$0x3FAF]  }
0x2d: {  	s3 =	simm.s32 $0x108;
	s8 =	sld [smem:$0x3FB0]  }
0x2e: {  	s3 =	simm.s32 @!p0 $0x1082;
	s9 =	sld [smem:$0x3FB1]  }
0x2f: {  	lr =	sadd.s32 s0, s3;
	s0 =	sld [smem:$0x3FA8]  }
0x30: {  	s3 =	sld [smem:$0x3FAB]  }
0x31: {  	[smem:$0x3FB4] =	sst s10  }
0x32: {  	s10 =	sld [smem:$0x3FB2];
	_ =	sdelay $0x3  }
0x33: {  	p0 =	seq.s32 s10, $0x1;
	s10 =	sld [smem:$0x3FB4];
	_ =	sdelay $0x3  }
0x34: {  	[smem:$0x3FB4] =	sst s10  }
0x35: {  	s10 =	sld [smem:$0x3FB3];
	_ =	sdelay $0x3  }
0x36: {  	p1 =	seq.s32 s10, $0x1;
	s10 =	sld [smem:$0x3FB4];
	_ =	sdelay $0x3  }
0x37: {  	[smem:$0x3FB4] =	sst s10  }
0x38: {  	s10 =	sld [smem:$0x3FB5]  }
0x39: {  	_ = 	snop;
	(pc) =	sbr.ind lr, $3  }
0x3a: {  	_ = 	snop  }
0x3b: {  	_ = 	snop  }
0x3c: {  	p2 =	seq.s32 s10, $0x1;
	s10 =	sld [smem:$0x3FB4]  }
0x3d: {  	_ =	shalt  }
0x3e: {  	_ =	shalt  }
0x3f: {  	_ =	shalt  }
0x40: {  	_ =	shalt  }
0x41: {  	_ =	shalt  }
0x42: {  	_ =	shalt  }
0x43: {  	_ =	shalt  }
0x44: {  	_ =	shalt  }
0x45: {  	_ =	shalt  }
0x46: {  	_ =	shalt  }
0x47: {  	_ =	shalt  }
0x48: {  	_ =	shalt  }
0x49: {  	_ =	shalt  }
0x4a: {  	_ =	shalt  }
0x4b: {  	_ =	shalt  }
0x4c: {  	_ =	shalt  }
0x4d: {  	_ =	shalt  }
0x4e: {  	_ =	shalt  }
0x4f: {  	_ =	shalt  }
0x50: {  	_ =	shalt  }
0x51: {  	_ =	shalt  }
0x52: {  	_ =	shalt  }
0x53: {  	_ =	shalt  }
0x54: {  	_ =	shalt  }
0x55: {  	_ =	shalt  }
0x56: {  	_ =	shalt  }
0x57: {  	_ =	shalt  }
0x58: {  	_ =	shalt  }
0x59: {  	_ =	shalt  }
0x5a: {  	_ =	shalt  }
0x5b: {  	_ =	shalt  }
0x5c: {  	_ =	shalt  }
0x5d: {  	_ =	shalt  }
0x5e: {  	_ =	shalt  }
0x5f: {  	_ =	shalt  }
0x60: {  	_ =	shalt  }
0x61: {  	_ =	shalt  }
0x62: {  	_ =	shalt  }
0x63: {  	_ =	shalt  }
0x64: {  	_ =	shalt  }
0x65: {  	_ =	shalt  }
0x66: {  	_ =	shalt  }
0x67: {  	_ =	shalt  }
0x68: {  	_ =	shalt  }
0x69: {  	_ =	shalt  }
0x6a: {  	_ =	shalt  }
0x6b: {  	_ =	shalt  }
0x6c: {  	_ =	shalt  }
0x6d: {  	_ =	shalt  }
0x6e: {  	_ =	shalt  }
0x6f: {  	_ =	shalt  }
0x70: {  	_ =	shalt  }
0x71: {  	_ =	shalt  }
0x72: {  	_ =	shalt  }
0x73: {  	_ =	shalt  }
0x74: {  	_ =	shalt  }
0x75: {  	_ =	shalt  }
0x76: {  	_ =	shalt  }
0x77: {  	_ =	shalt  }
0x78: {  	_ =	shalt  }
0x79: {  	_ =	shalt  }
0x7a: {  	_ =	shalt  }
0x7b: {  	_ =	shalt  }
0x7c: {  	_ =	shalt  }
0x7d: {  	_ =	shalt  }
0x7e: {  	_ =	shalt  }
0x7f: {  	_ =	shalt  }
0x80: {  	_ =	shalt  }
0x81: {  	_ =	shalt  }
0x82: {  	_ =	shalt  }
0x83: {  	_ =	shalt  }
0x84: {  	_ =	shalt  }
0x85: {  	_ =	shalt  }
0x86: {  	_ =	shalt  }
0x87: {  	_ =	shalt  }
.Lfunc_end0:
.L_simem_size_0:
called_computation_lowered:
.L_overlay_start_0:
0x88: {  	s2 =	sld [smem:$0x3FD9]  }
0x89: {  	s3 =	sld [smem:$0x3FFE];
	_ =	sdelay $0x1  }
0x8a: {  	s1 =	srdreg.scid  }
0x8b: {  	s0 =	sand.u32 $0x1, s1  }
0x8c: {  	s17 =	sshll.u32 s0, $0xA;
	s2 =	sadd.s32 s3, s2  }
0x8d: {  	s2 =	sadd.s32 s2, s17  }
0x8e: {  	[smem:$0x3FC0] =	sst s2  }
0x8f: {  	_ = 	snop  }
0x90: {  	s2 =	sld [smem:$0x3FD0];
	(tm) =	ssettm $0x1  }
0x91: {  	s18 =	sld [smem:$0x3FFB];
	_ =	sdelay $0x3  }
0x92: {  	_ =	strace s18  }
0x93: {  	s3 =	sld [smem:$0x3FFC];
	_ =	sdelay $0x3  }
0x94: {  	_ =	strace s3  }
0x95: {  	s3 =	sld [smem:$0x3FFD];
	_ =	sdelay $0x3  }
0x96: {  	_ =	strace s3  }
0x97: {  	_ =	strace $0x8FFFFFFF  }
0x98: {  	s19 =	sld [smem:$0x3FDB];
	_ =	sdelay $0x1  }
0x99: {  	s4 =	simm.s32 $_scs_section_size  }
0x9a: {  	s5 =	simm.s32 $_size__tile_overlayer_lowered;
	s6 =	simm.s32 $_tile_overlayer_lowered  }
0x9b: {  	s22 =	simm.s32 $0x1BFF;
	s21 =	sshll.u32 s6, $0x1;
	s3 =	sadd.s32 s4, s19  }
0x9c: {  	s7 =	simm.s32 $0x0;
	s20 =	sshll.u32 s5, $0x1;
	s5 =	sadd.s32 s21, s3  }
0x9d: {  	[timem:s7], [sflag:s22] =	dma.local [hbm:s5], s20  }
0x9e: {  	_ =	swait.ge [sflag:s22], s20  }
0x9f: {  	s4 =	ssub.s32 $0x0, s20;
	[sflag:s22] =	ssyncset.done $0x0  }
0xa0: {  	[sflag:s22] =	ssyncadd.s32 s4;
	_ =	sdelay $0x1  }
0xa1: {  	s23 =	simm.s32 $0x1B8B  }
0xa2: {  	_ =	swait.ge [sflag:s23], $0x1  }
0xa3: {  	[sflag:s23] =	ssyncset.done $0x0  }
0xa4: {  	s25 =	simm.s32 $0x1B8E;
	s24 =	sld [smem:$0x3FFE];
	[sflag:s23] =	ssyncadd.s32 $0xFFFFFFFF  }
0xa5: {  	s26 =	simm.s32 $execute0_lowered;
	[smem:$0x3FD2] =	sst s25  }
0xa6: {  	s5 =	sshll.u32 s26, $0x1;
	_ =	strace $0x80000046;
	[dreg:$0x1] =	wrdreg $0xFFFFFFFF  }
0xa7: {  	s28 =	simm.s32 $_size_execute0_lowered;
	s3 =	sadd.s32 s3, s5;
	[dreg:$0x0] =	wrdreg $0x0  }
0xa8: {  	s5 =	sshll.u32 s28, $0x1;
	[dreg:$0x2] =	wrdreg s3  }
0xa9: {  	[dreg:$0x3] =	wrdreg s5  }
0xaa: {  	[dreg:$0x4] =	wrdreg $0xC0  }
0xab: {  	_ =	task [dreg:s7], $0x5FFFF  }
0xac: {  	[dreg:$0x1] =	wrdreg $0xFFFFFFFF  }
0xad: {  	[dreg:$0x0] =	wrdreg $0x60  }
0xae: {  	[dreg:$0x2] =	wrdreg s2  }
0xaf: {  	[dreg:$0x3] =	wrdreg s24  }
0xb0: {  	[dreg:$0x4] =	wrdreg $0x40800  }
0xb1: {  	[dreg:$0x5] =	wrdreg $0x9  }
0xb2: {  	_ =	task.clear_ibuf [dreg:s7], $0x6FFFF;
	_ =	strace $0x90000046  }
0xb3: {  	s29 =	simm.s32 $0x9;
	_ =	strace $0x80000048  }
0xb4: {  	_ =	swait.ge [sflag:s29], $0x1  }
0xb5: {  	[sflag:s29] =	ssyncadd.s32 $0xFFFFFFFF  }
0xb6: {  	_ =	strace $0x90000048  }
0xb7: {  	_ =	sfence  }
0xb8: {  	s30 =	sld [smem:$0x0];
	_ =	sdelay $0x2  }
0xb9: {  	s31 =	sshll.u32 s1, $0xD;
	s1 =	sshrl.u32 s1, $0x2  }
0xba: {  	s3 =	sand.u32 $0x4000, s31;
	s1 =	sadd.s32 s1, s30  }
0xbb: {  	s0 =	sor.u32 s3, s0;
	s1 =	sshll.u32 s1, $0x11  }
0xbc: {  	s0 =	sor.u32 s1, s0  }
0xbd: {  	s0 =	sadd.s32 $0x8F2B, s0  }
0xbe: {  	[sflag:s0] =	ssyncadd.remote.s32 $0x1  }
0xbf: {  	_ =	sfence.sel $0xFFFF  }
0xc0: {  	[dreg:$0x0] =	wrdreg $0xFFFFFFFF;
	(pc) =	sbr.abs _section_cstart, $3  }
0xc1: {  	[dreg:$0x1] =	wrdreg $0xFFFFFFFF  }
0xc2: {  	_ =	task.clear_ibuf [dreg:s7], $0x2FFFF;
	_ =	strace $0x9FFFFFFF  }
0xc3: {  	(tm) =	ssettm $0x7FFFFFFF  }
tec
execute0_lowered:
.L_overlay_start_1:
0x0: {  	(tag) =	ssettag $0x1  }
0x1: {  	s4 =	rddreg [dreg:$0x0]  }
0x2: {  	s5 =	rddreg [dreg:$0x1]  }
0x3: {  	s2 =	rddreg [dreg:$0x2]  }
0x4: {  	s0 =	rddreg [dreg:$0x3]  }
0x5: {  	s1 =	stileid.u32;
	s7 =	srdreg.scid;
	s3 =	simm.s32 $0x0  }
0x6: {  	s13 =	simm.s32 $0x6;
	s14 =	simm.s32 $0x7;
	s15 =	simm.s32 $0x8  }
0x7: {  	s16 =	simm.s32 $0x1;
	s17 =	simm.s32 $0x2;
	s18 =	simm.s32 $0x3  }
0x8: {  	s19 =	simm.s32 $0x4;
	s20 =	simm.s32 $0x5;
	s21 =	simm.s32 $0x20  }
0x9: {  	s22 =	simm.s32 $0x10;
	s23 =	simm.s32 $0x0;
	s6 =	smul.u32 $0x280, s1  }
0xa: {  	s7 =	sand.u32 $0x1, s7;
	s8 =	smul.u32 $0x500, s1;
	[smem:$0x7FF] =	sst s3  }
0xb: {  	s11 =	sshll.u32 s1, $0xB;
	s31 =	sshll.u32 s1, $0x6;
	s10 =	sshll.u32 s7, $0x7  }
0xc: {  	_ =	strace $0x80000047;
	s29 =	ssub.s32 $0x2, s7;
	s7 =	sshll.u32 s7, $0xF  }
0xd: {  	s4 =	sadd.s32 s4, s11;
	s11 =	simm.s32 $0x50;
	s9 =	sshrl.u32 s6, $0x3  }
0xe: {  	s8 =	sor.u32 s10, s8;
	s12 =	sshrl.u32 s29, $0x1;
	s4 =	sadd.s32 s7, s4  }
0xf: {  	s30 =	sadd.s32 s6, s2;
	s9 =	sadd.s32 s9, s5;
	s8 =	sshrl.u32 s8, $0x3  }
0x10: {  	s10 =	ssub.s32 s29, s12;
	s12 =	simm.s32 $0x4000;
	s8 =	sadd.s32 s8, s5  }
0x11: {  	s5 =	sadd.s32 $0x2800, s9;
	s7 =	smax.u32 s10, $0x1;
	s9 =	sor.u32 $0x1C09, s31  }
0x12: {  	v0 =	vimm.f32 $1.000000000e+00;
	s10 =	sshrl.u32 s30, $0x3;
	s6 =	sadd.s32 $0x2E00, s8;
	s8 =	simm.s32 $0x9  }
.LBB2_1:
0x13: {  	[tilespmem:s3], [sflag:$0x9] =	stream.linear.gather [hbm4b:s4+s3], $0x3E80, $0x38;
	[tilespmem:$0x4300] =	vst v63  }
0x14: {  	_ =	swait.ge [sflag:s8], $0x3E80  }
0x15: {  	[sflag:s8] =	ssyncset.done $0x0  }
0x16: {  	[sflag:s8] =	ssyncadd.s32 $0xFFFFC180  }
0x17: {  	[tilespmem:$0x4000] =	vst v0  }
0x18: {  	[tilespmem:$0x4010] =	vst v0  }
0x19: {  	[tilespmem:$0x4020] =	vst v0  }
0x1a: {  	[tilespmem:$0x4030] =	vst v0  }
0x1b: {  	[tilespmem:$0x4040] =	vst v0  }
0x1c: {  	[spmem:s10], [sflag:s9] =	dma.local [hbm:s5], $0x50  }
0x1d: {  	p0 =	por $0x1, $0x1;
	_ =	swait.ge [sflag:s8], $0x50  }
0x1e: {  	p1 =	por p0, p0;
	[sflag:s8] =	ssyncset.done $0x0  }
0x1f: {  	s24 =	sand.u32 @!p1 $0x7, s3;
	[sflag:s8] =	ssyncadd.s32 $0xFFFFFFB0  }
0x20: {  	s25 =	simm.s32 $0x1;
	s28 =	sadd.s32 @!p1 $0x1, s24;
	[bflag:$0x0] =	sbarrier.arrive $0xFFFF  }
0x21: {  	s26 =	simm.s32 $0x2;
	s24 =	smov.u32 @p1 s3;
	_ =	swait.ge @!p1 [sflag:s28], $0x50  }
0x22: {  	p0 =	por $0x1, $0x1;
	s29 =	sadd.s32 $0x1, s24;
	[sflag:s28] =	ssyncset.done @!p1 $0x0  }
0x23: {  	s24 =	simm.s32 $0x80;
	[sflag:s28] =	ssyncadd.s32 @!p1 $0xFFFFFFB0;
	s28 =	simm.s32 $0x0  }
.LBB2_2:
0x24: {  	[spmem:s2] =	stream.indirect.scatter.add.f32 [tilespmem:s12], [sflag:s29], $0x1, s28, s11, $0xb8;
	[tilespmem:$0x4300] =	vst v63  }
0x25: {  	s29 =	smov.u32 s26  }
0x26: {  	p1 =	por p0, p0;
	p0 =	slt.u32 s26, $0x8;
	s26 =	sadd.s32 $0x1, s26  }
0x27: {  	s28 =	smov.u32 s24;
	p2 =	sne.s32 s26, $0x7D  }
.Ltmp0:
0x28: {  	s30 =	sand.u32 @!p1 $0x7, s25;
	(pc) =	sbr.rel @p2 .LBB2_2-.Ltmp0, $4  }
0x29: {  	s31 =	sadd.s32 @!p1 $0x1, s30;
	s30 =	smov.u32 @p1 s25  }
0x2a: {  	s25 =	smov.u32 s29;
	_ =	swait.ge @!p1 [sflag:s31], $0x50  }
0x2b: {  	[sflag:s31] =	ssyncset.done @!p1 $0x0  }
0x2c: {  	s24 =	sadd.s32 $0x80, s24;
	s29 =	sadd.s32 $0x1, s30;
	[sflag:s31] =	ssyncadd.s32 @!p1 $0xFFFFFFB0  }
0x2d: {  	[spmem:s2] =	stream.indirect.scatter.add.f32 [tilespmem:s12], [sflag:s29], $0x1, s28, s11, $0xb8;
	[tilespmem:$0x4300] =	vst v63  }
0x2e: {  	p0 =	por p0, p0  }
0x2f: {  	s26 =	sand.u32 @!p0 $0x7, s25  }
0x30: {  	s28 =	sadd.s32 @!p0 $0x1, s26  }
0x31: {  	_ =	swait.ge @!p0 [sflag:s28], $0x50  }
0x32: {  	s26 =	smov.u32 @p0 s25;
	[sflag:s28] =	ssyncset.done @!p0 $0x0  }
0x33: {  	s25 =	sadd.s32 $0x1, s26;
	[sflag:s28] =	ssyncadd.s32 @!p0 $0xFFFFFFB0  }
0x34: {  	[spmem:s2] =	stream.indirect.scatter.add.f32 [tilespmem:s12], [sflag:s25], $0x1, s24, s11, $0xb8;
	[tilespmem:$0x4300] =	vst v63  }
0x35: {  	_ =	swait.ge [sflag:s13], $0x50  }
0x36: {  	[sflag:s13] =	ssyncset.done $0x0  }
0x37: {  	[sflag:s13] =	ssyncadd.s32 $0xFFFFFFB0  }
0x38: {  	_ =	swait.ge [sflag:s14], $0x50  }
0x39: {  	[sflag:s14] =	ssyncset.done $0x0  }
0x3a: {  	[sflag:s14] =	ssyncadd.s32 $0xFFFFFFB0  }
0x3b: {  	_ =	swait.ge [sflag:s15], $0x50  }
0x3c: {  	[sflag:s15] =	ssyncset.done $0x0  }
0x3d: {  	[sflag:s15] =	ssyncadd.s32 $0xFFFFFFB0  }
0x3e: {  	_ =	swait.ge [sflag:s16], $0x50  }
0x3f: {  	[sflag:s16] =	ssyncset.done $0x0  }
0x40: {  	[sflag:s16] =	ssyncadd.s32 $0xFFFFFFB0  }
0x41: {  	_ =	swait.ge [sflag:s17], $0x50  }
0x42: {  	[sflag:s17] =	ssyncset.done $0x0  }
0x43: {  	[sflag:s17] =	ssyncadd.s32 $0xFFFFFFB0  }
0x44: {  	_ =	swait.ge [sflag:s18], $0x50  }
0x45: {  	[sflag:s18] =	ssyncset.done $0x0  }
0x46: {  	[sflag:s18] =	ssyncadd.s32 $0xFFFFFFB0  }
0x47: {  	_ =	swait.ge [sflag:s19], $0x50  }
0x48: {  	[sflag:s19] =	ssyncset.done $0x0  }
0x49: {  	[sflag:s19] =	ssyncadd.s32 $0xFFFFFFB0  }
0x4a: {  	_ =	swait.ge [sflag:s20], $0x50  }
0x4b: {  	s23 =	sadd.s32 $0x1, s23;
	[sflag:s20] =	ssyncset.done $0x0  }
0x4c: {  	p0 =	sne.s32 s23, s7;
	[sflag:s20] =	ssyncadd.s32 $0xFFFFFFB0  }
.Ltmp1:
0x4d: {  	[bflag:$0x0] =	sbarrier.arrive $0xFFFF;
	(pc) =	sbr.rel @p0 .LBB2_1-.Ltmp1, $4  }
0x4e: {  	[hbm:s6@s21], [sflag:s9] =	dma.strided [spmem:s10@s22], $0x50, s16, $0x10   }
0x4f: {  	_ =	swait.ge [sflag:s8], $0x50  }
0x50: {  	[sflag:s8] =	ssyncset.done $0x0  }
0x51: {  	[sflag:s8] =	ssyncadd.s32 $0xFFFFFFB0  }
0x52: {  	_ =	sfence.sel $0x180000  }
0x53: {  	[bflag:$0x0] =	sbarrier.arrive $0xFFFF  }
0x54: {  	p0 =	sne.s32 s1, $0x0;
	_ =	strace $0x90000047  }
0x55: {  	s0 =	sadd.s32 @!p0 $0x100000, s0;
	[bflag:$0x2] =	sbarrier.arrive $0xFFFF  }
0x56: {  	[sflag:s0] =	ssyncadd.tile.s32 @!p0 $0x1;
	_ =	shalt  }
.Lfunc_end2:
_tile_overlayer_lowered:
.L_overlay_start_2:
0x57: {  	(tag) =	ssettag $0x2  }
0x58: {  	s0 =	rddreg [dreg:$0x0];
	s2 =	stileid.u32  }
0x59: {  	s1 =	rddreg [dreg:$0x1];
	p0 =	sne.s32 s2, $0x0  }
0x5a: {  	s3 =	rddreg [dreg:$0x2];
	[bflag:$0x3] =	sbarrier.arrive $0xFFFF;
	s2 =	simm.s32 @!p0 $0x1C09  }
0x5b: {  	[timem:s3], [sflag:s2] =	dma.local @!p0 [hbm:s0], s1  }
0x5c: {  	s0 =	simm.s32 @!p0 $0x9  }
0x5d: {  	_ =	swait.ge @!p0 [sflag:s0], s1  }
0x5e: {  	s1 =	ssub.s32 @!p0 $0x0, s1;
	[sflag:s0] =	ssyncset.done @!p0 $0x0  }
0x5f: {  	[sflag:s0] =	ssyncadd.s32 @!p0 s1  }
0x60: {  	[bflag:$0x3] =	sbarrier.arrive $0xFFFF  }
0x61: {  	_ =	shalt  }

// kernel: kernel.13.cloned.1.call-start
scs
__scs_entry_jumppad:
0x0: {  	(pc) =	sbr.rel $0x88, $3  }
0x1: {  	(tag) =	ssettag $0x0;
	lr =	simm.s32 $0x1  }
0x2: {  	[smem:$0x3F99] =	sst lr;
	_ =	strace $0xD0000000  }
0x3: {  	_ = 	snop  }
0x4: {  	_ = 	snop  }
0x5: {  	_ = 	snop  }
0x6: {  	_ = 	snop  }
0x7: {  	_ = 	snop  }
__scs_overlays_trampoline_lowered:
0x8: {  	[smem:$0x3FA8] =	sst s0  }
0x9: {  	[smem:$0x3FA9] =	sst s1  }
0xa: {  	[smem:$0x3FAA] =	sst s2  }
0xb: {  	[smem:$0x3FAB] =	sst s3  }
0xc: {  	[smem:$0x3FAC] =	sst s4  }
0xd: {  	[smem:$0x3FAD] =	sst s5  }
0xe: {  	[smem:$0x3FAE] =	sst s6  }
0xf: {  	[smem:$0x3FAF] =	sst s7  }
0x10: {  	[smem:$0x3FB0] =	sst s8  }
0x11: {  	[smem:$0x3FB1] =	sst s9;
	s0 =	simm.s32 @!p0 $0x0  }
0x12: {  	s1 =	sld [smem:$0x3F97];
	s0 =	simm.s32 @p0 $0x1  }
0x13: {  	[smem:$0x3FB2] =	sst s0;
	s0 =	simm.s32 @!p1 $0x0  }
0x14: {  	s2 =	sld [smem:$0x3F96];
	s0 =	simm.s32 @p1 $0x1  }
0x15: {  	[smem:$0x3FB3] =	sst s0;
	s0 =	simm.s32 @!p2 $0x0  }
0x16: {  	s3 =	sld [smem:$0x3FDB];
	s0 =	simm.s32 @p2 $0x1  }
0x17: {  	s4 =	simm.s32 $0x1BF5;
	[smem:$0x3FB5] =	sst s0  }
0x18: {  	s0 =	sld [smem:$0x3F98];
	_ =	swait.ge [sflag:s4], $0x0  }
0x19: {  	s7 =	sld [smem:$0x3F99]  }
0x1a: {  	s8 =	sadd.s32 $0xFFFFE003, lr  }
0x1b: {  	s9 =	sadd.s32 $0xFFFFFEF7, lr;
	s5 =	simm.s32 $0xFFFFFFFF;
	p2 =	slt.u32 s8, $0xFFFFF086  }
0x1c: {  	p1 =	slt.u32 s9, $0xF7A;
	s5 =	simm.s32 @!p2 $0x0  }
0x1d: {  	s5 =	simm.s32 @p1 $0x1;
	p0 =	seq.s32 s7, s2  }
0x1e: {  	s7 =	smul.u32 @!p0 $0xF7A, s2;
	p2 =	seq.s32 @!p0 s5, $0x0  }
0x1f: {  	s9 =	smul.u32 $0xF7A, s1;
	s8 =	simm.s32 @!p0 $0x1BF5;
	p2 =	por !p2, p0  }
0x20: {  	[sflag:s8] =	ssyncset.s32 @!p0 $0xFFFFF086;
	s6 =	sadd.s32 @!p0 s3, s7;
	s7 =	simm.s32 @!p0 $0x108  }
0x21: {  	s3 =	sadd.s32 s3, s9;
	s6 =	sadd.s32 @!p0 $0x88, s6;
	s7 =	simm.s32 @p2 $0x1082  }
0x22: {  	[simem:s7], [sflag:s8] =	dma.local @!p0 [hbm:s6], $0xF7A  }
0x23: {  	s9 =	sor.u32 $0xD0000000, s2;
	s6 =	simm.s32 $0x108;
	_ =	swait.ge @!p0 [sflag:s8], $0x0  }
0x24: {  	s3 =	sadd.s32 $0x88, s3;
	s6 =	simm.s32 @!p1 $0x1082;
	[sflag:s4] =	ssyncset.s32 $0xFFFFF086  }
0x25: {  	[simem:s6], [sflag:s4] =	dma.local [hbm:s3], $0xF7A  }
0x26: {  	[smem:$0x3F99] =	sst s1;
	(tag) =	ssettag s2;
	_ =	strace s9  }
0x27: {  	s1 =	sld [smem:$0x3FA9]  }
0x28: {  	s2 =	sld [smem:$0x3FAA]  }
0x29: {  	s4 =	sld [smem:$0x3FAC]  }
0x2a: {  	p0 =	seq.s32 s5, $0x0;
	s5 =	sld [smem:$0x3FAD]  }
0x2b: {  	s6 =	sld [smem:$0x3FAE]  }
0x2c: {  	s7 =	sld [smem:$0x3FAF]  }
0x2d: {  	s3 =	simm.s32 $0x108;
	s8 =	sld [smem:$0x3FB0]  }
0x2e: {  	s3 =	simm.s32 @!p0 $0x1082;
	s9 =	sld [smem:$0x3FB1]  }
0x2f: {  	lr =	sadd.s32 s0, s3;
	s0 =	sld [smem:$0x3FA8]  }
0x30: {  	s3 =	sld [smem:$0x3FAB]  }
0x31: {  	[smem:$0x3FB4] =	sst s10  }
0x32: {  	s10 =	sld [smem:$0x3FB2];
	_ =	sdelay $0x3  }
0x33: {  	p0 =	seq.s32 s10, $0x1;
	s10 =	sld [smem:$0x3FB4];
	_ =	sdelay $0x3  }
0x34: {  	[smem:$0x3FB4] =	sst s10  }
0x35: {  	s10 =	sld [smem:$0x3FB3];
	_ =	sdelay $0x3  }
0x36: {  	p1 =	seq.s32 s10, $0x1;
	s10 =	sld [smem:$0x3FB4];
	_ =	sdelay $0x3  }
0x37: {  	[smem:$0x3FB4] =	sst s10  }
0x38: {  	s10 =	sld [smem:$0x3FB5]  }
0x39: {  	_ = 	snop;
	(pc) =	sbr.ind lr, $3  }
0x3a: {  	_ = 	snop  }
0x3b: {  	_ = 	snop  }
0x3c: {  	p2 =	seq.s32 s10, $0x1;
	s10 =	sld [smem:$0x3FB4]  }
0x3d: {  	_ =	shalt  }
0x3e: {  	_ =	shalt  }
0x3f: {  	_ =	shalt  }
0x40: {  	_ =	shalt  }
0x41: {  	_ =	shalt  }
0x42: {  	_ =	shalt  }
0x43: {  	_ =	shalt  }
0x44: {  	_ =	shalt  }
0x45: {  	_ =	shalt  }
0x46: {  	_ =	shalt  }
0x47: {  	_ =	shalt  }
0x48: {  	_ =	shalt  }
0x49: {  	_ =	shalt  }
0x4a: {  	_ =	shalt  }
0x4b: {  	_ =	shalt  }
0x4c: {  	_ =	shalt  }
0x4d: {  	_ =	shalt  }
0x4e: {  	_ =	shalt  }
0x4f: {  	_ =	shalt  }
0x50: {  	_ =	shalt  }
0x51: {  	_ =	shalt  }
0x52: {  	_ =	shalt  }
0x53: {  	_ =	shalt  }
0x54: {  	_ =	shalt  }
0x55: {  	_ =	shalt  }
0x56: {  	_ =	shalt  }
0x57: {  	_ =	shalt  }
0x58: {  	_ =	shalt  }
0x59: {  	_ =	shalt  }
0x5a: {  	_ =	shalt  }
0x5b: {  	_ =	shalt  }
0x5c: {  	_ =	shalt  }
0x5d: {  	_ =	shalt  }
0x5e: {  	_ =	shalt  }
0x5f: {  	_ =	shalt  }
0x60: {  	_ =	shalt  }
0x61: {  	_ =	shalt  }
0x62: {  	_ =	shalt  }
0x63: {  	_ =	shalt  }
0x64: {  	_ =	shalt  }
0x65: {  	_ =	shalt  }
0x66: {  	_ =	shalt  }
0x67: {  	_ =	shalt  }
0x68: {  	_ =	shalt  }
0x69: {  	_ =	shalt  }
0x6a: {  	_ =	shalt  }
0x6b: {  	_ =	shalt  }
0x6c: {  	_ =	shalt  }
0x6d: {  	_ =	shalt  }
0x6e: {  	_ =	shalt  }
0x6f: {  	_ =	shalt  }
0x70: {  	_ =	shalt  }
0x71: {  	_ =	shalt  }
0x72: {  	_ =	shalt  }
0x73: {  	_ =	shalt  }
0x74: {  	_ =	shalt  }
0x75: {  	_ =	shalt  }
0x76: {  	_ =	shalt  }
0x77: {  	_ =	shalt  }
0x78: {  	_ =	shalt  }
0x79: {  	_ =	shalt  }
0x7a: {  	_ =	shalt  }
0x7b: {  	_ =	shalt  }
0x7c: {  	_ =	shalt  }
0x7d: {  	_ =	shalt  }
0x7e: {  	_ =	shalt  }
0x7f: {  	_ =	shalt  }
0x80: {  	_ =	shalt  }
0x81: {  	_ =	shalt  }
0x82: {  	_ =	shalt  }
0x83: {  	_ =	shalt  }
0x84: {  	_ =	shalt  }
0x85: {  	_ =	shalt  }
0x86: {  	_ =	shalt  }
0x87: {  	_ =	shalt  }
.Lfunc_end0:
.L_simem_size_0:
called_computation.1_lowered:
.L_overlay_start_0:
0x88: {  	s2 =	sld [smem:$0x3FD9]  }
0x89: {  	s3 =	sld [smem:$0x3FFE];
	_ =	sdelay $0x1  }
0x8a: {  	s1 =	srdreg.scid  }
0x8b: {  	s0 =	sand.u32 $0x1, s1  }
0x8c: {  	s17 =	sshll.u32 s0, $0xA;
	s2 =	sadd.s32 s3, s2  }
0x8d: {  	s2 =	sadd.s32 s2, s17  }
0x8e: {  	[smem:$0x3FC0] =	sst s2  }
0x8f: {  	_ = 	snop  }
0x90: {  	s2 =	sld [smem:$0x3FD0];
	(tm) =	ssettm $0x1  }
0x91: {  	s18 =	sld [smem:$0x3FFB];
	_ =	sdelay $0x3  }
0x92: {  	_ =	strace s18  }
0x93: {  	s3 =	sld [smem:$0x3FFC];
	_ =	sdelay $0x3  }
0x94: {  	_ =	strace s3  }
0x95: {  	s3 =	sld [smem:$0x3FFD];
	_ =	sdelay $0x3  }
0x96: {  	_ =	strace s3  }
0x97: {  	_ =	strace $0x8FFFFFFF  }
0x98: {  	s19 =	sld [smem:$0x3FDB];
	_ =	sdelay $0x1  }
0x99: {  	s4 =	simm.s32 $_scs_section_size  }
0x9a: {  	s5 =	simm.s32 $_size__tile_overlayer_lowered;
	s6 =	simm.s32 $_tile_overlayer_lowered  }
0x9b: {  	s22 =	simm.s32 $0x1BFF;
	s21 =	sshll.u32 s6, $0x1;
	s3 =	sadd.s32 s4, s19  }
0x9c: {  	s7 =	simm.s32 $0x0;
	s20 =	sshll.u32 s5, $0x1;
	s5 =	sadd.s32 s21, s3  }
0x9d: {  	[timem:s7], [sflag:s22] =	dma.local [hbm:s5], s20  }
0x9e: {  	_ =	swait.ge [sflag:s22], s20  }
0x9f: {  	s4 =	ssub.s32 $0x0, s20;
	[sflag:s22] =	ssyncset.done $0x0  }
0xa0: {  	[sflag:s22] =	ssyncadd.s32 s4;
	_ =	sdelay $0x1  }
0xa1: {  	s23 =	simm.s32 $0x1B8B  }
0xa2: {  	_ =	swait.ge [sflag:s23], $0x1  }
0xa3: {  	[sflag:s23] =	ssyncset.done $0x0  }
0xa4: {  	s25 =	simm.s32 $0x1B8E;
	s24 =	sld [smem:$0x3FFE];
	[sflag:s23] =	ssyncadd.s32 $0xFFFFFFFF  }
0xa5: {  	s26 =	simm.s32 $execute0_lowered;
	[smem:$0x3FD2] =	sst s25  }
0xa6: {  	s5 =	sshll.u32 s26, $0x1;
	_ =	strace $0x80000049;
	[dreg:$0x1] =	wrdreg $0xFFFFFFFF  }
0xa7: {  	s28 =	simm.s32 $_size_execute0_lowered;
	s3 =	sadd.s32 s3, s5;
	[dreg:$0x0] =	wrdreg $0x0  }
0xa8: {  	s5 =	sshll.u32 s28, $0x1;
	[dreg:$0x2] =	wrdreg s3  }
0xa9: {  	[dreg:$0x3] =	wrdreg s5  }
0xaa: {  	[dreg:$0x4] =	wrdreg $0xC0  }
0xab: {  	_ =	task [dreg:s7], $0x5FFFF  }
0xac: {  	[dreg:$0x1] =	wrdreg $0xFFFFFFFF  }
0xad: {  	[dreg:$0x0] =	wrdreg $0x60  }
0xae: {  	[dreg:$0x2] =	wrdreg s2  }
0xaf: {  	[dreg:$0x3] =	wrdreg s24  }
0xb0: {  	[dreg:$0x4] =	wrdreg $0xAC000  }
0xb1: {  	[dreg:$0x5] =	wrdreg $0x9  }
0xb2: {  	_ =	task.clear_ibuf [dreg:s7], $0x6FFFF;
	_ =	strace $0x90000049  }
0xb3: {  	s29 =	simm.s32 $0x9;
	_ =	strace $0x8000004B  }
0xb4: {  	_ =	swait.ge [sflag:s29], $0x1  }
0xb5: {  	[sflag:s29] =	ssyncadd.s32 $0xFFFFFFFF  }
0xb6: {  	_ =	strace $0x9000004B  }
0xb7: {  	_ =	sfence  }
0xb8: {  	s30 =	sld [smem:$0x0];
	_ =	sdelay $0x2  }
0xb9: {  	s31 =	sshll.u32 s1, $0xD;
	s1 =	sshrl.u32 s1, $0x2  }
0xba: {  	s3 =	sand.u32 $0x4000, s31;
	s1 =	sadd.s32 s1, s30  }
0xbb: {  	s0 =	sor.u32 s3, s0;
	s1 =	sshll.u32 s1, $0x11  }
0xbc: {  	s0 =	sor.u32 s1, s0  }
0xbd: {  	s0 =	sadd.s32 $0x8F2B, s0  }
0xbe: {  	[sflag:s0] =	ssyncadd.remote.s32 $0x1  }
0xbf: {  	_ =	sfence.sel $0xFFFF  }
0xc0: {  	[dreg:$0x0] =	wrdreg $0xFFFFFFFF;
	(pc) =	sbr.abs _section_cstart, $3  }
0xc1: {  	[dreg:$0x1] =	wrdreg $0xFFFFFFFF  }
0xc2: {  	_ =	task.clear_ibuf [dreg:s7], $0x2FFFF;
	_ =	strace $0x9FFFFFFF  }
0xc3: {  	(tm) =	ssettm $0x7FFFFFFF  }
tec
execute0_lowered:
.L_overlay_start_1:
0x0: {  	(tag) =	ssettag $0x1  }
0x1: {  	s1 =	rddreg [dreg:$0x0]  }
0x2: {  	s0 =	rddreg [dreg:$0x1]  }
0x3: {  	s3 =	rddreg [dreg:$0x2]  }
0x4: {  	s4 =	simm.s32 $0x0;
	s13 =	stileid.u32;
	s2 =	srdreg.scid  }
0x5: {  	s18 =	simm.s32 $0xD;
	s19 =	simm.s32 $0xB;
	s20 =	simm.s32 $0xC  }
0x6: {  	s23 =	simm.s32 $0x32;
	s30 =	simm.s32 $0x180;
	s31 =	simm.s32 $0x7400  }
0x7: {  	[smem:$0x7FF] =	sst s4;
	s7 =	smul.u32 $0x14000, s13;
	s2 =	sand.u32 $0x1, s2  }
0x8: {  	s5 =	sadd.s32 $0x2B800, s0;
	s6 =	sadd.s32 $0x3800, s0;
	s25 =	smul.u32 $0x50000, s13  }
0x9: {  	s28 =	sshll.u32 s13, $0x6;
	_ =	strace $0x8000004A;
	s8 =	smul.u32 $0x140000, s2  }
0xa: {  	s9 =	sshll.u32 s2, $0x4;
	s2 =	ssub.s32 $0x2, s2;
	s10 =	sshrl.u32 s7, $0x3  }
0xb: {  	s9 =	sor.u32 s13, s9;
	s26 =	sshrl.u32 s2, $0x1;
	s11 =	sshrl.u32 s25, $0x2  }
0xc: {  	s10 =	sadd.s32 s10, s0;
	s8 =	sadd.s32 s7, s8;
	s7 =	smul.u32 $0xA000, s9  }
0xd: {  	s2 =	ssub.s32 s2, s26;
	s16 =	sadd.s32 s11, s3;
	s11 =	sor.u32 $0x1C0D, s28  }
.Ltmp0:
0xe: {  	s8 =	sshrl.u32 s8, $0x3;
	s10 =	sadd.s32 $0x53800, s10;
	(pc) =	sbr.rel .LBB2_1-.Ltmp0, $4  }
0xf: {  	s15 =	smax.u32 s2, $0x1;
	s17 =	sshrl.u32 s16, $0x3;
	s12 =	sshrl.u32 s7, $0x3  }
0x10: {  	s2 =	simm.s32 $0x0;
	s0 =	sadd.s32 s8, s0;
	s8 =	sadd.s32 s5, s12  }
0x11: {  	s9 =	sadd.s32 s6, s12;
	s29 =	sor.u32 $0x100, s12;
	s14 =	sadd.s32 $0x7B800, s0  }
0x12: {  	s0 =	simm.s32 $0xA;
	s12 =	sadd.s32 s5, s29;
	s13 =	sadd.s32 s6, s29  }
.LBB2_10:
0x13: {  	_ =	swait.ge [sflag:s0], $0x1900  }
0x14: {  	s2 =	sadd.s32 $0x1, s2;
	[sflag:s0] =	ssyncset.done $0x0  }
0x15: {  	p0 =	sne.s32 s2, s15;
	[sflag:s0] =	ssyncadd.s32 $0xFFFFE700  }
.Ltmp1:
0x16: {  	[bflag:$0x0] =	sbarrier.arrive $0xFFFF;
	(pc) =	sbr.rel @!p0 .LBB2_11-.Ltmp1, $4  }
0x17: {  	[hbm:s14], [sflag:s11] =	dma.local [spmem:s17], $0x2800  }
0x18: {  	_ =	swait.ge [sflag:s18], $0x2800  }
0x19: {  	[sflag:s18] =	ssyncset.done $0x0  }
0x1a: {  	[sflag:s18] =	ssyncadd.s32 $0xFFFFD800  }
.LBB2_1:
0x1b: {  	[tilespmem:s4], [sflag:$0xB] =	stream.linear.gather [hbm4b:s8+s4], $0x500, $0x38;
	[tilespmem:$0x1EC00] =	vst v63  }
0x1c: {  	s16 =	simm.s32 $0x1000  }
0x1d: {  	[tilespmem:s16], [sflag:$0xC] =	stream.linear.gather [hbm4b:s9+s4], $0x500, $0x38;
	[tilespmem:$0x1EC00] =	vst v63  }
0x1e: {  	[spmem:s17], [sflag:s11] =	dma.local [hbm:s10], $0x2800  }
0x1f: {  	_ =	swait.ge [sflag:s18], $0x2800  }
0x20: {  	[sflag:s18] =	ssyncset.done $0x0  }
0x21: {  	[sflag:s18] =	ssyncadd.s32 $0xFFFFD800  }
0x22: {  	[bflag:$0x0] =	sbarrier.arrive $0xFFFF  }
0x23: {  	_ =	swait.ge [sflag:s19], $0x500  }
0x24: {  	[sflag:s19] =	ssyncset.done $0x0  }
0x25: {  	[sflag:s19] =	ssyncadd.s32 $0xFFFFFB00  }
0x26: {  	_ =	swait.ge [sflag:s20], $0x500  }
0x27: {  	[sflag:s20] =	ssyncset.done $0x0  }
0x28: {  	s22 =	simm.s32 $0x800;
	[sflag:s20] =	ssyncadd.s32 $0xFFFFFB00  }
0x29: {  	[tilespmem:s22], [sflag:$0xB] =	stream.linear.gather [hbm4b:s12+s4], $0x500, $0x38;
	[tilespmem:$0x1EC00] =	vst v63  }
0x2a: {  	s24 =	simm.s32 $0x1800  }
0x2b: {  	[tilespmem:s24], [sflag:$0xC] =	stream.linear.gather [hbm4b:s13+s4], $0x500, $0x38;
	[tilespmem:$0x1EC00] =	vst v63  }
0x2c: {  	s25 =	simm.s32 $0x2000  }
0x2d: {  	[tilespmem:s25], [sflag:$0x1] =	stream.indirect.gather [hbm4b:s1+s23], $0x80, s4, s23, $0xb8;
	[tilespmem:$0x1EC00] =	vst v63  }
0x2e: {  	s26 =	simm.s32 $0x80;
	s21 =	simm.s32 $0x3C00  }
0x2f: {  	[tilespmem:s21], [sflag:$0x2] =	stream.indirect.gather [hbm4b:s1+s23], $0x80, s26, s23, $0xb8;
	[tilespmem:$0x1EC00] =	vst v63  }
.Ltmp2:
0x30: {  	_ = 	snop;
	(pc) =	sbr.rel .LBB2_2-.Ltmp2, $4  }
0x31: {  	s28 =	simm.s32 $0x100;
	s29 =	simm.s32 $0x5800  }
0x32: {  	[tilespmem:s29], [sflag:$0x3] =	stream.indirect.gather [hbm4b:s1+s23], $0x80, s28, s23, $0xb8;
	[tilespmem:$0x1EC00] =	vst v63  }
0x33: {  	s16 =	simm.s32 $0x0  }
0x34: {  	[tilespmem:s31], [sflag:$0x4] =	stream.indirect.gather [hbm4b:s1+s23], $0x80, s30, s23, $0xb8;
	[tilespmem:$0x1EC00] =	vst v63  }
.LBB2_3:
0x35: {  	s21 =	simm.s32 $0x4;
	s22 =	simm.s32 $0x4  }
.LBB2_8:
0x36: {  	s24 =	sand.u32 $0xFF, s22  }
0x37: {  	s24 =	smul.u32 $0xCD, s24;
	_ =	sdelay $0x1  }
0x38: {  	s25 =	sshrl.u32 s24, $0xA  }
0x39: {  	s25 =	smul.u32 $0x5, s25;
	_ =	sdelay $0x1  }
0x3a: {  	s28 =	ssub.s32 s22, s25  }
0x3b: {  	s22 =	sand.u32 $0xFF, s28  }
0x3c: {  	s29 =	smul.u32 $0x7000, s22;
	_ =	sdelay $0x1  }
0x3d: {  	s21 =	sshll.u32 s21, $0x7;
	s24 =	sand.u32 $0x800, s24;
	s25 =	sshrl.u32 s29, $0x2  }
0x3e: {  	s21 =	sadd.s32 s21, s24;
	s22 =	sadd.s32 $0x1, s22;
	s25 =	sadd.s32 $0x2000, s25  }
0x3f: {  	[tilespmem:s25], [sflag:s22] =	stream.indirect.gather [hbm4b:s1+s23], $0x80, s21, s23, $0xb8;
	[tilespmem:$0x1EC00] =	vst v63  }
.LBB2_9:
0x40: {  	s16 =	sadd.s32 $0x1, s16  }
0x41: {  	p0 =	sne.s32 s16, $0xC8  }
.Ltmp3:
0x42: {  	_ = 	snop;
	(pc) =	sbr.rel @!p0 .LBB2_10-.Ltmp3, $1  }
0x43: {  	_ =	sdelay $0x3  }
.LBB2_2:
0x44: {  	s24 =	smul.u32 $0xCD, s16;
	_ =	sdelay $0x1  }
0x45: {  	s21 =	sshrl.u32 s24, $0xA  }
0x46: {  	s21 =	sand.u32 $0x3F, s21  }
0x47: {  	s21 =	smul.u32 $0x5, s21  }
0x48: {  	s22 =	sshrl.u32 s24, $0xB  }
0x49: {  	s25 =	ssub.s32 s16, s21;
	s21 =	sand.u32 $0x1F, s22  }
0x4a: {  	s22 =	smul.u32 $0xA, s21  }
0x4b: {  	p0 =	seq.s32 s16, $0x0;
	s25 =	sand.u32 $0xFF, s25  }
0x4c: {  	s24 =	sand.u32 $0x800, s24;
	s26 =	smul.u32 $0x7000, s25;
	s22 =	ssub.s32 s16, s22  }
.Ltmp4:
0x4d: {  	s28 =	sadd.s32 $0x1, s25;
	s29 =	sand.u32 $0xDF, s22;
	(pc) =	sbr.rel @p0 .LBB2_3-.Ltmp4, $4  }
0x4e: {  	s25 =	sadd.s32 $0x6, s25;
	_ =	swait.ge [sflag:s28], $0x1900;
	s29 =	sshll.u32 s29, $0x7  }
0x4f: {  	s26 =	sshrl.u32 s26, $0x2;
	[sflag:s28] =	ssyncset.done $0x0;
	s24 =	sor.u32 s29, s24  }
0x50: {  	s26 =	sadd.s32 $0x2000, s26;
	[sflag:s28] =	ssyncadd.s32 $0xFFFFE700;
	s24 =	sor.u32 $0x1000, s24  }
0x51: {  	[spmem:s3] =	stream.indirect.scatter.add.f32 [tilespmem:s26], [sflag:s25], $0x80, s24, s23, $0xb8;
	[tilespmem:$0x1EC00] =	vst v63  }
0x52: {  	s24 =	sadd.s32 $0xFFFFFFFF, s16  }
0x53: {  	s25 =	sand.u32 $0xFF, s24  }
0x54: {  	s25 =	smul.u32 $0xCD, s25;
	_ =	sdelay $0x1  }
0x55: {  	s22 =	sand.u32 $0xFF, s22;
	s25 =	sshrl.u32 s25, $0xA  }
0x56: {  	p0 =	sne.s32 s22, $0x0;
	s25 =	smul.u32 $0x5, s25  }
0x57: {  	p1 =	sgt.u32 @!p0 s16, $0xBD  }
0x58: {  	p0 =	por p0, p1;
	s24 =	ssub.s32 s24, s25  }
.Ltmp5:
0x59: {  	s24 =	sand.u32 $0xFF, s24;
	(pc) =	sbr.rel @p0 .LBB2_6-.Ltmp5, $4  }
0x5a: {  	s24 =	sadd.s32 $0x6, s24  }
0x5b: {  	_ =	swait.ge [sflag:s24], $0x1900  }
0x5c: {  	[sflag:s24] =	ssyncset.done $0x0  }
0x5d: {  	[sflag:s24] =	ssyncadd.s32 $0xFFFFE700  }
0x5e: {  	s21 =	sshll.u32 s21, $0xB  }
0x5f: {  	s21 =	sadd.s32 $0x800, s21  }
0x60: {  	s22 =	sadd.s32 s7, s21  }
0x61: {  	s22 =	sshrl.u32 s22, $0x3  }
0x62: {  	s21 =	sand.u32 $0x800, s21;
	s24 =	sadd.s32 s5, s22  }
0x63: {  	[tilespmem:s21], [sflag:$0xB] =	stream.linear.gather [hbm4b:s24+s4], $0x500, $0x38;
	[tilespmem:$0x1EC00] =	vst v63  }
0x64: {  	s22 =	sadd.s32 s6, s22;
	s21 =	sor.u32 $0x1000, s21  }
0x65: {  	[tilespmem:s21], [sflag:$0xC] =	stream.linear.gather [hbm4b:s22+s4], $0x500, $0x38;
	[tilespmem:$0x1EC00] =	vst v63  }
.LBB2_7:
0x66: {  	s22 =	sadd.s32 $0x4, s16  }
0x67: {  	s21 =	sand.u32 $0xFF, s22  }
0x68: {  	s21 =	smul.u32 $0xCD, s21;
	_ =	sdelay $0x1  }
0x69: {  	s21 =	sshrl.u32 s21, $0xB  }
0x6a: {  	s21 =	smul.u32 $0xA, s21;
	_ =	sdelay $0x1  }
0x6b: {  	s21 =	ssub.s32 s22, s21  }
0x6c: {  	s21 =	sand.u32 $0xFF, s21  }
0x6d: {  	p0 =	sne.s32 s21, $0x0  }
0x6e: {  	s24 =	simm.s32 @!p0 $0xB  }
0x6f: {  	_ =	swait.ge @!p0 [sflag:s24], $0x500  }
.Ltmp6:
0x70: {  	[sflag:s24] =	ssyncset.done @!p0 $0x0;
	(pc) =	sbr.rel .LBB2_8-.Ltmp6, $4  }
0x71: {  	[sflag:s24] =	ssyncadd.s32 @!p0 $0xFFFFFB00;
	s24 =	simm.s32 @!p0 $0xC  }
0x72: {  	_ =	swait.ge @!p0 [sflag:s24], $0x500  }
0x73: {  	[sflag:s24] =	ssyncset.done @!p0 $0x0  }
0x74: {  	s21 =	simm.s32 @!p0 $0x0;
	[sflag:s24] =	ssyncadd.s32 @!p0 $0xFFFFFB00  }
.LBB2_6:
0x75: {  	p0 =	sgt.u32 s16, $0xC3  }
.Ltmp7:
0x76: {  	_ = 	snop;
	(pc) =	sbr.rel @p0 .LBB2_9-.Ltmp7, $4  }
.Ltmp8:
0x77: {  	_ = 	snop;
	(pc) =	sbr.rel @!p0 .LBB2_7-.Ltmp8, $4  }
0x78: {  	_ = 	snop  }
0x79: {  	_ = 	snop  }
0x7a: {  	_ = 	snop  }
0x7b: {  	_ = 	snop  }
.LBB2_11:
0x7c: {  	_ =	sfence.sel $0x180000  }
0x7d: {  	[bflag:$0x0] =	sbarrier.arrive $0xFFFF  }
0x7e: {  	_ =	strace $0x9000004A  }
0x7f: {  	s0 =	stileid.u32;
	[bflag:$0x2] =	sbarrier.arrive $0xFFFF  }
0x80: {  	p0 =	sne.s32 s0, $0x0;
	s0 =	rddreg [dreg:$0x3]  }
0x81: {  	s0 =	sadd.s32 @!p0 $0x100000, s0  }
0x82: {  	[sflag:s0] =	ssyncadd.tile.s32 @!p0 $0x1;
	_ =	shalt  }
.Lfunc_end2:
_tile_overlayer_lowered:
.L_overlay_start_2:
0x83: {  	(tag) =	ssettag $0x2  }
0x84: {  	s0 =	rddreg [dreg:$0x0];
	s2 =	stileid.u32  }
0x85: {  	s1 =	rddreg [dreg:$0x1];
	p0 =	sne.s32 s2, $0x0  }
0x86: {  	s3 =	rddreg [dreg:$0x2];
	[bflag:$0x3] =	sbarrier.arrive $0xFFFF;
	s2 =	simm.s32 @!p0 $0x1C0D  }
0x87: {  	[timem:s3], [sflag:s2] =	dma.local @!p0 [hbm:s0], s1  }
0x88: {  	s0 =	simm.s32 @!p0 $0xD  }
0x89: {  	_ =	swait.ge @!p0 [sflag:s0], s1  }
0x8a: {  	s1 =	ssub.s32 @!p0 $0x0, s1;
	[sflag:s0] =	ssyncset.done @!p0 $0x0  }
0x8b: {  	[sflag:s0] =	ssyncadd.s32 @!p0 s1  }
0x8c: {  	[bflag:$0x3] =	sbarrier.arrive $0xFFFF  }
0x8d: {  	_ =	shalt  }

// kernel: kernel.16.cloned.1.call-start
scs
__scs_entry_jumppad:
0x0: {  	(pc) =	sbr.rel $0x88, $3  }
0x1: {  	(tag) =	ssettag $0x0;
	lr =	simm.s32 $0x1  }
0x2: {  	[smem:$0x3F99] =	sst lr;
	_ =	strace $0xD0000000  }
0x3: {  	_ = 	snop  }
0x4: {  	_ = 	snop  }
0x5: {  	_ = 	snop  }
0x6: {  	_ = 	snop  }
0x7: {  	_ = 	snop  }
__scs_overlays_trampoline_lowered:
0x8: {  	[smem:$0x3FA8] =	sst s0  }
0x9: {  	[smem:$0x3FA9] =	sst s1  }
0xa: {  	[smem:$0x3FAA] =	sst s2  }
0xb: {  	[smem:$0x3FAB] =	sst s3  }
0xc: {  	[smem:$0x3FAC] =	sst s4  }
0xd: {  	[smem:$0x3FAD] =	sst s5  }
0xe: {  	[smem:$0x3FAE] =	sst s6  }
0xf: {  	[smem:$0x3FAF] =	sst s7  }
0x10: {  	[smem:$0x3FB0] =	sst s8  }
0x11: {  	[smem:$0x3FB1] =	sst s9;
	s0 =	simm.s32 @!p0 $0x0  }
0x12: {  	s1 =	sld [smem:$0x3F97];
	s0 =	simm.s32 @p0 $0x1  }
0x13: {  	[smem:$0x3FB2] =	sst s0;
	s0 =	simm.s32 @!p1 $0x0  }
0x14: {  	s2 =	sld [smem:$0x3F96];
	s0 =	simm.s32 @p1 $0x1  }
0x15: {  	[smem:$0x3FB3] =	sst s0;
	s0 =	simm.s32 @!p2 $0x0  }
0x16: {  	s3 =	sld [smem:$0x3FDB];
	s0 =	simm.s32 @p2 $0x1  }
0x17: {  	s4 =	simm.s32 $0x1BF5;
	[smem:$0x3FB5] =	sst s0  }
0x18: {  	s0 =	sld [smem:$0x3F98];
	_ =	swait.ge [sflag:s4], $0x0  }
0x19: {  	s7 =	sld [smem:$0x3F99]  }
0x1a: {  	s8 =	sadd.s32 $0xFFFFE003, lr  }
0x1b: {  	s9 =	sadd.s32 $0xFFFFFEF7, lr;
	s5 =	simm.s32 $0xFFFFFFFF;
	p2 =	slt.u32 s8, $0xFFFFF086  }
0x1c: {  	p1 =	slt.u32 s9, $0xF7A;
	s5 =	simm.s32 @!p2 $0x0  }
0x1d: {  	s5 =	simm.s32 @p1 $0x1;
	p0 =	seq.s32 s7, s2  }
0x1e: {  	s7 =	smul.u32 @!p0 $0xF7A, s2;
	p2 =	seq.s32 @!p0 s5, $0x0  }
0x1f: {  	s9 =	smul.u32 $0xF7A, s1;
	s8 =	simm.s32 @!p0 $0x1BF5;
	p2 =	por !p2, p0  }
0x20: {  	[sflag:s8] =	ssyncset.s32 @!p0 $0xFFFFF086;
	s6 =	sadd.s32 @!p0 s3, s7;
	s7 =	simm.s32 @!p0 $0x108  }
0x21: {  	s3 =	sadd.s32 s3, s9;
	s6 =	sadd.s32 @!p0 $0x88, s6;
	s7 =	simm.s32 @p2 $0x1082  }
0x22: {  	[simem:s7], [sflag:s8] =	dma.local @!p0 [hbm:s6], $0xF7A  }
0x23: {  	s9 =	sor.u32 $0xD0000000, s2;
	s6 =	simm.s32 $0x108;
	_ =	swait.ge @!p0 [sflag:s8], $0x0  }
0x24: {  	s3 =	sadd.s32 $0x88, s3;
	s6 =	simm.s32 @!p1 $0x1082;
	[sflag:s4] =	ssyncset.s32 $0xFFFFF086  }
0x25: {  	[simem:s6], [sflag:s4] =	dma.local [hbm:s3], $0xF7A  }
0x26: {  	[smem:$0x3F99] =	sst s1;
	(tag) =	ssettag s2;
	_ =	strace s9  }
0x27: {  	s1 =	sld [smem:$0x3FA9]  }
0x28: {  	s2 =	sld [smem:$0x3FAA]  }
0x29: {  	s4 =	sld [smem:$0x3FAC]  }
0x2a: {  	p0 =	seq.s32 s5, $0x0;
	s5 =	sld [smem:$0x3FAD]  }
0x2b: {  	s6 =	sld [smem:$0x3FAE]  }
0x2c: {  	s7 =	sld [smem:$0x3FAF]  }
0x2d: {  	s3 =	simm.s32 $0x108;
	s8 =	sld [smem:$0x3FB0]  }
0x2e: {  	s3 =	simm.s32 @!p0 $0x1082;
	s9 =	sld [smem:$0x3FB1]  }
0x2f: {  	lr =	sadd.s32 s0, s3;
	s0 =	sld [smem:$0x3FA8]  }
0x30: {  	s3 =	sld [smem:$0x3FAB]  }
0x31: {  	[smem:$0x3FB4] =	sst s10  }
0x32: {  	s10 =	sld [smem:$0x3FB2];
	_ =	sdelay $0x3  }
0x33: {  	p0 =	seq.s32 s10, $0x1;
	s10 =	sld [smem:$0x3FB4];
	_ =	sdelay $0x3  }
0x34: {  	[smem:$0x3FB4] =	sst s10  }
0x35: {  	s10 =	sld [smem:$0x3FB3];
	_ =	sdelay $0x3  }
0x36: {  	p1 =	seq.s32 s10, $0x1;
	s10 =	sld [smem:$0x3FB4];
	_ =	sdelay $0x3  }
0x37: {  	[smem:$0x3FB4] =	sst s10  }
0x38: {  	s10 =	sld [smem:$0x3FB5]  }
0x39: {  	_ = 	snop;
	(pc) =	sbr.ind lr, $3  }
0x3a: {  	_ = 	snop  }
0x3b: {  	_ = 	snop  }
0x3c: {  	p2 =	seq.s32 s10, $0x1;
	s10 =	sld [smem:$0x3FB4]  }
0x3d: {  	_ =	shalt  }
0x3e: {  	_ =	shalt  }
0x3f: {  	_ =	shalt  }
0x40: {  	_ =	shalt  }
0x41: {  	_ =	shalt  }
0x42: {  	_ =	shalt  }
0x43: {  	_ =	shalt  }
0x44: {  	_ =	shalt  }
0x45: {  	_ =	shalt  }
0x46: {  	_ =	shalt  }
0x47: {  	_ =	shalt  }
0x48: {  	_ =	shalt  }
0x49: {  	_ =	shalt  }
0x4a: {  	_ =	shalt  }
0x4b: {  	_ =	shalt  }
0x4c: {  	_ =	shalt  }
0x4d: {  	_ =	shalt  }
0x4e: {  	_ =	shalt  }
0x4f: {  	_ =	shalt  }
0x50: {  	_ =	shalt  }
0x51: {  	_ =	shalt  }
0x52: {  	_ =	shalt  }
0x53: {  	_ =	shalt  }
0x54: {  	_ =	shalt  }
0x55: {  	_ =	shalt  }
0x56: {  	_ =	shalt  }
0x57: {  	_ =	shalt  }
0x58: {  	_ =	shalt  }
0x59: {  	_ =	shalt  }
0x5a: {  	_ =	shalt  }
0x5b: {  	_ =	shalt  }
0x5c: {  	_ =	shalt  }
0x5d: {  	_ =	shalt  }
0x5e: {  	_ =	shalt  }
0x5f: {  	_ =	shalt  }
0x60: {  	_ =	shalt  }
0x61: {  	_ =	shalt  }
0x62: {  	_ =	shalt  }
0x63: {  	_ =	shalt  }
0x64: {  	_ =	shalt  }
0x65: {  	_ =	shalt  }
0x66: {  	_ =	shalt  }
0x67: {  	_ =	shalt  }
0x68: {  	_ =	shalt  }
0x69: {  	_ =	shalt  }
0x6a: {  	_ =	shalt  }
0x6b: {  	_ =	shalt  }
0x6c: {  	_ =	shalt  }
0x6d: {  	_ =	shalt  }
0x6e: {  	_ =	shalt  }
0x6f: {  	_ =	shalt  }
0x70: {  	_ =	shalt  }
0x71: {  	_ =	shalt  }
0x72: {  	_ =	shalt  }
0x73: {  	_ =	shalt  }
0x74: {  	_ =	shalt  }
0x75: {  	_ =	shalt  }
0x76: {  	_ =	shalt  }
0x77: {  	_ =	shalt  }
0x78: {  	_ =	shalt  }
0x79: {  	_ =	shalt  }
0x7a: {  	_ =	shalt  }
0x7b: {  	_ =	shalt  }
0x7c: {  	_ =	shalt  }
0x7d: {  	_ =	shalt  }
0x7e: {  	_ =	shalt  }
0x7f: {  	_ =	shalt  }
0x80: {  	_ =	shalt  }
0x81: {  	_ =	shalt  }
0x82: {  	_ =	shalt  }
0x83: {  	_ =	shalt  }
0x84: {  	_ =	shalt  }
0x85: {  	_ =	shalt  }
0x86: {  	_ =	shalt  }
0x87: {  	_ =	shalt  }
.Lfunc_end0:
.L_simem_size_0:
called_computation.2_lowered:
.L_overlay_start_0:
0x88: {  	s2 =	sld [smem:$0x3FD9]  }
0x89: {  	s3 =	sld [smem:$0x3FFE];
	_ =	sdelay $0x1  }
0x8a: {  	s1 =	srdreg.scid  }
0x8b: {  	s0 =	sand.u32 $0x1, s1  }
0x8c: {  	s17 =	sshll.u32 s0, $0xA;
	s2 =	sadd.s32 s3, s2  }
0x8d: {  	s2 =	sadd.s32 s2, s17  }
0x8e: {  	[smem:$0x3FC0] =	sst s2  }
0x8f: {  	_ = 	snop  }
0x90: {  	s2 =	sld [smem:$0x3FD0];
	(tm) =	ssettm $0x1  }
0x91: {  	s18 =	sld [smem:$0x3FFB];
	_ =	sdelay $0x3  }
0x92: {  	_ =	strace s18  }
0x93: {  	s3 =	sld [smem:$0x3FFC];
	_ =	sdelay $0x3  }
0x94: {  	_ =	strace s3  }
0x95: {  	s3 =	sld [smem:$0x3FFD];
	_ =	sdelay $0x3  }
0x96: {  	_ =	strace s3  }
0x97: {  	_ =	strace $0x8FFFFFFF  }
0x98: {  	s19 =	sld [smem:$0x3FDB];
	_ =	sdelay $0x1  }
0x99: {  	s4 =	simm.s32 $_scs_section_size  }
0x9a: {  	s5 =	simm.s32 $_size__tile_overlayer_lowered;
	s6 =	simm.s32 $_tile_overlayer_lowered  }
0x9b: {  	s22 =	simm.s32 $0x1BFF;
	s21 =	sshll.u32 s6, $0x1;
	s3 =	sadd.s32 s4, s19  }
0x9c: {  	s7 =	simm.s32 $0x0;
	s20 =	sshll.u32 s5, $0x1;
	s5 =	sadd.s32 s21, s3  }
0x9d: {  	[timem:s7], [sflag:s22] =	dma.local [hbm:s5], s20  }
0x9e: {  	_ =	swait.ge [sflag:s22], s20  }
0x9f: {  	s4 =	ssub.s32 $0x0, s20;
	[sflag:s22] =	ssyncset.done $0x0  }
0xa0: {  	[sflag:s22] =	ssyncadd.s32 s4;
	_ =	sdelay $0x1  }
0xa1: {  	s23 =	simm.s32 $0x1B8B  }
0xa2: {  	_ =	swait.ge [sflag:s23], $0x1  }
0xa3: {  	[sflag:s23] =	ssyncset.done $0x0  }
0xa4: {  	s25 =	simm.s32 $0x1B8E;
	s24 =	sld [smem:$0x3FFE];
	[sflag:s23] =	ssyncadd.s32 $0xFFFFFFFF  }
0xa5: {  	s26 =	simm.s32 $execute0_lowered;
	[smem:$0x3FD2] =	sst s25  }
0xa6: {  	s5 =	sshll.u32 s26, $0x1;
	_ =	strace $0x8000004C;
	[dreg:$0x1] =	wrdreg $0xFFFFFFFF  }
0xa7: {  	s28 =	simm.s32 $_size_execute0_lowered;
	s3 =	sadd.s32 s3, s5;
	[dreg:$0x0] =	wrdreg $0x0  }
0xa8: {  	s5 =	sshll.u32 s28, $0x1;
	[dreg:$0x2] =	wrdreg s3  }
0xa9: {  	[dreg:$0x3] =	wrdreg s5  }
0xaa: {  	[dreg:$0x4] =	wrdreg $0xC0  }
0xab: {  	_ =	task [dreg:s7], $0x5FFFF  }
0xac: {  	[dreg:$0x1] =	wrdreg $0xFFFFFFFF  }
0xad: {  	[dreg:$0x0] =	wrdreg $0x60  }
0xae: {  	[dreg:$0x2] =	wrdreg s2  }
0xaf: {  	[dreg:$0x3] =	wrdreg s24  }
0xb0: {  	[dreg:$0x4] =	wrdreg $0xAC000  }
0xb1: {  	[dreg:$0x5] =	wrdreg $0x9  }
0xb2: {  	_ =	task.clear_ibuf [dreg:s7], $0x6FFFF;
	_ =	strace $0x9000004C  }
0xb3: {  	s29 =	simm.s32 $0x9;
	_ =	strace $0x8000004E  }
0xb4: {  	_ =	swait.ge [sflag:s29], $0x1  }
0xb5: {  	[sflag:s29] =	ssyncadd.s32 $0xFFFFFFFF  }
0xb6: {  	_ =	strace $0x9000004E  }
0xb7: {  	_ =	sfence  }
0xb8: {  	s30 =	sld [smem:$0x0];
	_ =	sdelay $0x2  }
0xb9: {  	s31 =	sshll.u32 s1, $0xD;
	s1 =	sshrl.u32 s1, $0x2  }
0xba: {  	s3 =	sand.u32 $0x4000, s31;
	s1 =	sadd.s32 s1, s30  }
0xbb: {  	s0 =	sor.u32 s3, s0;
	s1 =	sshll.u32 s1, $0x11  }
0xbc: {  	s0 =	sor.u32 s1, s0  }
0xbd: {  	s0 =	sadd.s32 $0x8F2B, s0  }
0xbe: {  	[sflag:s0] =	ssyncadd.remote.s32 $0x1  }
0xbf: {  	_ =	sfence.sel $0xFFFF  }
0xc0: {  	[dreg:$0x0] =	wrdreg $0xFFFFFFFF;
	(pc) =	sbr.abs _section_cstart, $3  }
0xc1: {  	[dreg:$0x1] =	wrdreg $0xFFFFFFFF  }
0xc2: {  	_ =	task.clear_ibuf [dreg:s7], $0x2FFFF;
	_ =	strace $0x9FFFFFFF  }
0xc3: {  	(tm) =	ssettm $0x7FFFFFFF  }
tec
execute0_lowered:
.L_overlay_start_1:
0x0: {  	(tag) =	ssettag $0x1  }
0x1: {  	s1 =	rddreg [dreg:$0x0]  }
0x2: {  	s0 =	rddreg [dreg:$0x1]  }
0x3: {  	s3 =	rddreg [dreg:$0x2]  }
0x4: {  	s4 =	simm.s32 $0x0;
	s13 =	stileid.u32;
	s2 =	srdreg.scid  }
0x5: {  	s18 =	simm.s32 $0xD;
	s19 =	simm.s32 $0xB;
	s20 =	simm.s32 $0xC  }
0x6: {  	s23 =	simm.s32 $0x32;
	s30 =	simm.s32 $0x180;
	s31 =	simm.s32 $0x7400  }
0x7: {  	[smem:$0x7FF] =	sst s4;
	s7 =	smul.u32 $0x14000, s13;
	s2 =	sand.u32 $0x1, s2  }
0x8: {  	s5 =	sadd.s32 $0x2B800, s0;
	s6 =	sadd.s32 $0x3800, s0;
	s25 =	smul.u32 $0x50000, s13  }
0x9: {  	s28 =	sshll.u32 s13, $0x6;
	_ =	strace $0x8000004D;
	s8 =	smul.u32 $0x140000, s2  }
0xa: {  	s9 =	sshll.u32 s2, $0x4;
	s2 =	ssub.s32 $0x2, s2;
	s10 =	sshrl.u32 s7, $0x3  }
0xb: {  	s9 =	sor.u32 s13, s9;
	s26 =	sshrl.u32 s2, $0x1;
	s11 =	sshrl.u32 s25, $0x2  }
0xc: {  	s10 =	sadd.s32 s10, s0;
	s8 =	sadd.s32 s7, s8;
	s7 =	smul.u32 $0xA000, s9  }
0xd: {  	s2 =	ssub.s32 s2, s26;
	s16 =	sadd.s32 s11, s3;
	s11 =	sor.u32 $0x1C0D, s28  }
.Ltmp0:
0xe: {  	s8 =	sshrl.u32 s8, $0x3;
	s10 =	sadd.s32 $0x53800, s10;
	(pc) =	sbr.rel .LBB2_1-.Ltmp0, $4  }
0xf: {  	s15 =	smax.u32 s2, $0x1;
	s17 =	sshrl.u32 s16, $0x3;
	s12 =	sshrl.u32 s7, $0x3  }
0x10: {  	s2 =	simm.s32 $0x0;
	s0 =	sadd.s32 s8, s0;
	s8 =	sadd.s32 s5, s12  }
0x11: {  	s9 =	sadd.s32 s6, s12;
	s29 =	sor.u32 $0x100, s12;
	s14 =	sadd.s32 $0x7B800, s0  }
0x12: {  	s0 =	simm.s32 $0xA;
	s12 =	sadd.s32 s5, s29;
	s13 =	sadd.s32 s6, s29  }
.LBB2_10:
0x13: {  	_ =	swait.ge [sflag:s0], $0x1900  }
0x14: {  	s2 =	sadd.s32 $0x1, s2;
	[sflag:s0] =	ssyncset.done $0x0  }
0x15: {  	p0 =	sne.s32 s2, s15;
	[sflag:s0] =	ssyncadd.s32 $0xFFFFE700  }
.Ltmp1:
0x16: {  	[bflag:$0x0] =	sbarrier.arrive $0xFFFF;
	(pc) =	sbr.rel @!p0 .LBB2_11-.Ltmp1, $4  }
0x17: {  	[hbm:s14], [sflag:s11] =	dma.local [spmem:s17], $0x2800  }
0x18: {  	_ =	swait.ge [sflag:s18], $0x2800  }
0x19: {  	[sflag:s18] =	ssyncset.done $0x0  }
0x1a: {  	[sflag:s18] =	ssyncadd.s32 $0xFFFFD800  }
.LBB2_1:
0x1b: {  	[tilespmem:s4], [sflag:$0xB] =	stream.linear.gather [hbm4b:s8+s4], $0x500, $0x38;
	[tilespmem:$0x1EC00] =	vst v63  }
0x1c: {  	s16 =	simm.s32 $0x1000  }
0x1d: {  	[tilespmem:s16], [sflag:$0xC] =	stream.linear.gather [hbm4b:s9+s4], $0x500, $0x38;
	[tilespmem:$0x1EC00] =	vst v63  }
0x1e: {  	[spmem:s17], [sflag:s11] =	dma.local [hbm:s10], $0x2800  }
0x1f: {  	_ =	swait.ge [sflag:s18], $0x2800  }
0x20: {  	[sflag:s18] =	ssyncset.done $0x0  }
0x21: {  	[sflag:s18] =	ssyncadd.s32 $0xFFFFD800  }
0x22: {  	[bflag:$0x0] =	sbarrier.arrive $0xFFFF  }
0x23: {  	_ =	swait.ge [sflag:s19], $0x500  }
0x24: {  	[sflag:s19] =	ssyncset.done $0x0  }
0x25: {  	[sflag:s19] =	ssyncadd.s32 $0xFFFFFB00  }
0x26: {  	_ =	swait.ge [sflag:s20], $0x500  }
0x27: {  	[sflag:s20] =	ssyncset.done $0x0  }
0x28: {  	s22 =	simm.s32 $0x800;
	[sflag:s20] =	ssyncadd.s32 $0xFFFFFB00  }
0x29: {  	[tilespmem:s22], [sflag:$0xB] =	stream.linear.gather [hbm4b:s12+s4], $0x500, $0x38;
	[tilespmem:$0x1EC00] =	vst v63  }
0x2a: {  	s24 =	simm.s32 $0x1800  }
0x2b: {  	[tilespmem:s24], [sflag:$0xC] =	stream.linear.gather [hbm4b:s13+s4], $0x500, $0x38;
	[tilespmem:$0x1EC00] =	vst v63  }
0x2c: {  	s25 =	simm.s32 $0x2000  }
0x2d: {  	[tilespmem:s25], [sflag:$0x1] =	stream.indirect.gather [hbm4b:s1+s23], $0x80, s4, s23, $0xb8;
	[tilespmem:$0x1EC00] =	vst v63  }
0x2e: {  	s26 =	simm.s32 $0x80;
	s21 =	simm.s32 $0x3C00  }
0x2f: {  	[tilespmem:s21], [sflag:$0x2] =	stream.indirect.gather [hbm4b:s1+s23], $0x80, s26, s23, $0xb8;
	[tilespmem:$0x1EC00] =	vst v63  }
.Ltmp2:
0x30: {  	_ = 	snop;
	(pc) =	sbr.rel .LBB2_2-.Ltmp2, $4  }
0x31: {  	s28 =	simm.s32 $0x100;
	s29 =	simm.s32 $0x5800  }
0x32: {  	[tilespmem:s29], [sflag:$0x3] =	stream.indirect.gather [hbm4b:s1+s23], $0x80, s28, s23, $0xb8;
	[tilespmem:$0x1EC00] =	vst v63  }
0x33: {  	s16 =	simm.s32 $0x0  }
0x34: {  	[tilespmem:s31], [sflag:$0x4] =	stream.indirect.gather [hbm4b:s1+s23], $0x80, s30, s23, $0xb8;
	[tilespmem:$0x1EC00] =	vst v63  }
.LBB2_3:
0x35: {  	s21 =	simm.s32 $0x4;
	s22 =	simm.s32 $0x4  }
.LBB2_8:
0x36: {  	s24 =	sand.u32 $0xFF, s22  }
0x37: {  	s24 =	smul.u32 $0xCD, s24;
	_ =	sdelay $0x1  }
0x38: {  	s25 =	sshrl.u32 s24, $0xA  }
0x39: {  	s25 =	smul.u32 $0x5, s25;
	_ =	sdelay $0x1  }
0x3a: {  	s28 =	ssub.s32 s22, s25  }
0x3b: {  	s22 =	sand.u32 $0xFF, s28  }
0x3c: {  	s29 =	smul.u32 $0x7000, s22;
	_ =	sdelay $0x1  }
0x3d: {  	s21 =	sshll.u32 s21, $0x7;
	s24 =	sand.u32 $0x800, s24;
	s25 =	sshrl.u32 s29, $0x2  }
0x3e: {  	s21 =	sadd.s32 s21, s24;
	s22 =	sadd.s32 $0x1, s22;
	s25 =	sadd.s32 $0x2000, s25  }
0x3f: {  	[tilespmem:s25], [sflag:s22] =	stream.indirect.gather [hbm4b:s1+s23], $0x80, s21, s23, $0xb8;
	[tilespmem:$0x1EC00] =	vst v63  }
.LBB2_9:
0x40: {  	s16 =	sadd.s32 $0x1, s16  }
0x41: {  	p0 =	sne.s32 s16, $0xC8  }
.Ltmp3:
0x42: {  	_ = 	snop;
	(pc) =	sbr.rel @!p0 .LBB2_10-.Ltmp3, $1  }
0x43: {  	_ =	sdelay $0x3  }
.LBB2_2:
0x44: {  	s24 =	smul.u32 $0xCD, s16;
	_ =	sdelay $0x1  }
0x45: {  	s21 =	sshrl.u32 s24, $0xA  }
0x46: {  	s21 =	sand.u32 $0x3F, s21  }
0x47: {  	s21 =	smul.u32 $0x5, s21  }
0x48: {  	s22 =	sshrl.u32 s24, $0xB  }
0x49: {  	s25 =	ssub.s32 s16, s21;
	s21 =	sand.u32 $0x1F, s22  }
0x4a: {  	s22 =	smul.u32 $0xA, s21  }
0x4b: {  	p0 =	seq.s32 s16, $0x0;
	s25 =	sand.u32 $0xFF, s25  }
0x4c: {  	s24 =	sand.u32 $0x800, s24;
	s26 =	smul.u32 $0x7000, s25;
	s22 =	ssub.s32 s16, s22  }
.Ltmp4:
0x4d: {  	s28 =	sadd.s32 $0x1, s25;
	s29 =	sand.u32 $0xDF, s22;
	(pc) =	sbr.rel @p0 .LBB2_3-.Ltmp4, $4  }
0x4e: {  	s25 =	sadd.s32 $0x6, s25;
	_ =	swait.ge [sflag:s28], $0x1900;
	s29 =	sshll.u32 s29, $0x7  }
0x4f: {  	s26 =	sshrl.u32 s26, $0x2;
	[sflag:s28] =	ssyncset.done $0x0;
	s24 =	sor.u32 s29, s24  }
0x50: {  	s26 =	sadd.s32 $0x2000, s26;
	[sflag:s28] =	ssyncadd.s32 $0xFFFFE700;
	s24 =	sor.u32 $0x1000, s24  }
0x51: {  	[spmem:s3] =	stream.indirect.scatter.add.f32 [tilespmem:s26], [sflag:s25], $0x80, s24, s23, $0xb8;
	[tilespmem:$0x1EC00] =	vst v63  }
0x52: {  	s24 =	sadd.s32 $0xFFFFFFFF, s16  }
0x53: {  	s25 =	sand.u32 $0xFF, s24  }
0x54: {  	s25 =	smul.u32 $0xCD, s25;
	_ =	sdelay $0x1  }
0x55: {  	s22 =	sand.u32 $0xFF, s22;
	s25 =	sshrl.u32 s25, $0xA  }
0x56: {  	p0 =	sne.s32 s22, $0x0;
	s25 =	smul.u32 $0x5, s25  }
0x57: {  	p1 =	sgt.u32 @!p0 s16, $0xBD  }
0x58: {  	p0 =	por p0, p1;
	s24 =	ssub.s32 s24, s25  }
.Ltmp5:
0x59: {  	s24 =	sand.u32 $0xFF, s24;
	(pc) =	sbr.rel @p0 .LBB2_6-.Ltmp5, $4  }
0x5a: {  	s24 =	sadd.s32 $0x6, s24  }
0x5b: {  	_ =	swait.ge [sflag:s24], $0x1900  }
0x5c: {  	[sflag:s24] =	ssyncset.done $0x0  }
0x5d: {  	[sflag:s24] =	ssyncadd.s32 $0xFFFFE700  }
0x5e: {  	s21 =	sshll.u32 s21, $0xB  }
0x5f: {  	s21 =	sadd.s32 $0x800, s21  }
0x60: {  	s22 =	sadd.s32 s7, s21  }
0x61: {  	s22 =	sshrl.u32 s22, $0x3  }
0x62: {  	s21 =	sand.u32 $0x800, s21;
	s24 =	sadd.s32 s5, s22  }
0x63: {  	[tilespmem:s21], [sflag:$0xB] =	stream.linear.gather [hbm4b:s24+s4], $0x500, $0x38;
	[tilespmem:$0x1EC00] =	vst v63  }
0x64: {  	s22 =	sadd.s32 s6, s22;
	s21 =	sor.u32 $0x1000, s21  }
0x65: {  	[tilespmem:s21], [sflag:$0xC] =	stream.linear.gather [hbm4b:s22+s4], $0x500, $0x38;
	[tilespmem:$0x1EC00] =	vst v63  }
.LBB2_7:
0x66: {  	s22 =	sadd.s32 $0x4, s16  }
0x67: {  	s21 =	sand.u32 $0xFF, s22  }
0x68: {  	s21 =	smul.u32 $0xCD, s21;
	_ =	sdelay $0x1  }
0x69: {  	s21 =	sshrl.u32 s21, $0xB  }
0x6a: {  	s21 =	smul.u32 $0xA, s21;
	_ =	sdelay $0x1  }
0x6b: {  	s21 =	ssub.s32 s22, s21  }
0x6c: {  	s21 =	sand.u32 $0xFF, s21  }
0x6d: {  	p0 =	sne.s32 s21, $0x0  }
0x6e: {  	s24 =	simm.s32 @!p0 $0xB  }
0x6f: {  	_ =	swait.ge @!p0 [sflag:s24], $0x500  }
.Ltmp6:
0x70: {  	[sflag:s24] =	ssyncset.done @!p0 $0x0;
	(pc) =	sbr.rel .LBB2_8-.Ltmp6, $4  }
0x71: {  	[sflag:s24] =	ssyncadd.s32 @!p0 $0xFFFFFB00;
	s24 =	simm.s32 @!p0 $0xC  }
0x72: {  	_ =	swait.ge @!p0 [sflag:s24], $0x500  }
0x73: {  	[sflag:s24] =	ssyncset.done @!p0 $0x0  }
0x74: {  	s21 =	simm.s32 @!p0 $0x0;
	[sflag:s24] =	ssyncadd.s32 @!p0 $0xFFFFFB00  }
.LBB2_6:
0x75: {  	p0 =	sgt.u32 s16, $0xC3  }
.Ltmp7:
0x76: {  	_ = 	snop;
	(pc) =	sbr.rel @p0 .LBB2_9-.Ltmp7, $4  }
.Ltmp8:
0x77: {  	_ = 	snop;
	(pc) =	sbr.rel @!p0 .LBB2_7-.Ltmp8, $4  }
0x78: {  	_ = 	snop  }
0x79: {  	_ = 	snop  }
0x7a: {  	_ = 	snop  }
0x7b: {  	_ = 	snop  }
.LBB2_11:
0x7c: {  	_ =	sfence.sel $0x180000  }
0x7d: {  	[bflag:$0x0] =	sbarrier.arrive $0xFFFF  }
0x7e: {  	_ =	strace $0x9000004D  }
0x7f: {  	s0 =	stileid.u32;
	[bflag:$0x2] =	sbarrier.arrive $0xFFFF  }
0x80: {  	p0 =	sne.s32 s0, $0x0;
	s0 =	rddreg [dreg:$0x3]  }
0x81: {  	s0 =	sadd.s32 @!p0 $0x100000, s0  }
0x82: {  	[sflag:s0] =	ssyncadd.tile.s32 @!p0 $0x1;
	_ =	shalt  }
.Lfunc_end2:
_tile_overlayer_lowered:
.L_overlay_start_2:
0x83: {  	(tag) =	ssettag $0x2  }
0x84: {  	s0 =	rddreg [dreg:$0x0];
	s2 =	stileid.u32  }
0x85: {  	s1 =	rddreg [dreg:$0x1];
	p0 =	sne.s32 s2, $0x0  }
0x86: {  	s3 =	rddreg [dreg:$0x2];
	[bflag:$0x3] =	sbarrier.arrive $0xFFFF;
	s2 =	simm.s32 @!p0 $0x1C0D  }
0x87: {  	[timem:s3], [sflag:s2] =	dma.local @!p0 [hbm:s0], s1  }
0x88: {  	s0 =	simm.s32 @!p0 $0xD  }
0x89: {  	_ =	swait.ge @!p0 [sflag:s0], s1  }
0x8a: {  	s1 =	ssub.s32 @!p0 $0x0, s1;
	[sflag:s0] =	ssyncset.done @!p0 $0x0  }
0x8b: {  	[sflag:s0] =	ssyncadd.s32 @!p0 s1  }
0x8c: {  	[bflag:$0x3] =	sbarrier.arrive $0xFFFF  }
0x8d: {  	_ =	shalt  }

// kernel: kernel.19.cloned.1.call-start
scs
__scs_entry_jumppad:
0x0: {  	(pc) =	sbr.rel $0x88, $3  }
0x1: {  	(tag) =	ssettag $0x0;
	lr =	simm.s32 $0x1  }
0x2: {  	[smem:$0x3F99] =	sst lr;
	_ =	strace $0xD0000000  }
0x3: {  	_ = 	snop  }
0x4: {  	_ = 	snop  }
0x5: {  	_ = 	snop  }
0x6: {  	_ = 	snop  }
0x7: {  	_ = 	snop  }
__scs_overlays_trampoline_lowered:
0x8: {  	[smem:$0x3FA8] =	sst s0  }
0x9: {  	[smem:$0x3FA9] =	sst s1  }
0xa: {  	[smem:$0x3FAA] =	sst s2  }
0xb: {  	[smem:$0x3FAB] =	sst s3  }
0xc: {  	[smem:$0x3FAC] =	sst s4  }
0xd: {  	[smem:$0x3FAD] =	sst s5  }
0xe: {  	[smem:$0x3FAE] =	sst s6  }
0xf: {  	[smem:$0x3FAF] =	sst s7  }
0x10: {  	[smem:$0x3FB0] =	sst s8  }
0x11: {  	[smem:$0x3FB1] =	sst s9;
	s0 =	simm.s32 @!p0 $0x0  }
0x12: {  	s1 =	sld [smem:$0x3F97];
	s0 =	simm.s32 @p0 $0x1  }
0x13: {  	[smem:$0x3FB2] =	sst s0;
	s0 =	simm.s32 @!p1 $0x0  }
0x14: {  	s2 =	sld [smem:$0x3F96];
	s0 =	simm.s32 @p1 $0x1  }
0x15: {  	[smem:$0x3FB3] =	sst s0;
	s0 =	simm.s32 @!p2 $0x0  }
0x16: {  	s3 =	sld [smem:$0x3FDB];
	s0 =	simm.s32 @p2 $0x1  }
0x17: {  	s4 =	simm.s32 $0x1BF5;
	[smem:$0x3FB5] =	sst s0  }
0x18: {  	s0 =	sld [smem:$0x3F98];
	_ =	swait.ge [sflag:s4], $0x0  }
0x19: {  	s7 =	sld [smem:$0x3F99]  }
0x1a: {  	s8 =	sadd.s32 $0xFFFFE003, lr  }
0x1b: {  	s9 =	sadd.s32 $0xFFFFFEF7, lr;
	s5 =	simm.s32 $0xFFFFFFFF;
	p2 =	slt.u32 s8, $0xFFFFF086  }
0x1c: {  	p1 =	slt.u32 s9, $0xF7A;
	s5 =	simm.s32 @!p2 $0x0  }
0x1d: {  	s5 =	simm.s32 @p1 $0x1;
	p0 =	seq.s32 s7, s2  }
0x1e: {  	s7 =	smul.u32 @!p0 $0xF7A, s2;
	p2 =	seq.s32 @!p0 s5, $0x0  }
0x1f: {  	s9 =	smul.u32 $0xF7A, s1;
	s8 =	simm.s32 @!p0 $0x1BF5;
	p2 =	por !p2, p0  }
0x20: {  	[sflag:s8] =	ssyncset.s32 @!p0 $0xFFFFF086;
	s6 =	sadd.s32 @!p0 s3, s7;
	s7 =	simm.s32 @!p0 $0x108  }
0x21: {  	s3 =	sadd.s32 s3, s9;
	s6 =	sadd.s32 @!p0 $0x88, s6;
	s7 =	simm.s32 @p2 $0x1082  }
0x22: {  	[simem:s7], [sflag:s8] =	dma.local @!p0 [hbm:s6], $0xF7A  }
0x23: {  	s9 =	sor.u32 $0xD0000000, s2;
	s6 =	simm.s32 $0x108;
	_ =	swait.ge @!p0 [sflag:s8], $0x0  }
0x24: {  	s3 =	sadd.s32 $0x88, s3;
	s6 =	simm.s32 @!p1 $0x1082;
	[sflag:s4] =	ssyncset.s32 $0xFFFFF086  }
0x25: {  	[simem:s6], [sflag:s4] =	dma.local [hbm:s3], $0xF7A  }
0x26: {  	[smem:$0x3F99] =	sst s1;
	(tag) =	ssettag s2;
	_ =	strace s9  }
0x27: {  	s1 =	sld [smem:$0x3FA9]  }
0x28: {  	s2 =	sld [smem:$0x3FAA]  }
0x29: {  	s4 =	sld [smem:$0x3FAC]  }
0x2a: {  	p0 =	seq.s32 s5, $0x0;
	s5 =	sld [smem:$0x3FAD]  }
0x2b: {  	s6 =	sld [smem:$0x3FAE]  }
0x2c: {  	s7 =	sld [smem:$0x3FAF]  }
0x2d: {  	s3 =	simm.s32 $0x108;
	s8 =	sld [smem:$0x3FB0]  }
0x2e: {  	s3 =	simm.s32 @!p0 $0x1082;
	s9 =	sld [smem:$0x3FB1]  }
0x2f: {  	lr =	sadd.s32 s0, s3;
	s0 =	sld [smem:$0x3FA8]  }
0x30: {  	s3 =	sld [smem:$0x3FAB]  }
0x31: {  	[smem:$0x3FB4] =	sst s10  }
0x32: {  	s10 =	sld [smem:$0x3FB2];
	_ =	sdelay $0x3  }
0x33: {  	p0 =	seq.s32 s10, $0x1;
	s10 =	sld [smem:$0x3FB4];
	_ =	sdelay $0x3  }
0x34: {  	[smem:$0x3FB4] =	sst s10  }
0x35: {  	s10 =	sld [smem:$0x3FB3];
	_ =	sdelay $0x3  }
0x36: {  	p1 =	seq.s32 s10, $0x1;
	s10 =	sld [smem:$0x3FB4];
	_ =	sdelay $0x3  }
0x37: {  	[smem:$0x3FB4] =	sst s10  }
0x38: {  	s10 =	sld [smem:$0x3FB5]  }
0x39: {  	_ = 	snop;
	(pc) =	sbr.ind lr, $3  }
0x3a: {  	_ = 	snop  }
0x3b: {  	_ = 	snop  }
0x3c: {  	p2 =	seq.s32 s10, $0x1;
	s10 =	sld [smem:$0x3FB4]  }
0x3d: {  	_ =	shalt  }
0x3e: {  	_ =	shalt  }
0x3f: {  	_ =	shalt  }
0x40: {  	_ =	shalt  }
0x41: {  	_ =	shalt  }
0x42: {  	_ =	shalt  }
0x43: {  	_ =	shalt  }
0x44: {  	_ =	shalt  }
0x45: {  	_ =	shalt  }
0x46: {  	_ =	shalt  }
0x47: {  	_ =	shalt  }
0x48: {  	_ =	shalt  }
0x49: {  	_ =	shalt  }
0x4a: {  	_ =	shalt  }
0x4b: {  	_ =	shalt  }
0x4c: {  	_ =	shalt  }
0x4d: {  	_ =	shalt  }
0x4e: {  	_ =	shalt  }
0x4f: {  	_ =	shalt  }
0x50: {  	_ =	shalt  }
0x51: {  	_ =	shalt  }
0x52: {  	_ =	shalt  }
0x53: {  	_ =	shalt  }
0x54: {  	_ =	shalt  }
0x55: {  	_ =	shalt  }
0x56: {  	_ =	shalt  }
0x57: {  	_ =	shalt  }
0x58: {  	_ =	shalt  }
0x59: {  	_ =	shalt  }
0x5a: {  	_ =	shalt  }
0x5b: {  	_ =	shalt  }
0x5c: {  	_ =	shalt  }
0x5d: {  	_ =	shalt  }
0x5e: {  	_ =	shalt  }
0x5f: {  	_ =	shalt  }
0x60: {  	_ =	shalt  }
0x61: {  	_ =	shalt  }
0x62: {  	_ =	shalt  }
0x63: {  	_ =	shalt  }
0x64: {  	_ =	shalt  }
0x65: {  	_ =	shalt  }
0x66: {  	_ =	shalt  }
0x67: {  	_ =	shalt  }
0x68: {  	_ =	shalt  }
0x69: {  	_ =	shalt  }
0x6a: {  	_ =	shalt  }
0x6b: {  	_ =	shalt  }
0x6c: {  	_ =	shalt  }
0x6d: {  	_ =	shalt  }
0x6e: {  	_ =	shalt  }
0x6f: {  	_ =	shalt  }
0x70: {  	_ =	shalt  }
0x71: {  	_ =	shalt  }
0x72: {  	_ =	shalt  }
0x73: {  	_ =	shalt  }
0x74: {  	_ =	shalt  }
0x75: {  	_ =	shalt  }
0x76: {  	_ =	shalt  }
0x77: {  	_ =	shalt  }
0x78: {  	_ =	shalt  }
0x79: {  	_ =	shalt  }
0x7a: {  	_ =	shalt  }
0x7b: {  	_ =	shalt  }
0x7c: {  	_ =	shalt  }
0x7d: {  	_ =	shalt  }
0x7e: {  	_ =	shalt  }
0x7f: {  	_ =	shalt  }
0x80: {  	_ =	shalt  }
0x81: {  	_ =	shalt  }
0x82: {  	_ =	shalt  }
0x83: {  	_ =	shalt  }
0x84: {  	_ =	shalt  }
0x85: {  	_ =	shalt  }
0x86: {  	_ =	shalt  }
0x87: {  	_ =	shalt  }
.Lfunc_end0:
.L_simem_size_0:
called_computation.3_lowered:
.L_overlay_start_0:
0x88: {  	s2 =	sld [smem:$0x3FD9]  }
0x89: {  	s3 =	sld [smem:$0x3FFE];
	_ =	sdelay $0x1  }
0x8a: {  	s1 =	srdreg.scid  }
0x8b: {  	s0 =	sand.u32 $0x1, s1  }
0x8c: {  	s17 =	sshll.u32 s0, $0xA;
	s2 =	sadd.s32 s3, s2  }
0x8d: {  	s2 =	sadd.s32 s2, s17  }
0x8e: {  	[smem:$0x3FC0] =	sst s2  }
0x8f: {  	_ = 	snop  }
0x90: {  	s2 =	sld [smem:$0x3FD0];
	(tm) =	ssettm $0x1  }
0x91: {  	s18 =	sld [smem:$0x3FFB];
	_ =	sdelay $0x3  }
0x92: {  	_ =	strace s18  }
0x93: {  	s3 =	sld [smem:$0x3FFC];
	_ =	sdelay $0x3  }
0x94: {  	_ =	strace s3  }
0x95: {  	s3 =	sld [smem:$0x3FFD];
	_ =	sdelay $0x3  }
0x96: {  	_ =	strace s3  }
0x97: {  	_ =	strace $0x8FFFFFFF  }
0x98: {  	s19 =	sld [smem:$0x3FDB];
	_ =	sdelay $0x1  }
0x99: {  	s4 =	simm.s32 $_scs_section_size  }
0x9a: {  	s5 =	simm.s32 $_size__tile_overlayer_lowered;
	s6 =	simm.s32 $_tile_overlayer_lowered  }
0x9b: {  	s22 =	simm.s32 $0x1BFF;
	s21 =	sshll.u32 s6, $0x1;
	s3 =	sadd.s32 s4, s19  }
0x9c: {  	s7 =	simm.s32 $0x0;
	s20 =	sshll.u32 s5, $0x1;
	s5 =	sadd.s32 s21, s3  }
0x9d: {  	[timem:s7], [sflag:s22] =	dma.local [hbm:s5], s20  }
0x9e: {  	_ =	swait.ge [sflag:s22], s20  }
0x9f: {  	s4 =	ssub.s32 $0x0, s20;
	[sflag:s22] =	ssyncset.done $0x0  }
0xa0: {  	[sflag:s22] =	ssyncadd.s32 s4;
	_ =	sdelay $0x1  }
0xa1: {  	s23 =	simm.s32 $0x1B8B  }
0xa2: {  	_ =	swait.ge [sflag:s23], $0x1  }
0xa3: {  	[sflag:s23] =	ssyncset.done $0x0  }
0xa4: {  	s25 =	simm.s32 $0x1B8E;
	s24 =	sld [smem:$0x3FFE];
	[sflag:s23] =	ssyncadd.s32 $0xFFFFFFFF  }
0xa5: {  	s26 =	simm.s32 $execute0_lowered;
	[smem:$0x3FD2] =	sst s25  }
0xa6: {  	s5 =	sshll.u32 s26, $0x1;
	_ =	strace $0x8000004F;
	[dreg:$0x1] =	wrdreg $0xFFFFFFFF  }
0xa7: {  	s28 =	simm.s32 $_size_execute0_lowered;
	s3 =	sadd.s32 s3, s5;
	[dreg:$0x0] =	wrdreg $0x0  }
0xa8: {  	s5 =	sshll.u32 s28, $0x1;
	[dreg:$0x2] =	wrdreg s3  }
0xa9: {  	[dreg:$0x3] =	wrdreg s5  }
0xaa: {  	[dreg:$0x4] =	wrdreg $0xC0  }
0xab: {  	_ =	task [dreg:s7], $0x5FFFF  }
0xac: {  	[dreg:$0x1] =	wrdreg $0xFFFFFFFF  }
0xad: {  	[dreg:$0x0] =	wrdreg $0x60  }
0xae: {  	[dreg:$0x2] =	wrdreg s2  }
0xaf: {  	[dreg:$0x3] =	wrdreg s24  }
0xb0: {  	[dreg:$0x4] =	wrdreg $0xAC000  }
0xb1: {  	[dreg:$0x5] =	wrdreg $0x9  }
0xb2: {  	_ =	task.clear_ibuf [dreg:s7], $0x6FFFF;
	_ =	strace $0x9000004F  }
0xb3: {  	s29 =	simm.s32 $0x9;
	_ =	strace $0x80000051  }
0xb4: {  	_ =	swait.ge [sflag:s29], $0x1  }
0xb5: {  	[sflag:s29] =	ssyncadd.s32 $0xFFFFFFFF  }
0xb6: {  	_ =	strace $0x90000051  }
0xb7: {  	_ =	sfence  }
0xb8: {  	s30 =	sld [smem:$0x0];
	_ =	sdelay $0x2  }
0xb9: {  	s31 =	sshll.u32 s1, $0xD;
	s1 =	sshrl.u32 s1, $0x2  }
0xba: {  	s3 =	sand.u32 $0x4000, s31;
	s1 =	sadd.s32 s1, s30  }
0xbb: {  	s0 =	sor.u32 s3, s0;
	s1 =	sshll.u32 s1, $0x11  }
0xbc: {  	s0 =	sor.u32 s1, s0  }
0xbd: {  	s0 =	sadd.s32 $0x8F2B, s0  }
0xbe: {  	[sflag:s0] =	ssyncadd.remote.s32 $0x1  }
0xbf: {  	_ =	sfence.sel $0xFFFF  }
0xc0: {  	[dreg:$0x0] =	wrdreg $0xFFFFFFFF;
	(pc) =	sbr.abs _section_cstart, $3  }
0xc1: {  	[dreg:$0x1] =	wrdreg $0xFFFFFFFF  }
0xc2: {  	_ =	task.clear_ibuf [dreg:s7], $0x2FFFF;
	_ =	strace $0x9FFFFFFF  }
0xc3: {  	(tm) =	ssettm $0x7FFFFFFF  }
tec
execute0_lowered:
.L_overlay_start_1:
0x0: {  	(tag) =	ssettag $0x1  }
0x1: {  	s1 =	rddreg [dreg:$0x0]  }
0x2: {  	s0 =	rddreg [dreg:$0x1]  }
0x3: {  	s3 =	rddreg [dreg:$0x2]  }
0x4: {  	s4 =	simm.s32 $0x0;
	s13 =	stileid.u32;
	s2 =	srdreg.scid  }
0x5: {  	s18 =	simm.s32 $0xD;
	s19 =	simm.s32 $0xB;
	s20 =	simm.s32 $0xC  }
0x6: {  	s23 =	simm.s32 $0x32;
	s30 =	simm.s32 $0x180;
	s31 =	simm.s32 $0x7400  }
0x7: {  	[smem:$0x7FF] =	sst s4;
	s7 =	smul.u32 $0x14000, s13;
	s2 =	sand.u32 $0x1, s2  }
0x8: {  	s5 =	sadd.s32 $0x2B800, s0;
	s6 =	sadd.s32 $0x3800, s0;
	s25 =	smul.u32 $0x50000, s13  }
0x9: {  	s28 =	sshll.u32 s13, $0x6;
	_ =	strace $0x80000050;
	s8 =	smul.u32 $0x140000, s2  }
0xa: {  	s9 =	sshll.u32 s2, $0x4;
	s2 =	ssub.s32 $0x2, s2;
	s10 =	sshrl.u32 s7, $0x3  }
0xb: {  	s9 =	sor.u32 s13, s9;
	s26 =	sshrl.u32 s2, $0x1;
	s11 =	sshrl.u32 s25, $0x2  }
0xc: {  	s10 =	sadd.s32 s10, s0;
	s8 =	sadd.s32 s7, s8;
	s7 =	smul.u32 $0xA000, s9  }
0xd: {  	s2 =	ssub.s32 s2, s26;
	s16 =	sadd.s32 s11, s3;
	s11 =	sor.u32 $0x1C0D, s28  }
.Ltmp0:
0xe: {  	s8 =	sshrl.u32 s8, $0x3;
	s10 =	sadd.s32 $0x53800, s10;
	(pc) =	sbr.rel .LBB2_1-.Ltmp0, $4  }
0xf: {  	s15 =	smax.u32 s2, $0x1;
	s17 =	sshrl.u32 s16, $0x3;
	s12 =	sshrl.u32 s7, $0x3  }
0x10: {  	s2 =	simm.s32 $0x0;
	s0 =	sadd.s32 s8, s0;
	s8 =	sadd.s32 s5, s12  }
0x11: {  	s9 =	sadd.s32 s6, s12;
	s29 =	sor.u32 $0x100, s12;
	s14 =	sadd.s32 $0x7B800, s0  }
0x12: {  	s0 =	simm.s32 $0xA;
	s12 =	sadd.s32 s5, s29;
	s13 =	sadd.s32 s6, s29  }
.LBB2_10:
0x13: {  	_ =	swait.ge [sflag:s0], $0x1900  }
0x14: {  	s2 =	sadd.s32 $0x1, s2;
	[sflag:s0] =	ssyncset.done $0x0  }
0x15: {  	p0 =	sne.s32 s2, s15;
	[sflag:s0] =	ssyncadd.s32 $0xFFFFE700  }
.Ltmp1:
0x16: {  	[bflag:$0x0] =	sbarrier.arrive $0xFFFF;
	(pc) =	sbr.rel @!p0 .LBB2_11-.Ltmp1, $4  }
0x17: {  	[hbm:s14], [sflag:s11] =	dma.local [spmem:s17], $0x2800  }
0x18: {  	_ =	swait.ge [sflag:s18], $0x2800  }
0x19: {  	[sflag:s18] =	ssyncset.done $0x0  }
0x1a: {  	[sflag:s18] =	ssyncadd.s32 $0xFFFFD800  }
.LBB2_1:
0x1b: {  	[tilespmem:s4], [sflag:$0xB] =	stream.linear.gather [hbm4b:s8+s4], $0x500, $0x38;
	[tilespmem:$0x1EC00] =	vst v63  }
0x1c: {  	s16 =	simm.s32 $0x1000  }
0x1d: {  	[tilespmem:s16], [sflag:$0xC] =	stream.linear.gather [hbm4b:s9+s4], $0x500, $0x38;
	[tilespmem:$0x1EC00] =	vst v63  }
0x1e: {  	[spmem:s17], [sflag:s11] =	dma.local [hbm:s10], $0x2800  }
0x1f: {  	_ =	swait.ge [sflag:s18], $0x2800  }
0x20: {  	[sflag:s18] =	ssyncset.done $0x0  }
0x21: {  	[sflag:s18] =	ssyncadd.s32 $0xFFFFD800  }
0x22: {  	[bflag:$0x0] =	sbarrier.arrive $0xFFFF  }
0x23: {  	_ =	swait.ge [sflag:s19], $0x500  }
0x24: {  	[sflag:s19] =	ssyncset.done $0x0  }
0x25: {  	[sflag:s19] =	ssyncadd.s32 $0xFFFFFB00  }
0x26: {  	_ =	swait.ge [sflag:s20], $0x500  }
0x27: {  	[sflag:s20] =	ssyncset.done $0x0  }
0x28: {  	s22 =	simm.s32 $0x800;
	[sflag:s20] =	ssyncadd.s32 $0xFFFFFB00  }
0x29: {  	[tilespmem:s22], [sflag:$0xB] =	stream.linear.gather [hbm4b:s12+s4], $0x500, $0x38;
	[tilespmem:$0x1EC00] =	vst v63  }
0x2a: {  	s24 =	simm.s32 $0x1800  }
0x2b: {  	[tilespmem:s24], [sflag:$0xC] =	stream.linear.gather [hbm4b:s13+s4], $0x500, $0x38;
	[tilespmem:$0x1EC00] =	vst v63  }
0x2c: {  	s25 =	simm.s32 $0x2000  }
0x2d: {  	[tilespmem:s25], [sflag:$0x1] =	stream.indirect.gather [hbm4b:s1+s23], $0x80, s4, s23, $0xb8;
	[tilespmem:$0x1EC00] =	vst v63  }
0x2e: {  	s26 =	simm.s32 $0x80;
	s21 =	simm.s32 $0x3C00  }
0x2f: {  	[tilespmem:s21], [sflag:$0x2] =	stream.indirect.gather [hbm4b:s1+s23], $0x80, s26, s23, $0xb8;
	[tilespmem:$0x1EC00] =	vst v63  }
.Ltmp2:
0x30: {  	_ = 	snop;
	(pc) =	sbr.rel .LBB2_2-.Ltmp2, $4  }
0x31: {  	s28 =	simm.s32 $0x100;
	s29 =	simm.s32 $0x5800  }
0x32: {  	[tilespmem:s29], [sflag:$0x3] =	stream.indirect.gather [hbm4b:s1+s23], $0x80, s28, s23, $0xb8;
	[tilespmem:$0x1EC00] =	vst v63  }
0x33: {  	s16 =	simm.s32 $0x0  }
0x34: {  	[tilespmem:s31], [sflag:$0x4] =	stream.indirect.gather [hbm4b:s1+s23], $0x80, s30, s23, $0xb8;
	[tilespmem:$0x1EC00] =	vst v63  }
.LBB2_3:
0x35: {  	s21 =	simm.s32 $0x4;
	s22 =	simm.s32 $0x4  }
.LBB2_8:
0x36: {  	s24 =	sand.u32 $0xFF, s22  }
0x37: {  	s24 =	smul.u32 $0xCD, s24;
	_ =	sdelay $0x1  }
0x38: {  	s25 =	sshrl.u32 s24, $0xA  }
0x39: {  	s25 =	smul.u32 $0x5, s25;
	_ =	sdelay $0x1  }
0x3a: {  	s28 =	ssub.s32 s22, s25  }
0x3b: {  	s22 =	sand.u32 $0xFF, s28  }
0x3c: {  	s29 =	smul.u32 $0x7000, s22;
	_ =	sdelay $0x1  }
0x3d: {  	s21 =	sshll.u32 s21, $0x7;
	s24 =	sand.u32 $0x800, s24;
	s25 =	sshrl.u32 s29, $0x2  }
0x3e: {  	s21 =	sadd.s32 s21, s24;
	s22 =	sadd.s32 $0x1, s22;
	s25 =	sadd.s32 $0x2000, s25  }
0x3f: {  	[tilespmem:s25], [sflag:s22] =	stream.indirect.gather [hbm4b:s1+s23], $0x80, s21, s23, $0xb8;
	[tilespmem:$0x1EC00] =	vst v63  }
.LBB2_9:
0x40: {  	s16 =	sadd.s32 $0x1, s16  }
0x41: {  	p0 =	sne.s32 s16, $0xC8  }
.Ltmp3:
0x42: {  	_ = 	snop;
	(pc) =	sbr.rel @!p0 .LBB2_10-.Ltmp3, $1  }
0x43: {  	_ =	sdelay $0x3  }
.LBB2_2:
0x44: {  	s24 =	smul.u32 $0xCD, s16;
	_ =	sdelay $0x1  }
0x45: {  	s21 =	sshrl.u32 s24, $0xA  }
0x46: {  	s21 =	sand.u32 $0x3F, s21  }
0x47: {  	s21 =	smul.u32 $0x5, s21  }
0x48: {  	s22 =	sshrl.u32 s24, $0xB  }
0x49: {  	s25 =	ssub.s32 s16, s21;
	s21 =	sand.u32 $0x1F, s22  }
0x4a: {  	s22 =	smul.u32 $0xA, s21  }
0x4b: {  	p0 =	seq.s32 s16, $0x0;
	s25 =	sand.u32 $0xFF, s25  }
0x4c: {  	s24 =	sand.u32 $0x800, s24;
	s26 =	smul.u32 $0x7000, s25;
	s22 =	ssub.s32 s16, s22  }
.Ltmp4:
0x4d: {  	s28 =	sadd.s32 $0x1, s25;
	s29 =	sand.u32 $0xDF, s22;
	(pc) =	sbr.rel @p0 .LBB2_3-.Ltmp4, $4  }
0x4e: {  	s25 =	sadd.s32 $0x6, s25;
	_ =	swait.ge [sflag:s28], $0x1900;
	s29 =	sshll.u32 s29, $0x7  }
0x4f: {  	s26 =	sshrl.u32 s26, $0x2;
	[sflag:s28] =	ssyncset.done $0x0;
	s24 =	sor.u32 s29, s24  }
0x50: {  	s26 =	sadd.s32 $0x2000, s26;
	[sflag:s28] =	ssyncadd.s32 $0xFFFFE700;
	s24 =	sor.u32 $0x1000, s24  }
0x51: {  	[spmem:s3] =	stream.indirect.scatter.add.f32 [tilespmem:s26], [sflag:s25], $0x80, s24, s23, $0xb8;
	[tilespmem:$0x1EC00] =	vst v63  }
0x52: {  	s24 =	sadd.s32 $0xFFFFFFFF, s16  }
0x53: {  	s25 =	sand.u32 $0xFF, s24  }
0x54: {  	s25 =	smul.u32 $0xCD, s25;
	_ =	sdelay $0x1  }
0x55: {  	s22 =	sand.u32 $0xFF, s22;
	s25 =	sshrl.u32 s25, $0xA  }
0x56: {  	p0 =	sne.s32 s22, $0x0;
	s25 =	smul.u32 $0x5, s25  }
0x57: {  	p1 =	sgt.u32 @!p0 s16, $0xBD  }
0x58: {  	p0 =	por p0, p1;
	s24 =	ssub.s32 s24, s25  }
.Ltmp5:
0x59: {  	s24 =	sand.u32 $0xFF, s24;
	(pc) =	sbr.rel @p0 .LBB2_6-.Ltmp5, $4  }
0x5a: {  	s24 =	sadd.s32 $0x6, s24  }
0x5b: {  	_ =	swait.ge [sflag:s24], $0x1900  }
0x5c: {  	[sflag:s24] =	ssyncset.done $0x0  }
0x5d: {  	[sflag:s24] =	ssyncadd.s32 $0xFFFFE700  }
0x5e: {  	s21 =	sshll.u32 s21, $0xB  }
0x5f: {  	s21 =	sadd.s32 $0x800, s21  }
0x60: {  	s22 =	sadd.s32 s7, s21  }
0x61: {  	s22 =	sshrl.u32 s22, $0x3  }
0x62: {  	s21 =	sand.u32 $0x800, s21;
	s24 =	sadd.s32 s5, s22  }
0x63: {  	[tilespmem:s21], [sflag:$0xB] =	stream.linear.gather [hbm4b:s24+s4], $0x500, $0x38;
	[tilespmem:$0x1EC00] =	vst v63  }
0x64: {  	s22 =	sadd.s32 s6, s22;
	s21 =	sor.u32 $0x1000, s21  }
0x65: {  	[tilespmem:s21], [sflag:$0xC] =	stream.linear.gather [hbm4b:s22+s4], $0x500, $0x38;
	[tilespmem:$0x1EC00] =	vst v63  }
.LBB2_7:
0x66: {  	s22 =	sadd.s32 $0x4, s16  }
0x67: {  	s21 =	sand.u32 $0xFF, s22  }
0x68: {  	s21 =	smul.u32 $0xCD, s21;
	_ =	sdelay $0x1  }
0x69: {  	s21 =	sshrl.u32 s21, $0xB  }
0x6a: {  	s21 =	smul.u32 $0xA, s21;
	_ =	sdelay $0x1  }
0x6b: {  	s21 =	ssub.s32 s22, s21  }
0x6c: {  	s21 =	sand.u32 $0xFF, s21  }
0x6d: {  	p0 =	sne.s32 s21, $0x0  }
0x6e: {  	s24 =	simm.s32 @!p0 $0xB  }
0x6f: {  	_ =	swait.ge @!p0 [sflag:s24], $0x500  }
.Ltmp6:
0x70: {  	[sflag:s24] =	ssyncset.done @!p0 $0x0;
	(pc) =	sbr.rel .LBB2_8-.Ltmp6, $4  }
0x71: {  	[sflag:s24] =	ssyncadd.s32 @!p0 $0xFFFFFB00;
	s24 =	simm.s32 @!p0 $0xC  }
0x72: {  	_ =	swait.ge @!p0 [sflag:s24], $0x500  }
0x73: {  	[sflag:s24] =	ssyncset.done @!p0 $0x0  }
0x74: {  	s21 =	simm.s32 @!p0 $0x0;
	[sflag:s24] =	ssyncadd.s32 @!p0 $0xFFFFFB00  }
.LBB2_6:
0x75: {  	p0 =	sgt.u32 s16, $0xC3  }
.Ltmp7:
0x76: {  	_ = 	snop;
	(pc) =	sbr.rel @p0 .LBB2_9-.Ltmp7, $4  }
.Ltmp8:
0x77: {  	_ = 	snop;
	(pc) =	sbr.rel @!p0 .LBB2_7-.Ltmp8, $4  }
0x78: {  	_ = 	snop  }
0x79: {  	_ = 	snop  }
0x7a: {  	_ = 	snop  }
0x7b: {  	_ = 	snop  }
.LBB2_11:
0x7c: {  	_ =	sfence.sel $0x180000  }
0x7d: {  	[bflag:$0x0] =	sbarrier.arrive $0xFFFF  }
0x7e: {  	_ =	strace $0x90000050  }
0x7f: {  	s0 =	stileid.u32;
	[bflag:$0x2] =	sbarrier.arrive $0xFFFF  }
0x80: {  	p0 =	sne.s32 s0, $0x0;
	s0 =	rddreg [dreg:$0x3]  }
0x81: {  	s0 =	sadd.s32 @!p0 $0x100000, s0  }
0x82: {  	[sflag:s0] =	ssyncadd.tile.s32 @!p0 $0x1;
	_ =	shalt  }
.Lfunc_end2:
_tile_overlayer_lowered:
.L_overlay_start_2:
0x83: {  	(tag) =	ssettag $0x2  }
0x84: {  	s0 =	rddreg [dreg:$0x0];
	s2 =	stileid.u32  }
0x85: {  	s1 =	rddreg [dreg:$0x1];
	p0 =	sne.s32 s2, $0x0  }
0x86: {  	s3 =	rddreg [dreg:$0x2];
	[bflag:$0x3] =	sbarrier.arrive $0xFFFF;
	s2 =	simm.s32 @!p0 $0x1C0D  }
0x87: {  	[timem:s3], [sflag:s2] =	dma.local @!p0 [hbm:s0], s1  }
0x88: {  	s0 =	simm.s32 @!p0 $0xD  }
0x89: {  	_ =	swait.ge @!p0 [sflag:s0], s1  }
0x8a: {  	s1 =	ssub.s32 @!p0 $0x0, s1;
	[sflag:s0] =	ssyncset.done @!p0 $0x0  }
0x8b: {  	[sflag:s0] =	ssyncadd.s32 @!p0 s1  }
0x8c: {  	[bflag:$0x3] =	sbarrier.arrive $0xFFFF  }
0x8d: {  	_ =	shalt  }

</sc_bundles>
